<compile_context>
chip_gen: v7x
topology: tpu7x:2x2x1
jax: 0.10.2.dev20260603
libtpu: 0.0.44.dev20260713+nightly
codegen_flags: <defaults>
</compile_context>

<pallas_src>
import functools
import math

import jax
import jax.numpy as jnp
from jax import lax
from jax.experimental import pallas as pl
from jax.experimental.pallas import tpu as pltpu
from jax.experimental.pallas import tpu_sc as plsc

_L = 16
_NC = 2
_NS = 16


@functools.partial(jax.jit, static_argnames=("h", "w"))
def _pos_embed_sc(row_embed, col_embed, h, w):
    d_model = row_embed.shape[1]
    ib_n, jb_n = 8, 4
    ipw = h // ib_n
    jpw = w // jb_n
    nq = d_model // _L

    mesh = plsc.VectorSubcoreMesh(
        core_axis_name="c", subcore_axis_name="s",
        num_cores=_NC, num_subcores=_NS,
    )

    @functools.partial(
        pl.kernel,
        out_type=jax.ShapeDtypeStruct((h, w, d_model), jnp.float32),
        mesh=mesh,
        scratch_types=[
            pltpu.VMEM((ipw, d_model), jnp.float32),
            pltpu.VMEM((jpw, d_model), jnp.float32),
            pltpu.VMEM((ipw, jpw, d_model), jnp.float32),
            pltpu.SemaphoreType.DMA,
            pltpu.SemaphoreType.DMA,
        ],
        compiler_params=pltpu.CompilerParams(
            needs_layout_passes=False,
            disable_bounds_checks=True,
            disable_semaphore_checks=True,
            skip_device_barrier=True,
        ),
    )
    def body(col_hbm, row_hbm, out_hbm, colv, rowv, outv, sem_in, sem_out):
        wid = lax.axis_index("s") * _NC + lax.axis_index("c")
        ib = wid // jb_n
        jb = wid - ib * jb_n
        i0 = ib * ipw
        j0 = jb * jpw
        cin0 = pltpu.async_copy(col_hbm.at[pl.ds(i0, ipw)], colv, sem_in)
        cin1 = pltpu.async_copy(row_hbm.at[pl.ds(j0, jpw)], rowv, sem_in)
        cin0.wait()
        cin1.wait()

        half = ipw // 4
        outs = []
        for hi in range(4):
            @plsc.parallel_loop(hi * half, hi * half + half, 2)
            def _ig_body(i, hi=hi):
                av0 = [colv[i, pl.ds(q * _L, _L)] for q in range(nq)]
                av1 = [colv[i + 1, pl.ds(q * _L, _L)] for q in range(nq)]

                @plsc.parallel_loop(0, jpw, 1, unroll=2)
                def _j_body(j, i=i, av0=av0, av1=av1):
                    for q in range(nq):
                        bv = rowv[j, pl.ds(q * _L, _L)]
                        outv[i, j, pl.ds(q * _L, _L)] = av0[q] + bv
                        outv[i + 1, j, pl.ds(q * _L, _L)] = av1[q] + bv
            outs.append(pltpu.async_copy(
                outv.at[pl.ds(hi * half, half)],
                out_hbm.at[pl.ds(i0 + hi * half, half), pl.ds(j0, jpw)],
                sem_out))
        for c in outs:
            c.wait()

    return body(col_embed, row_embed)


def kernel(patch, row_embed, col_embed):
    hw = patch.shape[0]
    h = int(math.isqrt(hw))
    w = h
    d_model = row_embed.shape[1]
    pos = _pos_embed_sc(row_embed, col_embed, h, w)
    return jnp.transpose(pos, (2, 0, 1))[None]

# --- scband reference (transcript-rebuilt; emitter-appended) ---
"""Pipeline reference for scband-position-embedding-learned2-d-82884278879199 (READ-ONLY COPY).

The authoritative reference and input builder live on the scoring server;
editing this copy changes nothing except your own understanding.
"""

import jax, jax.numpy as jnp
import numpy as np
import math


def setup_inputs(seed: int = 0) -> dict:
    key = jax.random.key(seed)
    k1, k2, k3 = jax.random.split(key, 3)
    patch = jax.random.normal(k1, (4096, 256), dtype=jnp.float32)
    # learned parameters: nn.Embedding weights, initialized uniform(0,1)
    row_embed = jax.random.uniform(k2, (64, 256), dtype=jnp.float32)
    col_embed = jax.random.uniform(k3, (64, 256), dtype=jnp.float32)
    return {"patch": patch, "row_embed": row_embed, "col_embed": col_embed}


def reference(patch, row_embed, col_embed):
    hw = patch.shape[0]
    h = int(math.isqrt(hw))
    w = h
    i = jnp.arange(h)
    j = jnp.arange(w)
    x_emb = jnp.take(col_embed, i, axis=0)   # (h, D)
    y_emb = jnp.take(row_embed, j, axis=0)   # (w, D)
    # x_emb.unsqueeze(1).repeat(1, w, 1) + y_emb.unsqueeze(0).repeat(h, 1, 1)
    pos = jnp.repeat(x_emb[:, None, :], w, axis=1) + jnp.repeat(y_emb[None, :, :], h, axis=0)  # (h, w, D)
    pos = jnp.transpose(pos, (2, 0, 1))[None, ...]  # (1, D, h, w)
    return pos

if __name__ == "__main__":
    import jax
    _d = setup_inputs()
    print(jax.jit(kernel)(*tuple(_d.values())))

</pallas_src>

<mosaic_0001>
#map = affine_map<(d0, d1) -> (0, 0)>
#map1 = affine_map<(d0, d1) -> (0, 0, 0)>
module attributes {stable_mosaic.version = 14 : i64} {
  func.func @body(%arg0: i32, %arg1: i32, %arg2: memref<64x256xf32, #tpu.memory_space<hbm>>, %arg3: memref<64x256xf32, #tpu.memory_space<hbm>>, %arg4: memref<64x64x256xf32, #tpu.memory_space<hbm>>, %arg5: memref<8x256xf32, #tpu.memory_space<vmem>>, %arg6: memref<16x256xf32, #tpu.memory_space<vmem>>, %arg7: memref<8x16x256xf32, #tpu.memory_space<vmem>>, %arg8: memref<!tpu.dma_semaphore, #tpu.memory_space<semaphore_mem>>, %arg9: memref<!tpu.dma_semaphore, #tpu.memory_space<semaphore_mem>>) attributes {dimension_semantics = [#tpu.dimension_semantics<core_parallel>, #tpu.dimension_semantics<subcore_parallel>], iteration_bounds = array<i64: 2, 16>, scalar_prefetch = 0 : i64, scratch_operands = 5 : i64, tpu.core_type = #tpu.core_type<sc_vector_subcore>, window_params = [{transform_indices = #map}, {transform_indices = #map}, {transform_indices = #map1}]} {
    %mul3A = arith.constant 2 : i32
    %mul3A_0 = arith.muli %arg1, %mul3A : i32
    %add3A = arith.addi %mul3A_0, %arg0 : i32
    %jit3A = arith.constant 4 : i32
    %div3A = arith.divsi %add3A, %jit3A : i32
    %sign3A = arith.constant 0 : i32
    %sign3A_1 = arith.cmpi sgt, %add3A, %sign3A : i32
    %sign3A_2 = arith.extui %sign3A_1 : i1 to i32
    %sign3A_3 = arith.constant 0 : i32
    %sign3A_4 = arith.cmpi slt, %add3A, %sign3A_3 : i32
    %sign3A_5 = arith.extui %sign3A_4 : i1 to i32
    %sign3A_6 = arith.subi %sign3A_2, %sign3A_5 : i32
    %sign3A_7 = arith.constant 0 : i32
    %sign3A_8 = arith.cmpi sgt, %jit3A, %sign3A_7 : i32
    %sign3A_9 = arith.extui %sign3A_8 : i1 to i32
    %sign3A_10 = arith.constant 0 : i32
    %sign3A_11 = arith.cmpi slt, %jit3A, %sign3A_10 : i32
    %sign3A_12 = arith.extui %sign3A_11 : i1 to i32
    %sign3A_13 = arith.subi %sign3A_9, %sign3A_12 : i32
    %ne3A = arith.cmpi ne, %sign3A_6, %sign3A_13 : i32
    %rem3A = arith.remsi %add3A, %jit3A : i32
    %ne3A_14 = arith.constant 0 : i32
    %ne3A_15 = arith.cmpi ne, %rem3A, %ne3A_14 : i32
    %and3A = arith.andi %ne3A, %ne3A_15 : i1
    %sub3A = arith.constant 1 : i32
    %sub3A_16 = arith.subi %div3A, %sub3A : i32
    %select_n3A = arith.select %and3A, %sub3A_16, %div3A : i32
    %mul3A_17 = arith.constant 4 : i32
    %mul3A_18 = arith.muli %select_n3A, %mul3A_17 : i32
    %sub3A_19 = arith.subi %add3A, %mul3A_18 : i32
    %mul3A_20 = arith.constant 8 : i32
    %mul3A_21 = arith.muli %select_n3A, %mul3A_20 : i32
    %mul3A_22 = arith.constant 16 : i32
    %mul3A_23 = arith.muli %sub3A_19, %mul3A_22 : i32
    %dma_start3A = arith.constant 0 : i32
    %dma_start3A_24 = tpu.memref_slice %arg2[%mul3A_21, %dma_start3A] : memref<64x256xf32, #tpu.memory_space<hbm>> -> memref<8x256xf32, #tpu.memory_space<hbm>>
    %dma_start3A_25 = arith.constant 0 : i32
    %dma_start3A_26 = tpu.memref_slice %arg2[%mul3A_21, %dma_start3A_25] : memref<64x256xf32, #tpu.memory_space<hbm>> -> memref<8x256xf32, #tpu.memory_space<hbm>>
    tpu.enqueue_dma source(%dma_start3A_26 : memref<8x256xf32, #tpu.memory_space<hbm>>) target(%arg5 : memref<8x256xf32, #tpu.memory_space<vmem>>) target_semaphore(%arg8 : memref<!tpu.dma_semaphore, #tpu.memory_space<semaphore_mem>>)
    %dma_start3A_27 = arith.constant 0 : i32
    %dma_start3A_28 = tpu.memref_slice %arg3[%mul3A_23, %dma_start3A_27] : memref<64x256xf32, #tpu.memory_space<hbm>> -> memref<16x256xf32, #tpu.memory_space<hbm>>
    %dma_start3A_29 = arith.constant 0 : i32
    %dma_start3A_30 = tpu.memref_slice %arg3[%mul3A_23, %dma_start3A_29] : memref<64x256xf32, #tpu.memory_space<hbm>> -> memref<16x256xf32, #tpu.memory_space<hbm>>
    tpu.enqueue_dma source(%dma_start3A_30 : memref<16x256xf32, #tpu.memory_space<hbm>>) target(%arg6 : memref<16x256xf32, #tpu.memory_space<vmem>>) target_semaphore(%arg8 : memref<!tpu.dma_semaphore, #tpu.memory_space<semaphore_mem>>)
    %dma_wait3A = arith.constant 0 : i32
    %dma_wait3A_31 = tpu.memref_slice %arg2[%mul3A_21, %dma_wait3A] : memref<64x256xf32, #tpu.memory_space<hbm>> -> memref<8x256xf32, #tpu.memory_space<hbm>>
    %dma_wait3A_32 = arith.constant 0 : i32
    %dma_wait3A_33 = tpu.memref_slice %arg2[%mul3A_21, %dma_wait3A_32] : memref<64x256xf32, #tpu.memory_space<hbm>> -> memref<8x256xf32, #tpu.memory_space<hbm>>
    tpu.wait_dma2 semaphore(%arg8 : memref<!tpu.dma_semaphore, #tpu.memory_space<semaphore_mem>>) src(%dma_wait3A_33 : memref<8x256xf32, #tpu.memory_space<hbm>>) dst(%arg5 : memref<8x256xf32, #tpu.memory_space<vmem>>)
    %dma_wait3A_34 = arith.constant 0 : i32
    %dma_wait3A_35 = tpu.memref_slice %arg3[%mul3A_23, %dma_wait3A_34] : memref<64x256xf32, #tpu.memory_space<hbm>> -> memref<16x256xf32, #tpu.memory_space<hbm>>
    %dma_wait3A_36 = arith.constant 0 : i32
    %dma_wait3A_37 = tpu.memref_slice %arg3[%mul3A_23, %dma_wait3A_36] : memref<64x256xf32, #tpu.memory_space<hbm>> -> memref<16x256xf32, #tpu.memory_space<hbm>>
    tpu.wait_dma2 semaphore(%arg8 : memref<!tpu.dma_semaphore, #tpu.memory_space<semaphore_mem>>) src(%dma_wait3A_37 : memref<16x256xf32, #tpu.memory_space<hbm>>) dst(%arg6 : memref<16x256xf32, #tpu.memory_space<vmem>>)
    %parallel_loop3A = arith.constant 0 : i32
    %parallel_loop3A_38 = arith.constant 2 : i32
    %parallel_loop3A_39 = arith.constant 2 : i32
    scf.for %parallel_loop3A_153 = %parallel_loop3A to %parallel_loop3A_38 step %parallel_loop3A_39  : i32 {
      %parallel_loop3A_154 = arith.index_cast %parallel_loop3A_153 : i32 to index
      %parallel_loop3A_155 = arith.constant 0 : index
      %parallel_loop3A_156 = tpu.vector_load %arg5[%parallel_loop3A_154, %parallel_loop3A_155] {strides = array<i32>} : memref<8x256xf32, #tpu.memory_space<vmem>>, vector<16xf32>,
      %parallel_loop3A_157 = arith.index_cast %parallel_loop3A_153 : i32 to index
      %parallel_loop3A_158 = arith.constant 16 : index
      %parallel_loop3A_159 = tpu.vector_load %arg5[%parallel_loop3A_157, %parallel_loop3A_158] {strides = array<i32>} : memref<8x256xf32, #tpu.memory_space<vmem>>, vector<16xf32>,
      %parallel_loop3A_160 = arith.index_cast %parallel_loop3A_153 : i32 to index
      %parallel_loop3A_161 = arith.constant 32 : index
      %parallel_loop3A_162 = tpu.vector_load %arg5[%parallel_loop3A_160, %parallel_loop3A_161] {strides = array<i32>} : memref<8x256xf32, #tpu.memory_space<vmem>>, vector<16xf32>,
      %parallel_loop3A_163 = arith.index_cast %parallel_loop3A_153 : i32 to index
      %parallel_loop3A_164 = arith.constant 48 : index
      %parallel_loop3A_165 = tpu.vector_load %arg5[%parallel_loop3A_163, %parallel_loop3A_164] {strides = array<i32>} : memref<8x256xf32, #tpu.memory_space<vmem>>, vector<16xf32>,
      %parallel_loop3A_166 = arith.index_cast %parallel_loop3A_153 : i32 to index
      %parallel_loop3A_167 = arith.constant 64 : index
      %parallel_loop3A_168 = tpu.vector_load %arg5[%parallel_loop3A_166, %parallel_loop3A_167] {strides = array<i32>} : memref<8x256xf32, #tpu.memory_space<vmem>>, vector<16xf32>,
      %parallel_loop3A_169 = arith.index_cast %parallel_loop3A_153 : i32 to index
      %parallel_loop3A_170 = arith.constant 80 : index
      %parallel_loop3A_171 = tpu.vector_load %arg5[%parallel_loop3A_169, %parallel_loop3A_170] {strides = array<i32>} : memref<8x256xf32, #tpu.memory_space<vmem>>, vector<16xf32>,
      %parallel_loop3A_172 = arith.index_cast %parallel_loop3A_153 : i32 to index
      %parallel_loop3A_173 = arith.constant 96 : index
      %parallel_loop3A_174 = tpu.vector_load %arg5[%parallel_loop3A_172, %parallel_loop3A_173] {strides = array<i32>} : memref<8x256xf32, #tpu.memory_space<vmem>>, vector<16xf32>,
      %parallel_loop3A_175 = arith.index_cast %parallel_loop3A_153 : i32 to index
      %parallel_loop3A_176 = arith.constant 112 : index
      %parallel_loop3A_177 = tpu.vector_load %arg5[%parallel_loop3A_175, %parallel_loop3A_176] {strides = array<i32>} : memref<8x256xf32, #tpu.memory_space<vmem>>, vector<16xf32>,
      %parallel_loop3A_178 = arith.index_cast %parallel_loop3A_153 : i32 to index
      %parallel_loop3A_179 = arith.constant 128 : index
      %parallel_loop3A_180 = tpu.vector_load %arg5[%parallel_loop3A_178, %parallel_loop3A_179] {strides = array<i32>} : memref<8x256xf32, #tpu.memory_space<vmem>>, vector<16xf32>,
      %parallel_loop3A_181 = arith.index_cast %parallel_loop3A_153 : i32 to index
      %parallel_loop3A_182 = arith.constant 144 : index
      %parallel_loop3A_183 = tpu.vector_load %arg5[%parallel_loop3A_181, %parallel_loop3A_182] {strides = array<i32>} : memref<8x256xf32, #tpu.memory_space<vmem>>, vector<16xf32>,
      %parallel_loop3A_184 = arith.index_cast %parallel_loop3A_153 : i32 to index
      %parallel_loop3A_185 = arith.constant 160 : index
      %parallel_loop3A_186 = tpu.vector_load %arg5[%parallel_loop3A_184, %parallel_loop3A_185] {strides = array<i32>} : memref<8x256xf32, #tpu.memory_space<vmem>>, vector<16xf32>,
      %parallel_loop3A_187 = arith.index_cast %parallel_loop3A_153 : i32 to index
      %parallel_loop3A_188 = arith.constant 176 : index
      %parallel_loop3A_189 = tpu.vector_load %arg5[%parallel_loop3A_187, %parallel_loop3A_188] {strides = array<i32>} : memref<8x256xf32, #tpu.memory_space<vmem>>, vector<16xf32>,
      %parallel_loop3A_190 = arith.index_cast %parallel_loop3A_153 : i32 to index
      %parallel_loop3A_191 = arith.constant 192 : index
      %parallel_loop3A_192 = tpu.vector_load %arg5[%parallel_loop3A_190, %parallel_loop3A_191] {strides = array<i32>} : memref<8x256xf32, #tpu.memory_space<vmem>>, vector<16xf32>,
      %parallel_loop3A_193 = arith.index_cast %parallel_loop3A_153 : i32 to index
      %parallel_loop3A_194 = arith.constant 208 : index
      %parallel_loop3A_195 = tpu.vector_load %arg5[%parallel_loop3A_193, %parallel_loop3A_194] {strides = array<i32>} : memref<8x256xf32, #tpu.memory_space<vmem>>, vector<16xf32>,
      %parallel_loop3A_196 = arith.index_cast %parallel_loop3A_153 : i32 to index
      %parallel_loop3A_197 = arith.constant 224 : index
      %parallel_loop3A_198 = tpu.vector_load %arg5[%parallel_loop3A_196, %parallel_loop3A_197] {strides = array<i32>} : memref<8x256xf32, #tpu.memory_space<vmem>>, vector<16xf32>,
      %parallel_loop3A_199 = arith.index_cast %parallel_loop3A_153 : i32 to index
      %parallel_loop3A_200 = arith.constant 240 : index
      %parallel_loop3A_201 = tpu.vector_load %arg5[%parallel_loop3A_199, %parallel_loop3A_200] {strides = array<i32>} : memref<8x256xf32, #tpu.memory_space<vmem>>, vector<16xf32>,
      %parallel_loop3A_202 = arith.constant 1 : i32
      %parallel_loop3A_203 = arith.addi %parallel_loop3A_153, %parallel_loop3A_202 : i32
      %parallel_loop3A_204 = arith.index_cast %parallel_loop3A_203 : i32 to index
      %parallel_loop3A_205 = arith.constant 0 : index
      %parallel_loop3A_206 = tpu.vector_load %arg5[%parallel_loop3A_204, %parallel_loop3A_205] {strides = array<i32>} : memref<8x256xf32, #tpu.memory_space<vmem>>, vector<16xf32>,
      %parallel_loop3A_207 = arith.constant 1 : i32
      %parallel_loop3A_208 = arith.addi %parallel_loop3A_153, %parallel_loop3A_207 : i32
      %parallel_loop3A_209 = arith.index_cast %parallel_loop3A_208 : i32 to index
      %parallel_loop3A_210 = arith.constant 16 : index
      %parallel_loop3A_211 = tpu.vector_load %arg5[%parallel_loop3A_209, %parallel_loop3A_210] {strides = array<i32>} : memref<8x256xf32, #tpu.memory_space<vmem>>, vector<16xf32>,
      %parallel_loop3A_212 = arith.constant 1 : i32
      %parallel_loop3A_213 = arith.addi %parallel_loop3A_153, %parallel_loop3A_212 : i32
      %parallel_loop3A_214 = arith.index_cast %parallel_loop3A_213 : i32 to index
      %parallel_loop3A_215 = arith.constant 32 : index
      %parallel_loop3A_216 = tpu.vector_load %arg5[%parallel_loop3A_214, %parallel_loop3A_215] {strides = array<i32>} : memref<8x256xf32, #tpu.memory_space<vmem>>, vector<16xf32>,
      %parallel_loop3A_217 = arith.constant 1 : i32
      %parallel_loop3A_218 = arith.addi %parallel_loop3A_153, %parallel_loop3A_217 : i32
      %parallel_loop3A_219 = arith.index_cast %parallel_loop3A_218 : i32 to index
      %parallel_loop3A_220 = arith.constant 48 : index
      %parallel_loop3A_221 = tpu.vector_load %arg5[%parallel_loop3A_219, %parallel_loop3A_220] {strides = array<i32>} : memref<8x256xf32, #tpu.memory_space<vmem>>, vector<16xf32>,
      %parallel_loop3A_222 = arith.constant 1 : i32
      %parallel_loop3A_223 = arith.addi %parallel_loop3A_153, %parallel_loop3A_222 : i32
      %parallel_loop3A_224 = arith.index_cast %parallel_loop3A_223 : i32 to index
      %parallel_loop3A_225 = arith.constant 64 : index
      %parallel_loop3A_226 = tpu.vector_load %arg5[%parallel_loop3A_224, %parallel_loop3A_225] {strides = array<i32>} : memref<8x256xf32, #tpu.memory_space<vmem>>, vector<16xf32>,
      %parallel_loop3A_227 = arith.constant 1 : i32
      %parallel_loop3A_228 = arith.addi %parallel_loop3A_153, %parallel_loop3A_227 : i32
      %parallel_loop3A_229 = arith.index_cast %parallel_loop3A_228 : i32 to index
      %parallel_loop3A_230 = arith.constant 80 : index
      %parallel_loop3A_231 = tpu.vector_load %arg5[%parallel_loop3A_229, %parallel_loop3A_230] {strides = array<i32>} : memref<8x256xf32, #tpu.memory_space<vmem>>, vector<16xf32>,
      %parallel_loop3A_232 = arith.constant 1 : i32
      %parallel_loop3A_233 = arith.addi %parallel_loop3A_153, %parallel_loop3A_232 : i32
      %parallel_loop3A_234 = arith.index_cast %parallel_loop3A_233 : i32 to index
      %parallel_loop3A_235 = arith.constant 96 : index
      %parallel_loop3A_236 = tpu.vector_load %arg5[%parallel_loop3A_234, %parallel_loop3A_235] {strides = array<i32>} : memref<8x256xf32, #tpu.memory_space<vmem>>, vector<16xf32>,
      %parallel_loop3A_237 = arith.constant 1 : i32
      %parallel_loop3A_238 = arith.addi %parallel_loop3A_153, %parallel_loop3A_237 : i32
      %parallel_loop3A_239 = arith.index_cast %parallel_loop3A_238 : i32 to index
      %parallel_loop3A_240 = arith.constant 112 : index
      %parallel_loop3A_241 = tpu.vector_load %arg5[%parallel_loop3A_239, %parallel_loop3A_240] {strides = array<i32>} : memref<8x256xf32, #tpu.memory_space<vmem>>, vector<16xf32>,
      %parallel_loop3A_242 = arith.constant 1 : i32
      %parallel_loop3A_243 = arith.addi %parallel_loop3A_153, %parallel_loop3A_242 : i32
      %parallel_loop3A_244 = arith.index_cast %parallel_loop3A_243 : i32 to index
      %parallel_loop3A_245 = arith.constant 128 : index
      %parallel_loop3A_246 = tpu.vector_load %arg5[%parallel_loop3A_244, %parallel_loop3A_245] {strides = array<i32>} : memref<8x256xf32, #tpu.memory_space<vmem>>, vector<16xf32>,
      %parallel_loop3A_247 = arith.constant 1 : i32
      %parallel_loop3A_248 = arith.addi %parallel_loop3A_153, %parallel_loop3A_247 : i32
      %parallel_loop3A_249 = arith.index_cast %parallel_loop3A_248 : i32 to index
      %parallel_loop3A_250 = arith.constant 144 : index
      %parallel_loop3A_251 = tpu.vector_load %arg5[%parallel_loop3A_249, %parallel_loop3A_250] {strides = array<i32>} : memref<8x256xf32, #tpu.memory_space<vmem>>, vector<16xf32>,
      %parallel_loop3A_252 = arith.constant 1 : i32
      %parallel_loop3A_253 = arith.addi %parallel_loop3A_153, %parallel_loop3A_252 : i32
      %parallel_loop3A_254 = arith.index_cast %parallel_loop3A_253 : i32 to index
      %parallel_loop3A_255 = arith.constant 160 : index
      %parallel_loop3A_256 = tpu.vector_load %arg5[%parallel_loop3A_254, %parallel_loop3A_255] {strides = array<i32>} : memref<8x256xf32, #tpu.memory_space<vmem>>, vector<16xf32>,
      %parallel_loop3A_257 = arith.constant 1 : i32
      %parallel_loop3A_258 = arith.addi %parallel_loop3A_153, %parallel_loop3A_257 : i32
      %parallel_loop3A_259 = arith.index_cast %parallel_loop3A_258 : i32 to index
      %parallel_loop3A_260 = arith.constant 176 : index
      %parallel_loop3A_261 = tpu.vector_load %arg5[%parallel_loop3A_259, %parallel_loop3A_260] {strides = array<i32>} : memref<8x256xf32, #tpu.memory_space<vmem>>, vector<16xf32>,
      %parallel_loop3A_262 = arith.constant 1 : i32
      %parallel_loop3A_263 = arith.addi %parallel_loop3A_153, %parallel_loop3A_262 : i32
      %parallel_loop3A_264 = arith.index_cast %parallel_loop3A_263 : i32 to index
      %parallel_loop3A_265 = arith.constant 192 : index
      %parallel_loop3A_266 = tpu.vector_load %arg5[%parallel_loop3A_264, %parallel_loop3A_265] {strides = array<i32>} : memref<8x256xf32, #tpu.memory_space<vmem>>, vector<16xf32>,
      %parallel_loop3A_267 = arith.constant 1 : i32
      %parallel_loop3A_268 = arith.addi %parallel_loop3A_153, %parallel_loop3A_267 : i32
      %parallel_loop3A_269 = arith.index_cast %parallel_loop3A_268 : i32 to index
      %parallel_loop3A_270 = arith.constant 208 : index
      %parallel_loop3A_271 = tpu.vector_load %arg5[%parallel_loop3A_269, %parallel_loop3A_270] {strides = array<i32>} : memref<8x256xf32, #tpu.memory_space<vmem>>, vector<16xf32>,
      %parallel_loop3A_272 = arith.constant 1 : i32
      %parallel_loop3A_273 = arith.addi %parallel_loop3A_153, %parallel_loop3A_272 : i32
      %parallel_loop3A_274 = arith.index_cast %parallel_loop3A_273 : i32 to index
      %parallel_loop3A_275 = arith.constant 224 : index
      %parallel_loop3A_276 = tpu.vector_load %arg5[%parallel_loop3A_274, %parallel_loop3A_275] {strides = array<i32>} : memref<8x256xf32, #tpu.memory_space<vmem>>, vector<16xf32>,
      %parallel_loop3A_277 = arith.constant 1 : i32
      %parallel_loop3A_278 = arith.addi %parallel_loop3A_153, %parallel_loop3A_277 : i32
      %parallel_loop3A_279 = arith.index_cast %parallel_loop3A_278 : i32 to index
      %parallel_loop3A_280 = arith.constant 240 : index
      %parallel_loop3A_281 = tpu.vector_load %arg5[%parallel_loop3A_279, %parallel_loop3A_280] {strides = array<i32>} : memref<8x256xf32, #tpu.memory_space<vmem>>, vector<16xf32>,
      %parallel_loop3A_282 = arith.constant 0 : i32
      %parallel_loop3A_283 = arith.constant 16 : i32
      %parallel_loop3A_284 = arith.constant 1 : i32
      scf.for %parallel_loop3A_285 = %parallel_loop3A_282 to %parallel_loop3A_283 step %parallel_loop3A_284  : i32 {
        %parallel_loop3A_286 = arith.index_cast %parallel_loop3A_285 : i32 to index
        %parallel_loop3A_287 = arith.constant 0 : index
        %parallel_loop3A_288 = tpu.vector_load %arg6[%parallel_loop3A_286, %parallel_loop3A_287] {strides = array<i32>} : memref<16x256xf32, #tpu.memory_space<vmem>>, vector<16xf32>,
        %parallel_loop3A_289 = arith.addf %parallel_loop3A_156, %parallel_loop3A_288 : vector<16xf32>
        %parallel_loop3A_290 = arith.index_cast %parallel_loop3A_153 : i32 to index
        %parallel_loop3A_291 = arith.index_cast %parallel_loop3A_285 : i32 to index
        %parallel_loop3A_292 = arith.constant 0 : index
        %parallel_loop3A_293 = tpu.vector_load %arg7[%parallel_loop3A_290, %parallel_loop3A_291, %parallel_loop3A_292] {strides = array<i32>} : memref<8x16x256xf32, #tpu.memory_space<vmem>>, vector<16xf32>,
        tpu.vector_store %arg7[%parallel_loop3A_290, %parallel_loop3A_291, %parallel_loop3A_292], %parallel_loop3A_289 {strides = array<i32>} : memref<8x16x256xf32, #tpu.memory_space<vmem>>, vector<16xf32>,
        %parallel_loop3A_294 = arith.addf %parallel_loop3A_206, %parallel_loop3A_288 : vector<16xf32>
        %parallel_loop3A_295 = arith.constant 1 : i32
        %parallel_loop3A_296 = arith.addi %parallel_loop3A_153, %parallel_loop3A_295 : i32
        %parallel_loop3A_297 = arith.index_cast %parallel_loop3A_296 : i32 to index
        %parallel_loop3A_298 = arith.index_cast %parallel_loop3A_285 : i32 to index
        %parallel_loop3A_299 = arith.constant 0 : index
        %parallel_loop3A_300 = tpu.vector_load %arg7[%parallel_loop3A_297, %parallel_loop3A_298, %parallel_loop3A_299] {strides = array<i32>} : memref<8x16x256xf32, #tpu.memory_space<vmem>>, vector<16xf32>,
        tpu.vector_store %arg7[%parallel_loop3A_297, %parallel_loop3A_298, %parallel_loop3A_299], %parallel_loop3A_294 {strides = array<i32>} : memref<8x16x256xf32, #tpu.memory_space<vmem>>, vector<16xf32>,
        %parallel_loop3A_301 = arith.index_cast %parallel_loop3A_285 : i32 to index
        %parallel_loop3A_302 = arith.constant 16 : index
        %parallel_loop3A_303 = tpu.vector_load %arg6[%parallel_loop3A_301, %parallel_loop3A_302] {strides = array<i32>} : memref<16x256xf32, #tpu.memory_space<vmem>>, vector<16xf32>,
        %parallel_loop3A_304 = arith.addf %parallel_loop3A_159, %parallel_loop3A_303 : vector<16xf32>
        %parallel_loop3A_305 = arith.index_cast %parallel_loop3A_153 : i32 to index
        %parallel_loop3A_306 = arith.index_cast %parallel_loop3A_285 : i32 to index
        %parallel_loop3A_307 = arith.constant 16 : index
        %parallel_loop3A_308 = tpu.vector_load %arg7[%parallel_loop3A_305, %parallel_loop3A_306, %parallel_loop3A_307] {strides = array<i32>} : memref<8x16x256xf32, #tpu.memory_space<vmem>>, vector<16xf32>,
        tpu.vector_store %arg7[%parallel_loop3A_305, %parallel_loop3A_306, %parallel_loop3A_307], %parallel_loop3A_304 {strides = array<i32>} : memref<8x16x256xf32, #tpu.memory_space<vmem>>, vector<16xf32>,
        %parallel_loop3A_309 = arith.addf %parallel_loop3A_211, %parallel_loop3A_303 : vector<16xf32>
        %parallel_loop3A_310 = arith.constant 1 : i32
        %parallel_loop3A_311 = arith.addi %parallel_loop3A_153, %parallel_loop3A_310 : i32
        %parallel_loop3A_312 = arith.index_cast %parallel_loop3A_311 : i32 to index
        %parallel_loop3A_313 = arith.index_cast %parallel_loop3A_285 : i32 to index
        %parallel_loop3A_314 = arith.constant 16 : index
        %parallel_loop3A_315 = tpu.vector_load %arg7[%parallel_loop3A_312, %parallel_loop3A_313, %parallel_loop3A_314] {strides = array<i32>} : memref<8x16x256xf32, #tpu.memory_space<vmem>>, vector<16xf32>,
        tpu.vector_store %arg7[%parallel_loop3A_312, %parallel_loop3A_313, %parallel_loop3A_314], %parallel_loop3A_309 {strides = array<i32>} : memref<8x16x256xf32, #tpu.memory_space<vmem>>, vector<16xf32>,
        %parallel_loop3A_316 = arith.index_cast %parallel_loop3A_285 : i32 to index
        %parallel_loop3A_317 = arith.constant 32 : index
        %parallel_loop3A_318 = tpu.vector_load %arg6[%parallel_loop3A_316, %parallel_loop3A_317] {strides = array<i32>} : memref<16x256xf32, #tpu.memory_space<vmem>>, vector<16xf32>,
        %parallel_loop3A_319 = arith.addf %parallel_loop3A_162, %parallel_loop3A_318 : vector<16xf32>
        %parallel_loop3A_320 = arith.index_cast %parallel_loop3A_153 : i32 to index
        %parallel_loop3A_321 = arith.index_cast %parallel_loop3A_285 : i32 to index
        %parallel_loop3A_322 = arith.constant 32 : index
        %parallel_loop3A_323 = tpu.vector_load %arg7[%parallel_loop3A_320, %parallel_loop3A_321, %parallel_loop3A_322] {strides = array<i32>} : memref<8x16x256xf32, #tpu.memory_space<vmem>>, vector<16xf32>,
        tpu.vector_store %arg7[%parallel_loop3A_320, %parallel_loop3A_321, %parallel_loop3A_322], %parallel_loop3A_319 {strides = array<i32>} : memref<8x16x256xf32, #tpu.memory_space<vmem>>, vector<16xf32>,
        %parallel_loop3A_324 = arith.addf %parallel_loop3A_216, %parallel_loop3A_318 : vector<16xf32>
        %parallel_loop3A_325 = arith.constant 1 : i32
        %parallel_loop3A_326 = arith.addi %parallel_loop3A_153, %parallel_loop3A_325 : i32
        %parallel_loop3A_327 = arith.index_cast %parallel_loop3A_326 : i32 to index
        %parallel_loop3A_328 = arith.index_cast %parallel_loop3A_285 : i32 to index
        %parallel_loop3A_329 = arith.constant 32 : index
        %parallel_loop3A_330 = tpu.vector_load %arg7[%parallel_loop3A_327, %parallel_loop3A_328, %parallel_loop3A_329] {strides = array<i32>} : memref<8x16x256xf32, #tpu.memory_space<vmem>>, vector<16xf32>,
        tpu.vector_store %arg7[%parallel_loop3A_327, %parallel_loop3A_328, %parallel_loop3A_329], %parallel_loop3A_324 {strides = array<i32>} : memref<8x16x256xf32, #tpu.memory_space<vmem>>, vector<16xf32>,
        %parallel_loop3A_331 = arith.index_cast %parallel_loop3A_285 : i32 to index
        %parallel_loop3A_332 = arith.constant 48 : index
        %parallel_loop3A_333 = tpu.vector_load %arg6[%parallel_loop3A_331, %parallel_loop3A_332] {strides = array<i32>} : memref<16x256xf32, #tpu.memory_space<vmem>>, vector<16xf32>,
        %parallel_loop3A_334 = arith.addf %parallel_loop3A_165, %parallel_loop3A_333 : vector<16xf32>
        %parallel_loop3A_335 = arith.index_cast %parallel_loop3A_153 : i32 to index
        %parallel_loop3A_336 = arith.index_cast %parallel_loop3A_285 : i32 to index
        %parallel_loop3A_337 = arith.constant 48 : index
        %parallel_loop3A_338 = tpu.vector_load %arg7[%parallel_loop3A_335, %parallel_loop3A_336, %parallel_loop3A_337] {strides = array<i32>} : memref<8x16x256xf32, #tpu.memory_space<vmem>>, vector<16xf32>,
        tpu.vector_store %arg7[%parallel_loop3A_335, %parallel_loop3A_336, %parallel_loop3A_337], %parallel_loop3A_334 {strides = array<i32>} : memref<8x16x256xf32, #tpu.memory_space<vmem>>, vector<16xf32>,
        %parallel_loop3A_339 = arith.addf %parallel_loop3A_221, %parallel_loop3A_333 : vector<16xf32>
        %parallel_loop3A_340 = arith.constant 1 : i32
        %parallel_loop3A_341 = arith.addi %parallel_loop3A_153, %parallel_loop3A_340 : i32
        %parallel_loop3A_342 = arith.index_cast %parallel_loop3A_341 : i32 to index
        %parallel_loop3A_343 = arith.index_cast %parallel_loop3A_285 : i32 to index
        %parallel_loop3A_344 = arith.constant 48 : index
        %parallel_loop3A_345 = tpu.vector_load %arg7[%parallel_loop3A_342, %parallel_loop3A_343, %parallel_loop3A_344] {strides = array<i32>} : memref<8x16x256xf32, #tpu.memory_space<vmem>>, vector<16xf32>,
        tpu.vector_store %arg7[%parallel_loop3A_342, %parallel_loop3A_343, %parallel_loop3A_344], %parallel_loop3A_339 {strides = array<i32>} : memref<8x16x256xf32, #tpu.memory_space<vmem>>, vector<16xf32>,
        %parallel_loop3A_346 = arith.index_cast %parallel_loop3A_285 : i32 to index
        %parallel_loop3A_347 = arith.constant 64 : index
        %parallel_loop3A_348 = tpu.vector_load %arg6[%parallel_loop3A_346, %parallel_loop3A_347] {strides = array<i32>} : memref<16x256xf32, #tpu.memory_space<vmem>>, vector<16xf32>,
        %parallel_loop3A_349 = arith.addf %parallel_loop3A_168, %parallel_loop3A_348 : vector<16xf32>
        %parallel_loop3A_350 = arith.index_cast %parallel_loop3A_153 : i32 to index
        %parallel_loop3A_351 = arith.index_cast %parallel_loop3A_285 : i32 to index
        %parallel_loop3A_352 = arith.constant 64 : index
        %parallel_loop3A_353 = tpu.vector_load %arg7[%parallel_loop3A_350, %parallel_loop3A_351, %parallel_loop3A_352] {strides = array<i32>} : memref<8x16x256xf32, #tpu.memory_space<vmem>>, vector<16xf32>,
        tpu.vector_store %arg7[%parallel_loop3A_350, %parallel_loop3A_351, %parallel_loop3A_352], %parallel_loop3A_349 {strides = array<i32>} : memref<8x16x256xf32, #tpu.memory_space<vmem>>, vector<16xf32>,
        %parallel_loop3A_354 = arith.addf %parallel_loop3A_226, %parallel_loop3A_348 : vector<16xf32>
        %parallel_loop3A_355 = arith.constant 1 : i32
        %parallel_loop3A_356 = arith.addi %parallel_loop3A_153, %parallel_loop3A_355 : i32
        %parallel_loop3A_357 = arith.index_cast %parallel_loop3A_356 : i32 to index
        %parallel_loop3A_358 = arith.index_cast %parallel_loop3A_285 : i32 to index
        %parallel_loop3A_359 = arith.constant 64 : index
        %parallel_loop3A_360 = tpu.vector_load %arg7[%parallel_loop3A_357, %parallel_loop3A_358, %parallel_loop3A_359] {strides = array<i32>} : memref<8x16x256xf32, #tpu.memory_space<vmem>>, vector<16xf32>,
        tpu.vector_store %arg7[%parallel_loop3A_357, %parallel_loop3A_358, %parallel_loop3A_359], %parallel_loop3A_354 {strides = array<i32>} : memref<8x16x256xf32, #tpu.memory_space<vmem>>, vector<16xf32>,
        %parallel_loop3A_361 = arith.index_cast %parallel_loop3A_285 : i32 to index
        %parallel_loop3A_362 = arith.constant 80 : index
        %parallel_loop3A_363 = tpu.vector_load %arg6[%parallel_loop3A_361, %parallel_loop3A_362] {strides = array<i32>} : memref<16x256xf32, #tpu.memory_space<vmem>>, vector<16xf32>,
        %parallel_loop3A_364 = arith.addf %parallel_loop3A_171, %parallel_loop3A_363 : vector<16xf32>
        %parallel_loop3A_365 = arith.index_cast %parallel_loop3A_153 : i32 to index
        %parallel_loop3A_366 = arith.index_cast %parallel_loop3A_285 : i32 to index
        %parallel_loop3A_367 = arith.constant 80 : index
        %parallel_loop3A_368 = tpu.vector_load %arg7[%parallel_loop3A_365, %parallel_loop3A_366, %parallel_loop3A_367] {strides = array<i32>} : memref<8x16x256xf32, #tpu.memory_space<vmem>>, vector<16xf32>,
        tpu.vector_store %arg7[%parallel_loop3A_365, %parallel_loop3A_366, %parallel_loop3A_367], %parallel_loop3A_364 {strides = array<i32>} : memref<8x16x256xf32, #tpu.memory_space<vmem>>, vector<16xf32>,
        %parallel_loop3A_369 = arith.addf %parallel_loop3A_231, %parallel_loop3A_363 : vector<16xf32>
        %parallel_loop3A_370 = arith.constant 1 : i32
        %parallel_loop3A_371 = arith.addi %parallel_loop3A_153, %parallel_loop3A_370 : i32
        %parallel_loop3A_372 = arith.index_cast %parallel_loop3A_371 : i32 to index
        %parallel_loop3A_373 = arith.index_cast %parallel_loop3A_285 : i32 to index
        %parallel_loop3A_374 = arith.constant 80 : index
        %parallel_loop3A_375 = tpu.vector_load %arg7[%parallel_loop3A_372, %parallel_loop3A_373, %parallel_loop3A_374] {strides = array<i32>} : memref<8x16x256xf32, #tpu.memory_space<vmem>>, vector<16xf32>,
        tpu.vector_store %arg7[%parallel_loop3A_372, %parallel_loop3A_373, %parallel_loop3A_374], %parallel_loop3A_369 {strides = array<i32>} : memref<8x16x256xf32, #tpu.memory_space<vmem>>, vector<16xf32>,
        %parallel_loop3A_376 = arith.index_cast %parallel_loop3A_285 : i32 to index
        %parallel_loop3A_377 = arith.constant 96 : index
        %parallel_loop3A_378 = tpu.vector_load %arg6[%parallel_loop3A_376, %parallel_loop3A_377] {strides = array<i32>} : memref<16x256xf32, #tpu.memory_space<vmem>>, vector<16xf32>,
        %parallel_loop3A_379 = arith.addf %parallel_loop3A_174, %parallel_loop3A_378 : vector<16xf32>
        %parallel_loop3A_380 = arith.index_cast %parallel_loop3A_153 : i32 to index
        %parallel_loop3A_381 = arith.index_cast %parallel_loop3A_285 : i32 to index
        %parallel_loop3A_382 = arith.constant 96 : index
        %parallel_loop3A_383 = tpu.vector_load %arg7[%parallel_loop3A_380, %parallel_loop3A_381, %parallel_loop3A_382] {strides = array<i32>} : memref<8x16x256xf32, #tpu.memory_space<vmem>>, vector<16xf32>,
        tpu.vector_store %arg7[%parallel_loop3A_380, %parallel_loop3A_381, %parallel_loop3A_382], %parallel_loop3A_379 {strides = array<i32>} : memref<8x16x256xf32, #tpu.memory_space<vmem>>, vector<16xf32>,
        %parallel_loop3A_384 = arith.addf %parallel_loop3A_236, %parallel_loop3A_378 : vector<16xf32>
        %parallel_loop3A_385 = arith.constant 1 : i32
        %parallel_loop3A_386 = arith.addi %parallel_loop3A_153, %parallel_loop3A_385 : i32
        %parallel_loop3A_387 = arith.index_cast %parallel_loop3A_386 : i32 to index
        %parallel_loop3A_388 = arith.index_cast %parallel_loop3A_285 : i32 to index
        %parallel_loop3A_389 = arith.constant 96 : index
        %parallel_loop3A_390 = tpu.vector_load %arg7[%parallel_loop3A_387, %parallel_loop3A_388, %parallel_loop3A_389] {strides = array<i32>} : memref<8x16x256xf32, #tpu.memory_space<vmem>>, vector<16xf32>,
        tpu.vector_store %arg7[%parallel_loop3A_387, %parallel_loop3A_388, %parallel_loop3A_389], %parallel_loop3A_384 {strides = array<i32>} : memref<8x16x256xf32, #tpu.memory_space<vmem>>, vector<16xf32>,
        %parallel_loop3A_391 = arith.index_cast %parallel_loop3A_285 : i32 to index
        %parallel_loop3A_392 = arith.constant 112 : index
        %parallel_loop3A_393 = tpu.vector_load %arg6[%parallel_loop3A_391, %parallel_loop3A_392] {strides = array<i32>} : memref<16x256xf32, #tpu.memory_space<vmem>>, vector<16xf32>,
        %parallel_loop3A_394 = arith.addf %parallel_loop3A_177, %parallel_loop3A_393 : vector<16xf32>
        %parallel_loop3A_395 = arith.index_cast %parallel_loop3A_153 : i32 to index
        %parallel_loop3A_396 = arith.index_cast %parallel_loop3A_285 : i32 to index
        %parallel_loop3A_397 = arith.constant 112 : index
        %parallel_loop3A_398 = tpu.vector_load %arg7[%parallel_loop3A_395, %parallel_loop3A_396, %parallel_loop3A_397] {strides = array<i32>} : memref<8x16x256xf32, #tpu.memory_space<vmem>>, vector<16xf32>,
        tpu.vector_store %arg7[%parallel_loop3A_395, %parallel_loop3A_396, %parallel_loop3A_397], %parallel_loop3A_394 {strides = array<i32>} : memref<8x16x256xf32, #tpu.memory_space<vmem>>, vector<16xf32>,
        %parallel_loop3A_399 = arith.addf %parallel_loop3A_241, %parallel_loop3A_393 : vector<16xf32>
        %parallel_loop3A_400 = arith.constant 1 : i32
        %parallel_loop3A_401 = arith.addi %parallel_loop3A_153, %parallel_loop3A_400 : i32
        %parallel_loop3A_402 = arith.index_cast %parallel_loop3A_401 : i32 to index
        %parallel_loop3A_403 = arith.index_cast %parallel_loop3A_285 : i32 to index
        %parallel_loop3A_404 = arith.constant 112 : index
        %parallel_loop3A_405 = tpu.vector_load %arg7[%parallel_loop3A_402, %parallel_loop3A_403, %parallel_loop3A_404] {strides = array<i32>} : memref<8x16x256xf32, #tpu.memory_space<vmem>>, vector<16xf32>,
        tpu.vector_store %arg7[%parallel_loop3A_402, %parallel_loop3A_403, %parallel_loop3A_404], %parallel_loop3A_399 {strides = array<i32>} : memref<8x16x256xf32, #tpu.memory_space<vmem>>, vector<16xf32>,
        %parallel_loop3A_406 = arith.index_cast %parallel_loop3A_285 : i32 to index
        %parallel_loop3A_407 = arith.constant 128 : index
        %parallel_loop3A_408 = tpu.vector_load %arg6[%parallel_loop3A_406, %parallel_loop3A_407] {strides = array<i32>} : memref<16x256xf32, #tpu.memory_space<vmem>>, vector<16xf32>,
        %parallel_loop3A_409 = arith.addf %parallel_loop3A_180, %parallel_loop3A_408 : vector<16xf32>
        %parallel_loop3A_410 = arith.index_cast %parallel_loop3A_153 : i32 to index
        %parallel_loop3A_411 = arith.index_cast %parallel_loop3A_285 : i32 to index
        %parallel_loop3A_412 = arith.constant 128 : index
        %parallel_loop3A_413 = tpu.vector_load %arg7[%parallel_loop3A_410, %parallel_loop3A_411, %parallel_loop3A_412] {strides = array<i32>} : memref<8x16x256xf32, #tpu.memory_space<vmem>>, vector<16xf32>,
        tpu.vector_store %arg7[%parallel_loop3A_410, %parallel_loop3A_411, %parallel_loop3A_412], %parallel_loop3A_409 {strides = array<i32>} : memref<8x16x256xf32, #tpu.memory_space<vmem>>, vector<16xf32>,
        %parallel_loop3A_414 = arith.addf %parallel_loop3A_246, %parallel_loop3A_408 : vector<16xf32>
        %parallel_loop3A_415 = arith.constant 1 : i32
        %parallel_loop3A_416 = arith.addi %parallel_loop3A_153, %parallel_loop3A_415 : i32
        %parallel_loop3A_417 = arith.index_cast %parallel_loop3A_416 : i32 to index
        %parallel_loop3A_418 = arith.index_cast %parallel_loop3A_285 : i32 to index
        %parallel_loop3A_419 = arith.constant 128 : index
        %parallel_loop3A_420 = tpu.vector_load %arg7[%parallel_loop3A_417, %parallel_loop3A_418, %parallel_loop3A_419] {strides = array<i32>} : memref<8x16x256xf32, #tpu.memory_space<vmem>>, vector<16xf32>,
        tpu.vector_store %arg7[%parallel_loop3A_417, %parallel_loop3A_418, %parallel_loop3A_419], %parallel_loop3A_414 {strides = array<i32>} : memref<8x16x256xf32, #tpu.memory_space<vmem>>, vector<16xf32>,
        %parallel_loop3A_421 = arith.index_cast %parallel_loop3A_285 : i32 to index
        %parallel_loop3A_422 = arith.constant 144 : index
        %parallel_loop3A_423 = tpu.vector_load %arg6[%parallel_loop3A_421, %parallel_loop3A_422] {strides = array<i32>} : memref<16x256xf32, #tpu.memory_space<vmem>>, vector<16xf32>,
        %parallel_loop3A_424 = arith.addf %parallel_loop3A_183, %parallel_loop3A_423 : vector<16xf32>
        %parallel_loop3A_425 = arith.index_cast %parallel_loop3A_153 : i32 to index
        %parallel_loop3A_426 = arith.index_cast %parallel_loop3A_285 : i32 to index
        %parallel_loop3A_427 = arith.constant 144 : index
        %parallel_loop3A_428 = tpu.vector_load %arg7[%parallel_loop3A_425, %parallel_loop3A_426, %parallel_loop3A_427] {strides = array<i32>} : memref<8x16x256xf32, #tpu.memory_space<vmem>>, vector<16xf32>,
        tpu.vector_store %arg7[%parallel_loop3A_425, %parallel_loop3A_426, %parallel_loop3A_427], %parallel_loop3A_424 {strides = array<i32>} : memref<8x16x256xf32, #tpu.memory_space<vmem>>, vector<16xf32>,
        %parallel_loop3A_429 = arith.addf %parallel_loop3A_251, %parallel_loop3A_423 : vector<16xf32>
        %parallel_loop3A_430 = arith.constant 1 : i32
        %parallel_loop3A_431 = arith.addi %parallel_loop3A_153, %parallel_loop3A_430 : i32
        %parallel_loop3A_432 = arith.index_cast %parallel_loop3A_431 : i32 to index
        %parallel_loop3A_433 = arith.index_cast %parallel_loop3A_285 : i32 to index
        %parallel_loop3A_434 = arith.constant 144 : index
        %parallel_loop3A_435 = tpu.vector_load %arg7[%parallel_loop3A_432, %parallel_loop3A_433, %parallel_loop3A_434] {strides = array<i32>} : memref<8x16x256xf32, #tpu.memory_space<vmem>>, vector<16xf32>,
        tpu.vector_store %arg7[%parallel_loop3A_432, %parallel_loop3A_433, %parallel_loop3A_434], %parallel_loop3A_429 {strides = array<i32>} : memref<8x16x256xf32, #tpu.memory_space<vmem>>, vector<16xf32>,
        %parallel_loop3A_436 = arith.index_cast %parallel_loop3A_285 : i32 to index
        %parallel_loop3A_437 = arith.constant 160 : index
        %parallel_loop3A_438 = tpu.vector_load %arg6[%parallel_loop3A_436, %parallel_loop3A_437] {strides = array<i32>} : memref<16x256xf32, #tpu.memory_space<vmem>>, vector<16xf32>,
        %parallel_loop3A_439 = arith.addf %parallel_loop3A_186, %parallel_loop3A_438 : vector<16xf32>
        %parallel_loop3A_440 = arith.index_cast %parallel_loop3A_153 : i32 to index
        %parallel_loop3A_441 = arith.index_cast %parallel_loop3A_285 : i32 to index
        %parallel_loop3A_442 = arith.constant 160 : index
        %parallel_loop3A_443 = tpu.vector_load %arg7[%parallel_loop3A_440, %parallel_loop3A_441, %parallel_loop3A_442] {strides = array<i32>} : memref<8x16x256xf32, #tpu.memory_space<vmem>>, vector<16xf32>,
        tpu.vector_store %arg7[%parallel_loop3A_440, %parallel_loop3A_441, %parallel_loop3A_442], %parallel_loop3A_439 {strides = array<i32>} : memref<8x16x256xf32, #tpu.memory_space<vmem>>, vector<16xf32>,
        %parallel_loop3A_444 = arith.addf %parallel_loop3A_256, %parallel_loop3A_438 : vector<16xf32>
        %parallel_loop3A_445 = arith.constant 1 : i32
        %parallel_loop3A_446 = arith.addi %parallel_loop3A_153, %parallel_loop3A_445 : i32
        %parallel_loop3A_447 = arith.index_cast %parallel_loop3A_446 : i32 to index
        %parallel_loop3A_448 = arith.index_cast %parallel_loop3A_285 : i32 to index
        %parallel_loop3A_449 = arith.constant 160 : index
        %parallel_loop3A_450 = tpu.vector_load %arg7[%parallel_loop3A_447, %parallel_loop3A_448, %parallel_loop3A_449] {strides = array<i32>} : memref<8x16x256xf32, #tpu.memory_space<vmem>>, vector<16xf32>,
        tpu.vector_store %arg7[%parallel_loop3A_447, %parallel_loop3A_448, %parallel_loop3A_449], %parallel_loop3A_444 {strides = array<i32>} : memref<8x16x256xf32, #tpu.memory_space<vmem>>, vector<16xf32>,
        %parallel_loop3A_451 = arith.index_cast %parallel_loop3A_285 : i32 to index
        %parallel_loop3A_452 = arith.constant 176 : index
        %parallel_loop3A_453 = tpu.vector_load %arg6[%parallel_loop3A_451, %parallel_loop3A_452] {strides = array<i32>} : memref<16x256xf32, #tpu.memory_space<vmem>>, vector<16xf32>,
        %parallel_loop3A_454 = arith.addf %parallel_loop3A_189, %parallel_loop3A_453 : vector<16xf32>
        %parallel_loop3A_455 = arith.index_cast %parallel_loop3A_153 : i32 to index
        %parallel_loop3A_456 = arith.index_cast %parallel_loop3A_285 : i32 to index
        %parallel_loop3A_457 = arith.constant 176 : index
        %parallel_loop3A_458 = tpu.vector_load %arg7[%parallel_loop3A_455, %parallel_loop3A_456, %parallel_loop3A_457] {strides = array<i32>} : memref<8x16x256xf32, #tpu.memory_space<vmem>>, vector<16xf32>,
        tpu.vector_store %arg7[%parallel_loop3A_455, %parallel_loop3A_456, %parallel_loop3A_457], %parallel_loop3A_454 {strides = array<i32>} : memref<8x16x256xf32, #tpu.memory_space<vmem>>, vector<16xf32>,
        %parallel_loop3A_459 = arith.addf %parallel_loop3A_261, %parallel_loop3A_453 : vector<16xf32>
        %parallel_loop3A_460 = arith.constant 1 : i32
        %parallel_loop3A_461 = arith.addi %parallel_loop3A_153, %parallel_loop3A_460 : i32
        %parallel_loop3A_462 = arith.index_cast %parallel_loop3A_461 : i32 to index
        %parallel_loop3A_463 = arith.index_cast %parallel_loop3A_285 : i32 to index
        %parallel_loop3A_464 = arith.constant 176 : index
        %parallel_loop3A_465 = tpu.vector_load %arg7[%parallel_loop3A_462, %parallel_loop3A_463, %parallel_loop3A_464] {strides = array<i32>} : memref<8x16x256xf32, #tpu.memory_space<vmem>>, vector<16xf32>,
        tpu.vector_store %arg7[%parallel_loop3A_462, %parallel_loop3A_463, %parallel_loop3A_464], %parallel_loop3A_459 {strides = array<i32>} : memref<8x16x256xf32, #tpu.memory_space<vmem>>, vector<16xf32>,
        %parallel_loop3A_466 = arith.index_cast %parallel_loop3A_285 : i32 to index
        %parallel_loop3A_467 = arith.constant 192 : index
        %parallel_loop3A_468 = tpu.vector_load %arg6[%parallel_loop3A_466, %parallel_loop3A_467] {strides = array<i32>} : memref<16x256xf32, #tpu.memory_space<vmem>>, vector<16xf32>,
        %parallel_loop3A_469 = arith.addf %parallel_loop3A_192, %parallel_loop3A_468 : vector<16xf32>
        %parallel_loop3A_470 = arith.index_cast %parallel_loop3A_153 : i32 to index
        %parallel_loop3A_471 = arith.index_cast %parallel_loop3A_285 : i32 to index
        %parallel_loop3A_472 = arith.constant 192 : index
        %parallel_loop3A_473 = tpu.vector_load %arg7[%parallel_loop3A_470, %parallel_loop3A_471, %parallel_loop3A_472] {strides = array<i32>} : memref<8x16x256xf32, #tpu.memory_space<vmem>>, vector<16xf32>,
        tpu.vector_store %arg7[%parallel_loop3A_470, %parallel_loop3A_471, %parallel_loop3A_472], %parallel_loop3A_469 {strides = array<i32>} : memref<8x16x256xf32, #tpu.memory_space<vmem>>, vector<16xf32>,
        %parallel_loop3A_474 = arith.addf %parallel_loop3A_266, %parallel_loop3A_468 : vector<16xf32>
        %parallel_loop3A_475 = arith.constant 1 : i32
        %parallel_loop3A_476 = arith.addi %parallel_loop3A_153, %parallel_loop3A_475 : i32
        %parallel_loop3A_477 = arith.index_cast %parallel_loop3A_476 : i32 to index
        %parallel_loop3A_478 = arith.index_cast %parallel_loop3A_285 : i32 to index
        %parallel_loop3A_479 = arith.constant 192 : index
        %parallel_loop3A_480 = tpu.vector_load %arg7[%parallel_loop3A_477, %parallel_loop3A_478, %parallel_loop3A_479] {strides = array<i32>} : memref<8x16x256xf32, #tpu.memory_space<vmem>>, vector<16xf32>,
        tpu.vector_store %arg7[%parallel_loop3A_477, %parallel_loop3A_478, %parallel_loop3A_479], %parallel_loop3A_474 {strides = array<i32>} : memref<8x16x256xf32, #tpu.memory_space<vmem>>, vector<16xf32>,
        %parallel_loop3A_481 = arith.index_cast %parallel_loop3A_285 : i32 to index
        %parallel_loop3A_482 = arith.constant 208 : index
        %parallel_loop3A_483 = tpu.vector_load %arg6[%parallel_loop3A_481, %parallel_loop3A_482] {strides = array<i32>} : memref<16x256xf32, #tpu.memory_space<vmem>>, vector<16xf32>,
        %parallel_loop3A_484 = arith.addf %parallel_loop3A_195, %parallel_loop3A_483 : vector<16xf32>
        %parallel_loop3A_485 = arith.index_cast %parallel_loop3A_153 : i32 to index
        %parallel_loop3A_486 = arith.index_cast %parallel_loop3A_285 : i32 to index
        %parallel_loop3A_487 = arith.constant 208 : index
        %parallel_loop3A_488 = tpu.vector_load %arg7[%parallel_loop3A_485, %parallel_loop3A_486, %parallel_loop3A_487] {strides = array<i32>} : memref<8x16x256xf32, #tpu.memory_space<vmem>>, vector<16xf32>,
        tpu.vector_store %arg7[%parallel_loop3A_485, %parallel_loop3A_486, %parallel_loop3A_487], %parallel_loop3A_484 {strides = array<i32>} : memref<8x16x256xf32, #tpu.memory_space<vmem>>, vector<16xf32>,
        %parallel_loop3A_489 = arith.addf %parallel_loop3A_271, %parallel_loop3A_483 : vector<16xf32>
        %parallel_loop3A_490 = arith.constant 1 : i32
        %parallel_loop3A_491 = arith.addi %parallel_loop3A_153, %parallel_loop3A_490 : i32
        %parallel_loop3A_492 = arith.index_cast %parallel_loop3A_491 : i32 to index
        %parallel_loop3A_493 = arith.index_cast %parallel_loop3A_285 : i32 to index
        %parallel_loop3A_494 = arith.constant 208 : index
        %parallel_loop3A_495 = tpu.vector_load %arg7[%parallel_loop3A_492, %parallel_loop3A_493, %parallel_loop3A_494] {strides = array<i32>} : memref<8x16x256xf32, #tpu.memory_space<vmem>>, vector<16xf32>,
        tpu.vector_store %arg7[%parallel_loop3A_492, %parallel_loop3A_493, %parallel_loop3A_494], %parallel_loop3A_489 {strides = array<i32>} : memref<8x16x256xf32, #tpu.memory_space<vmem>>, vector<16xf32>,
        %parallel_loop3A_496 = arith.index_cast %parallel_loop3A_285 : i32 to index
        %parallel_loop3A_497 = arith.constant 224 : index
        %parallel_loop3A_498 = tpu.vector_load %arg6[%parallel_loop3A_496, %parallel_loop3A_497] {strides = array<i32>} : memref<16x256xf32, #tpu.memory_space<vmem>>, vector<16xf32>,
        %parallel_loop3A_499 = arith.addf %parallel_loop3A_198, %parallel_loop3A_498 : vector<16xf32>
        %parallel_loop3A_500 = arith.index_cast %parallel_loop3A_153 : i32 to index
        %parallel_loop3A_501 = arith.index_cast %parallel_loop3A_285 : i32 to index
        %parallel_loop3A_502 = arith.constant 224 : index
        %parallel_loop3A_503 = tpu.vector_load %arg7[%parallel_loop3A_500, %parallel_loop3A_501, %parallel_loop3A_502] {strides = array<i32>} : memref<8x16x256xf32, #tpu.memory_space<vmem>>, vector<16xf32>,
        tpu.vector_store %arg7[%parallel_loop3A_500, %parallel_loop3A_501, %parallel_loop3A_502], %parallel_loop3A_499 {strides = array<i32>} : memref<8x16x256xf32, #tpu.memory_space<vmem>>, vector<16xf32>,
        %parallel_loop3A_504 = arith.addf %parallel_loop3A_276, %parallel_loop3A_498 : vector<16xf32>
        %parallel_loop3A_505 = arith.constant 1 : i32
        %parallel_loop3A_506 = arith.addi %parallel_loop3A_153, %parallel_loop3A_505 : i32
        %parallel_loop3A_507 = arith.index_cast %parallel_loop3A_506 : i32 to index
        %parallel_loop3A_508 = arith.index_cast %parallel_loop3A_285 : i32 to index
        %parallel_loop3A_509 = arith.constant 224 : index
        %parallel_loop3A_510 = tpu.vector_load %arg7[%parallel_loop3A_507, %parallel_loop3A_508, %parallel_loop3A_509] {strides = array<i32>} : memref<8x16x256xf32, #tpu.memory_space<vmem>>, vector<16xf32>,
        tpu.vector_store %arg7[%parallel_loop3A_507, %parallel_loop3A_508, %parallel_loop3A_509], %parallel_loop3A_504 {strides = array<i32>} : memref<8x16x256xf32, #tpu.memory_space<vmem>>, vector<16xf32>,
        %parallel_loop3A_511 = arith.index_cast %parallel_loop3A_285 : i32 to index
        %parallel_loop3A_512 = arith.constant 240 : index
        %parallel_loop3A_513 = tpu.vector_load %arg6[%parallel_loop3A_511, %parallel_loop3A_512] {strides = array<i32>} : memref<16x256xf32, #tpu.memory_space<vmem>>, vector<16xf32>,
        %parallel_loop3A_514 = arith.addf %parallel_loop3A_201, %parallel_loop3A_513 : vector<16xf32>
        %parallel_loop3A_515 = arith.index_cast %parallel_loop3A_153 : i32 to index
        %parallel_loop3A_516 = arith.index_cast %parallel_loop3A_285 : i32 to index
        %parallel_loop3A_517 = arith.constant 240 : index
        %parallel_loop3A_518 = tpu.vector_load %arg7[%parallel_loop3A_515, %parallel_loop3A_516, %parallel_loop3A_517] {strides = array<i32>} : memref<8x16x256xf32, #tpu.memory_space<vmem>>, vector<16xf32>,
        tpu.vector_store %arg7[%parallel_loop3A_515, %parallel_loop3A_516, %parallel_loop3A_517], %parallel_loop3A_514 {strides = array<i32>} : memref<8x16x256xf32, #tpu.memory_space<vmem>>, vector<16xf32>,
        %parallel_loop3A_519 = arith.addf %parallel_loop3A_281, %parallel_loop3A_513 : vector<16xf32>
        %parallel_loop3A_520 = arith.constant 1 : i32
        %parallel_loop3A_521 = arith.addi %parallel_loop3A_153, %parallel_loop3A_520 : i32
        %parallel_loop3A_522 = arith.index_cast %parallel_loop3A_521 : i32 to index
        %parallel_loop3A_523 = arith.index_cast %parallel_loop3A_285 : i32 to index
        %parallel_loop3A_524 = arith.constant 240 : index
        %parallel_loop3A_525 = tpu.vector_load %arg7[%parallel_loop3A_522, %parallel_loop3A_523, %parallel_loop3A_524] {strides = array<i32>} : memref<8x16x256xf32, #tpu.memory_space<vmem>>, vector<16xf32>,
        tpu.vector_store %arg7[%parallel_loop3A_522, %parallel_loop3A_523, %parallel_loop3A_524], %parallel_loop3A_519 {strides = array<i32>} : memref<8x16x256xf32, #tpu.memory_space<vmem>>, vector<16xf32>,
      } {sc.loop_unroll_factor = 2 : i64, sc.parallel_access}
    } {sc.loop_unroll_factor = 1 : i64, sc.parallel_access}
    %add3A_40 = arith.constant 0 : i32
    %add3A_41 = arith.addi %mul3A_21, %add3A_40 : i32
    %dma_start3A_42 = arith.constant 0 : i32
    %dma_start3A_43 = arith.constant 0 : i32
    %dma_start3A_44 = arith.constant 0 : i32
    %dma_start3A_45 = tpu.memref_slice %arg7[%dma_start3A_42, %dma_start3A_43, %dma_start3A_44] : memref<8x16x256xf32, #tpu.memory_space<vmem>> -> memref<2x16x256xf32, #tpu.memory_space<vmem>>
    %dma_start3A_46 = arith.constant 0 : i32
    %dma_start3A_47 = tpu.memref_slice %arg4[%add3A_41, %mul3A_23, %dma_start3A_46] : memref<64x64x256xf32, #tpu.memory_space<hbm>> -> memref<2x16x256xf32, #tpu.memory_space<hbm>>
    %dma_start3A_48 = arith.constant 0 : i32
    %dma_start3A_49 = tpu.memref_slice %arg4[%add3A_41, %mul3A_23, %dma_start3A_48] : memref<64x64x256xf32, #tpu.memory_space<hbm>> -> memref<2x16x256xf32, #tpu.memory_space<hbm>>
    %dma_start3A_50 = arith.constant 0 : i32
    %dma_start3A_51 = arith.constant 0 : i32
    %dma_start3A_52 = arith.constant 0 : i32
    %dma_start3A_53 = tpu.memref_slice %arg7[%dma_start3A_50, %dma_start3A_51, %dma_start3A_52] : memref<8x16x256xf32, #tpu.memory_space<vmem>> -> memref<2x16x256xf32, #tpu.memory_space<vmem>>
    tpu.enqueue_dma source(%dma_start3A_53 : memref<2x16x256xf32, #tpu.memory_space<vmem>>) target(%dma_start3A_49 : memref<2x16x256xf32, #tpu.memory_space<hbm>>) target_semaphore(%arg9 : memref<!tpu.dma_semaphore, #tpu.memory_space<semaphore_mem>>)
    %parallel_loop3A_54 = arith.constant 2 : i32
    %parallel_loop3A_55 = arith.constant 4 : i32
    %parallel_loop3A_56 = arith.constant 2 : i32
    scf.for %parallel_loop3A_153 = %parallel_loop3A_54 to %parallel_loop3A_55 step %parallel_loop3A_56  : i32 {
      %parallel_loop3A_154 = arith.index_cast %parallel_loop3A_153 : i32 to index
      %parallel_loop3A_155 = arith.constant 0 : index
      %parallel_loop3A_156 = tpu.vector_load %arg5[%parallel_loop3A_154, %parallel_loop3A_155] {strides = array<i32>} : memref<8x256xf32, #tpu.memory_space<vmem>>, vector<16xf32>,
      %parallel_loop3A_157 = arith.index_cast %parallel_loop3A_153 : i32 to index
      %parallel_loop3A_158 = arith.constant 16 : index
      %parallel_loop3A_159 = tpu.vector_load %arg5[%parallel_loop3A_157, %parallel_loop3A_158] {strides = array<i32>} : memref<8x256xf32, #tpu.memory_space<vmem>>, vector<16xf32>,
      %parallel_loop3A_160 = arith.index_cast %parallel_loop3A_153 : i32 to index
      %parallel_loop3A_161 = arith.constant 32 : index
      %parallel_loop3A_162 = tpu.vector_load %arg5[%parallel_loop3A_160, %parallel_loop3A_161] {strides = array<i32>} : memref<8x256xf32, #tpu.memory_space<vmem>>, vector<16xf32>,
      %parallel_loop3A_163 = arith.index_cast %parallel_loop3A_153 : i32 to index
      %parallel_loop3A_164 = arith.constant 48 : index
      %parallel_loop3A_165 = tpu.vector_load %arg5[%parallel_loop3A_163, %parallel_loop3A_164] {strides = array<i32>} : memref<8x256xf32, #tpu.memory_space<vmem>>, vector<16xf32>,
      %parallel_loop3A_166 = arith.index_cast %parallel_loop3A_153 : i32 to index
      %parallel_loop3A_167 = arith.constant 64 : index
      %parallel_loop3A_168 = tpu.vector_load %arg5[%parallel_loop3A_166, %parallel_loop3A_167] {strides = array<i32>} : memref<8x256xf32, #tpu.memory_space<vmem>>, vector<16xf32>,
      %parallel_loop3A_169 = arith.index_cast %parallel_loop3A_153 : i32 to index
      %parallel_loop3A_170 = arith.constant 80 : index
      %parallel_loop3A_171 = tpu.vector_load %arg5[%parallel_loop3A_169, %parallel_loop3A_170] {strides = array<i32>} : memref<8x256xf32, #tpu.memory_space<vmem>>, vector<16xf32>,
      %parallel_loop3A_172 = arith.index_cast %parallel_loop3A_153 : i32 to index
      %parallel_loop3A_173 = arith.constant 96 : index
      %parallel_loop3A_174 = tpu.vector_load %arg5[%parallel_loop3A_172, %parallel_loop3A_173] {strides = array<i32>} : memref<8x256xf32, #tpu.memory_space<vmem>>, vector<16xf32>,
      %parallel_loop3A_175 = arith.index_cast %parallel_loop3A_153 : i32 to index
      %parallel_loop3A_176 = arith.constant 112 : index
      %parallel_loop3A_177 = tpu.vector_load %arg5[%parallel_loop3A_175, %parallel_loop3A_176] {strides = array<i32>} : memref<8x256xf32, #tpu.memory_space<vmem>>, vector<16xf32>,
      %parallel_loop3A_178 = arith.index_cast %parallel_loop3A_153 : i32 to index
      %parallel_loop3A_179 = arith.constant 128 : index
      %parallel_loop3A_180 = tpu.vector_load %arg5[%parallel_loop3A_178, %parallel_loop3A_179] {strides = array<i32>} : memref<8x256xf32, #tpu.memory_space<vmem>>, vector<16xf32>,
      %parallel_loop3A_181 = arith.index_cast %parallel_loop3A_153 : i32 to index
      %parallel_loop3A_182 = arith.constant 144 : index
      %parallel_loop3A_183 = tpu.vector_load %arg5[%parallel_loop3A_181, %parallel_loop3A_182] {strides = array<i32>} : memref<8x256xf32, #tpu.memory_space<vmem>>, vector<16xf32>,
      %parallel_loop3A_184 = arith.index_cast %parallel_loop3A_153 : i32 to index
      %parallel_loop3A_185 = arith.constant 160 : index
      %parallel_loop3A_186 = tpu.vector_load %arg5[%parallel_loop3A_184, %parallel_loop3A_185] {strides = array<i32>} : memref<8x256xf32, #tpu.memory_space<vmem>>, vector<16xf32>,
      %parallel_loop3A_187 = arith.index_cast %parallel_loop3A_153 : i32 to index
      %parallel_loop3A_188 = arith.constant 176 : index
      %parallel_loop3A_189 = tpu.vector_load %arg5[%parallel_loop3A_187, %parallel_loop3A_188] {strides = array<i32>} : memref<8x256xf32, #tpu.memory_space<vmem>>, vector<16xf32>,
      %parallel_loop3A_190 = arith.index_cast %parallel_loop3A_153 : i32 to index
      %parallel_loop3A_191 = arith.constant 192 : index
      %parallel_loop3A_192 = tpu.vector_load %arg5[%parallel_loop3A_190, %parallel_loop3A_191] {strides = array<i32>} : memref<8x256xf32, #tpu.memory_space<vmem>>, vector<16xf32>,
      %parallel_loop3A_193 = arith.index_cast %parallel_loop3A_153 : i32 to index
      %parallel_loop3A_194 = arith.constant 208 : index
      %parallel_loop3A_195 = tpu.vector_load %arg5[%parallel_loop3A_193, %parallel_loop3A_194] {strides = array<i32>} : memref<8x256xf32, #tpu.memory_space<vmem>>, vector<16xf32>,
      %parallel_loop3A_196 = arith.index_cast %parallel_loop3A_153 : i32 to index
      %parallel_loop3A_197 = arith.constant 224 : index
      %parallel_loop3A_198 = tpu.vector_load %arg5[%parallel_loop3A_196, %parallel_loop3A_197] {strides = array<i32>} : memref<8x256xf32, #tpu.memory_space<vmem>>, vector<16xf32>,
      %parallel_loop3A_199 = arith.index_cast %parallel_loop3A_153 : i32 to index
      %parallel_loop3A_200 = arith.constant 240 : index
      %parallel_loop3A_201 = tpu.vector_load %arg5[%parallel_loop3A_199, %parallel_loop3A_200] {strides = array<i32>} : memref<8x256xf32, #tpu.memory_space<vmem>>, vector<16xf32>,
      %parallel_loop3A_202 = arith.constant 1 : i32
      %parallel_loop3A_203 = arith.addi %parallel_loop3A_153, %parallel_loop3A_202 : i32
      %parallel_loop3A_204 = arith.index_cast %parallel_loop3A_203 : i32 to index
      %parallel_loop3A_205 = arith.constant 0 : index
      %parallel_loop3A_206 = tpu.vector_load %arg5[%parallel_loop3A_204, %parallel_loop3A_205] {strides = array<i32>} : memref<8x256xf32, #tpu.memory_space<vmem>>, vector<16xf32>,
      %parallel_loop3A_207 = arith.constant 1 : i32
      %parallel_loop3A_208 = arith.addi %parallel_loop3A_153, %parallel_loop3A_207 : i32
      %parallel_loop3A_209 = arith.index_cast %parallel_loop3A_208 : i32 to index
      %parallel_loop3A_210 = arith.constant 16 : index
      %parallel_loop3A_211 = tpu.vector_load %arg5[%parallel_loop3A_209, %parallel_loop3A_210] {strides = array<i32>} : memref<8x256xf32, #tpu.memory_space<vmem>>, vector<16xf32>,
      %parallel_loop3A_212 = arith.constant 1 : i32
      %parallel_loop3A_213 = arith.addi %parallel_loop3A_153, %parallel_loop3A_212 : i32
      %parallel_loop3A_214 = arith.index_cast %parallel_loop3A_213 : i32 to index
      %parallel_loop3A_215 = arith.constant 32 : index
      %parallel_loop3A_216 = tpu.vector_load %arg5[%parallel_loop3A_214, %parallel_loop3A_215] {strides = array<i32>} : memref<8x256xf32, #tpu.memory_space<vmem>>, vector<16xf32>,
      %parallel_loop3A_217 = arith.constant 1 : i32
      %parallel_loop3A_218 = arith.addi %parallel_loop3A_153, %parallel_loop3A_217 : i32
      %parallel_loop3A_219 = arith.index_cast %parallel_loop3A_218 : i32 to index
      %parallel_loop3A_220 = arith.constant 48 : index
      %parallel_loop3A_221 = tpu.vector_load %arg5[%parallel_loop3A_219, %parallel_loop3A_220] {strides = array<i32>} : memref<8x256xf32, #tpu.memory_space<vmem>>, vector<16xf32>,
      %parallel_loop3A_222 = arith.constant 1 : i32
      %parallel_loop3A_223 = arith.addi %parallel_loop3A_153, %parallel_loop3A_222 : i32
      %parallel_loop3A_224 = arith.index_cast %parallel_loop3A_223 : i32 to index
      %parallel_loop3A_225 = arith.constant 64 : index
      %parallel_loop3A_226 = tpu.vector_load %arg5[%parallel_loop3A_224, %parallel_loop3A_225] {strides = array<i32>} : memref<8x256xf32, #tpu.memory_space<vmem>>, vector<16xf32>,
      %parallel_loop3A_227 = arith.constant 1 : i32
      %parallel_loop3A_228 = arith.addi %parallel_loop3A_153, %parallel_loop3A_227 : i32
      %parallel_loop3A_229 = arith.index_cast %parallel_loop3A_228 : i32 to index
      %parallel_loop3A_230 = arith.constant 80 : index
      %parallel_loop3A_231 = tpu.vector_load %arg5[%parallel_loop3A_229, %parallel_loop3A_230] {strides = array<i32>} : memref<8x256xf32, #tpu.memory_space<vmem>>, vector<16xf32>,
      %parallel_loop3A_232 = arith.constant 1 : i32
      %parallel_loop3A_233 = arith.addi %parallel_loop3A_153, %parallel_loop3A_232 : i32
      %parallel_loop3A_234 = arith.index_cast %parallel_loop3A_233 : i32 to index
      %parallel_loop3A_235 = arith.constant 96 : index
      %parallel_loop3A_236 = tpu.vector_load %arg5[%parallel_loop3A_234, %parallel_loop3A_235] {strides = array<i32>} : memref<8x256xf32, #tpu.memory_space<vmem>>, vector<16xf32>,
      %parallel_loop3A_237 = arith.constant 1 : i32
      %parallel_loop3A_238 = arith.addi %parallel_loop3A_153, %parallel_loop3A_237 : i32
      %parallel_loop3A_239 = arith.index_cast %parallel_loop3A_238 : i32 to index
      %parallel_loop3A_240 = arith.constant 112 : index
      %parallel_loop3A_241 = tpu.vector_load %arg5[%parallel_loop3A_239, %parallel_loop3A_240] {strides = array<i32>} : memref<8x256xf32, #tpu.memory_space<vmem>>, vector<16xf32>,
      %parallel_loop3A_242 = arith.constant 1 : i32
      %parallel_loop3A_243 = arith.addi %parallel_loop3A_153, %parallel_loop3A_242 : i32
      %parallel_loop3A_244 = arith.index_cast %parallel_loop3A_243 : i32 to index
      %parallel_loop3A_245 = arith.constant 128 : index
      %parallel_loop3A_246 = tpu.vector_load %arg5[%parallel_loop3A_244, %parallel_loop3A_245] {strides = array<i32>} : memref<8x256xf32, #tpu.memory_space<vmem>>, vector<16xf32>,
      %parallel_loop3A_247 = arith.constant 1 : i32
      %parallel_loop3A_248 = arith.addi %parallel_loop3A_153, %parallel_loop3A_247 : i32
      %parallel_loop3A_249 = arith.index_cast %parallel_loop3A_248 : i32 to index
      %parallel_loop3A_250 = arith.constant 144 : index
      %parallel_loop3A_251 = tpu.vector_load %arg5[%parallel_loop3A_249, %parallel_loop3A_250] {strides = array<i32>} : memref<8x256xf32, #tpu.memory_space<vmem>>, vector<16xf32>,
      %parallel_loop3A_252 = arith.constant 1 : i32
      %parallel_loop3A_253 = arith.addi %parallel_loop3A_153, %parallel_loop3A_252 : i32
      %parallel_loop3A_254 = arith.index_cast %parallel_loop3A_253 : i32 to index
      %parallel_loop3A_255 = arith.constant 160 : index
      %parallel_loop3A_256 = tpu.vector_load %arg5[%parallel_loop3A_254, %parallel_loop3A_255] {strides = array<i32>} : memref<8x256xf32, #tpu.memory_space<vmem>>, vector<16xf32>,
      %parallel_loop3A_257 = arith.constant 1 : i32
      %parallel_loop3A_258 = arith.addi %parallel_loop3A_153, %parallel_loop3A_257 : i32
      %parallel_loop3A_259 = arith.index_cast %parallel_loop3A_258 : i32 to index
      %parallel_loop3A_260 = arith.constant 176 : index
      %parallel_loop3A_261 = tpu.vector_load %arg5[%parallel_loop3A_259, %parallel_loop3A_260] {strides = array<i32>} : memref<8x256xf32, #tpu.memory_space<vmem>>, vector<16xf32>,
      %parallel_loop3A_262 = arith.constant 1 : i32
      %parallel_loop3A_263 = arith.addi %parallel_loop3A_153, %parallel_loop3A_262 : i32
      %parallel_loop3A_264 = arith.index_cast %parallel_loop3A_263 : i32 to index
      %parallel_loop3A_265 = arith.constant 192 : index
      %parallel_loop3A_266 = tpu.vector_load %arg5[%parallel_loop3A_264, %parallel_loop3A_265] {strides = array<i32>} : memref<8x256xf32, #tpu.memory_space<vmem>>, vector<16xf32>,
      %parallel_loop3A_267 = arith.constant 1 : i32
      %parallel_loop3A_268 = arith.addi %parallel_loop3A_153, %parallel_loop3A_267 : i32
      %parallel_loop3A_269 = arith.index_cast %parallel_loop3A_268 : i32 to index
      %parallel_loop3A_270 = arith.constant 208 : index
      %parallel_loop3A_271 = tpu.vector_load %arg5[%parallel_loop3A_269, %parallel_loop3A_270] {strides = array<i32>} : memref<8x256xf32, #tpu.memory_space<vmem>>, vector<16xf32>,
      %parallel_loop3A_272 = arith.constant 1 : i32
      %parallel_loop3A_273 = arith.addi %parallel_loop3A_153, %parallel_loop3A_272 : i32
      %parallel_loop3A_274 = arith.index_cast %parallel_loop3A_273 : i32 to index
      %parallel_loop3A_275 = arith.constant 224 : index
      %parallel_loop3A_276 = tpu.vector_load %arg5[%parallel_loop3A_274, %parallel_loop3A_275] {strides = array<i32>} : memref<8x256xf32, #tpu.memory_space<vmem>>, vector<16xf32>,
      %parallel_loop3A_277 = arith.constant 1 : i32
      %parallel_loop3A_278 = arith.addi %parallel_loop3A_153, %parallel_loop3A_277 : i32
      %parallel_loop3A_279 = arith.index_cast %parallel_loop3A_278 : i32 to index
      %parallel_loop3A_280 = arith.constant 240 : index
      %parallel_loop3A_281 = tpu.vector_load %arg5[%parallel_loop3A_279, %parallel_loop3A_280] {strides = array<i32>} : memref<8x256xf32, #tpu.memory_space<vmem>>, vector<16xf32>,
      %parallel_loop3A_282 = arith.constant 0 : i32
      %parallel_loop3A_283 = arith.constant 16 : i32
      %parallel_loop3A_284 = arith.constant 1 : i32
      scf.for %parallel_loop3A_285 = %parallel_loop3A_282 to %parallel_loop3A_283 step %parallel_loop3A_284  : i32 {
        %parallel_loop3A_286 = arith.index_cast %parallel_loop3A_285 : i32 to index
        %parallel_loop3A_287 = arith.constant 0 : index
        %parallel_loop3A_288 = tpu.vector_load %arg6[%parallel_loop3A_286, %parallel_loop3A_287] {strides = array<i32>} : memref<16x256xf32, #tpu.memory_space<vmem>>, vector<16xf32>,
        %parallel_loop3A_289 = arith.addf %parallel_loop3A_156, %parallel_loop3A_288 : vector<16xf32>
        %parallel_loop3A_290 = arith.index_cast %parallel_loop3A_153 : i32 to index
        %parallel_loop3A_291 = arith.index_cast %parallel_loop3A_285 : i32 to index
        %parallel_loop3A_292 = arith.constant 0 : index
        %parallel_loop3A_293 = tpu.vector_load %arg7[%parallel_loop3A_290, %parallel_loop3A_291, %parallel_loop3A_292] {strides = array<i32>} : memref<8x16x256xf32, #tpu.memory_space<vmem>>, vector<16xf32>,
        tpu.vector_store %arg7[%parallel_loop3A_290, %parallel_loop3A_291, %parallel_loop3A_292], %parallel_loop3A_289 {strides = array<i32>} : memref<8x16x256xf32, #tpu.memory_space<vmem>>, vector<16xf32>,
        %parallel_loop3A_294 = arith.addf %parallel_loop3A_206, %parallel_loop3A_288 : vector<16xf32>
        %parallel_loop3A_295 = arith.constant 1 : i32
        %parallel_loop3A_296 = arith.addi %parallel_loop3A_153, %parallel_loop3A_295 : i32
        %parallel_loop3A_297 = arith.index_cast %parallel_loop3A_296 : i32 to index
        %parallel_loop3A_298 = arith.index_cast %parallel_loop3A_285 : i32 to index
        %parallel_loop3A_299 = arith.constant 0 : index
        %parallel_loop3A_300 = tpu.vector_load %arg7[%parallel_loop3A_297, %parallel_loop3A_298, %parallel_loop3A_299] {strides = array<i32>} : memref<8x16x256xf32, #tpu.memory_space<vmem>>, vector<16xf32>,
        tpu.vector_store %arg7[%parallel_loop3A_297, %parallel_loop3A_298, %parallel_loop3A_299], %parallel_loop3A_294 {strides = array<i32>} : memref<8x16x256xf32, #tpu.memory_space<vmem>>, vector<16xf32>,
        %parallel_loop3A_301 = arith.index_cast %parallel_loop3A_285 : i32 to index
        %parallel_loop3A_302 = arith.constant 16 : index
        %parallel_loop3A_303 = tpu.vector_load %arg6[%parallel_loop3A_301, %parallel_loop3A_302] {strides = array<i32>} : memref<16x256xf32, #tpu.memory_space<vmem>>, vector<16xf32>,
        %parallel_loop3A_304 = arith.addf %parallel_loop3A_159, %parallel_loop3A_303 : vector<16xf32>
        %parallel_loop3A_305 = arith.index_cast %parallel_loop3A_153 : i32 to index
        %parallel_loop3A_306 = arith.index_cast %parallel_loop3A_285 : i32 to index
        %parallel_loop3A_307 = arith.constant 16 : index
        %parallel_loop3A_308 = tpu.vector_load %arg7[%parallel_loop3A_305, %parallel_loop3A_306, %parallel_loop3A_307] {strides = array<i32>} : memref<8x16x256xf32, #tpu.memory_space<vmem>>, vector<16xf32>,
        tpu.vector_store %arg7[%parallel_loop3A_305, %parallel_loop3A_306, %parallel_loop3A_307], %parallel_loop3A_304 {strides = array<i32>} : memref<8x16x256xf32, #tpu.memory_space<vmem>>, vector<16xf32>,
        %parallel_loop3A_309 = arith.addf %parallel_loop3A_211, %parallel_loop3A_303 : vector<16xf32>
        %parallel_loop3A_310 = arith.constant 1 : i32
        %parallel_loop3A_311 = arith.addi %parallel_loop3A_153, %parallel_loop3A_310 : i32
        %parallel_loop3A_312 = arith.index_cast %parallel_loop3A_311 : i32 to index
        %parallel_loop3A_313 = arith.index_cast %parallel_loop3A_285 : i32 to index
        %parallel_loop3A_314 = arith.constant 16 : index
        %parallel_loop3A_315 = tpu.vector_load %arg7[%parallel_loop3A_312, %parallel_loop3A_313, %parallel_loop3A_314] {strides = array<i32>} : memref<8x16x256xf32, #tpu.memory_space<vmem>>, vector<16xf32>,
        tpu.vector_store %arg7[%parallel_loop3A_312, %parallel_loop3A_313, %parallel_loop3A_314], %parallel_loop3A_309 {strides = array<i32>} : memref<8x16x256xf32, #tpu.memory_space<vmem>>, vector<16xf32>,
        %parallel_loop3A_316 = arith.index_cast %parallel_loop3A_285 : i32 to index
        %parallel_loop3A_317 = arith.constant 32 : index
        %parallel_loop3A_318 = tpu.vector_load %arg6[%parallel_loop3A_316, %parallel_loop3A_317] {strides = array<i32>} : memref<16x256xf32, #tpu.memory_space<vmem>>, vector<16xf32>,
        %parallel_loop3A_319 = arith.addf %parallel_loop3A_162, %parallel_loop3A_318 : vector<16xf32>
        %parallel_loop3A_320 = arith.index_cast %parallel_loop3A_153 : i32 to index
        %parallel_loop3A_321 = arith.index_cast %parallel_loop3A_285 : i32 to index
        %parallel_loop3A_322 = arith.constant 32 : index
        %parallel_loop3A_323 = tpu.vector_load %arg7[%parallel_loop3A_320, %parallel_loop3A_321, %parallel_loop3A_322] {strides = array<i32>} : memref<8x16x256xf32, #tpu.memory_space<vmem>>, vector<16xf32>,
        tpu.vector_store %arg7[%parallel_loop3A_320, %parallel_loop3A_321, %parallel_loop3A_322], %parallel_loop3A_319 {strides = array<i32>} : memref<8x16x256xf32, #tpu.memory_space<vmem>>, vector<16xf32>,
        %parallel_loop3A_324 = arith.addf %parallel_loop3A_216, %parallel_loop3A_318 : vector<16xf32>
        %parallel_loop3A_325 = arith.constant 1 : i32
        %parallel_loop3A_326 = arith.addi %parallel_loop3A_153, %parallel_loop3A_325 : i32
        %parallel_loop3A_327 = arith.index_cast %parallel_loop3A_326 : i32 to index
        %parallel_loop3A_328 = arith.index_cast %parallel_loop3A_285 : i32 to index
        %parallel_loop3A_329 = arith.constant 32 : index
        %parallel_loop3A_330 = tpu.vector_load %arg7[%parallel_loop3A_327, %parallel_loop3A_328, %parallel_loop3A_329] {strides = array<i32>} : memref<8x16x256xf32, #tpu.memory_space<vmem>>, vector<16xf32>,
        tpu.vector_store %arg7[%parallel_loop3A_327, %parallel_loop3A_328, %parallel_loop3A_329], %parallel_loop3A_324 {strides = array<i32>} : memref<8x16x256xf32, #tpu.memory_space<vmem>>, vector<16xf32>,
        %parallel_loop3A_331 = arith.index_cast %parallel_loop3A_285 : i32 to index
        %parallel_loop3A_332 = arith.constant 48 : index
        %parallel_loop3A_333 = tpu.vector_load %arg6[%parallel_loop3A_331, %parallel_loop3A_332] {strides = array<i32>} : memref<16x256xf32, #tpu.memory_space<vmem>>, vector<16xf32>,
        %parallel_loop3A_334 = arith.addf %parallel_loop3A_165, %parallel_loop3A_333 : vector<16xf32>
        %parallel_loop3A_335 = arith.index_cast %parallel_loop3A_153 : i32 to index
        %parallel_loop3A_336 = arith.index_cast %parallel_loop3A_285 : i32 to index
        %parallel_loop3A_337 = arith.constant 48 : index
        %parallel_loop3A_338 = tpu.vector_load %arg7[%parallel_loop3A_335, %parallel_loop3A_336, %parallel_loop3A_337] {strides = array<i32>} : memref<8x16x256xf32, #tpu.memory_space<vmem>>, vector<16xf32>,
        tpu.vector_store %arg7[%parallel_loop3A_335, %parallel_loop3A_336, %parallel_loop3A_337], %parallel_loop3A_334 {strides = array<i32>} : memref<8x16x256xf32, #tpu.memory_space<vmem>>, vector<16xf32>,
        %parallel_loop3A_339 = arith.addf %parallel_loop3A_221, %parallel_loop3A_333 : vector<16xf32>
        %parallel_loop3A_340 = arith.constant 1 : i32
        %parallel_loop3A_341 = arith.addi %parallel_loop3A_153, %parallel_loop3A_340 : i32
        %parallel_loop3A_342 = arith.index_cast %parallel_loop3A_341 : i32 to index
        %parallel_loop3A_343 = arith.index_cast %parallel_loop3A_285 : i32 to index
        %parallel_loop3A_344 = arith.constant 48 : index
        %parallel_loop3A_345 = tpu.vector_load %arg7[%parallel_loop3A_342, %parallel_loop3A_343, %parallel_loop3A_344] {strides = array<i32>} : memref<8x16x256xf32, #tpu.memory_space<vmem>>, vector<16xf32>,
        tpu.vector_store %arg7[%parallel_loop3A_342, %parallel_loop3A_343, %parallel_loop3A_344], %parallel_loop3A_339 {strides = array<i32>} : memref<8x16x256xf32, #tpu.memory_space<vmem>>, vector<16xf32>,
        %parallel_loop3A_346 = arith.index_cast %parallel_loop3A_285 : i32 to index
        %parallel_loop3A_347 = arith.constant 64 : index
        %parallel_loop3A_348 = tpu.vector_load %arg6[%parallel_loop3A_346, %parallel_loop3A_347] {strides = array<i32>} : memref<16x256xf32, #tpu.memory_space<vmem>>, vector<16xf32>,
        %parallel_loop3A_349 = arith.addf %parallel_loop3A_168, %parallel_loop3A_348 : vector<16xf32>
        %parallel_loop3A_350 = arith.index_cast %parallel_loop3A_153 : i32 to index
        %parallel_loop3A_351 = arith.index_cast %parallel_loop3A_285 : i32 to index
        %parallel_loop3A_352 = arith.constant 64 : index
        %parallel_loop3A_353 = tpu.vector_load %arg7[%parallel_loop3A_350, %parallel_loop3A_351, %parallel_loop3A_352] {strides = array<i32>} : memref<8x16x256xf32, #tpu.memory_space<vmem>>, vector<16xf32>,
        tpu.vector_store %arg7[%parallel_loop3A_350, %parallel_loop3A_351, %parallel_loop3A_352], %parallel_loop3A_349 {strides = array<i32>} : memref<8x16x256xf32, #tpu.memory_space<vmem>>, vector<16xf32>,
        %parallel_loop3A_354 = arith.addf %parallel_loop3A_226, %parallel_loop3A_348 : vector<16xf32>
        %parallel_loop3A_355 = arith.constant 1 : i32
        %parallel_loop3A_356 = arith.addi %parallel_loop3A_153, %parallel_loop3A_355 : i32
        %parallel_loop3A_357 = arith.index_cast %parallel_loop3A_356 : i32 to index
        %parallel_loop3A_358 = arith.index_cast %parallel_loop3A_285 : i32 to index
        %parallel_loop3A_359 = arith.constant 64 : index
        %parallel_loop3A_360 = tpu.vector_load %arg7[%parallel_loop3A_357, %parallel_loop3A_358, %parallel_loop3A_359] {strides = array<i32>} : memref<8x16x256xf32, #tpu.memory_space<vmem>>, vector<16xf32>,
        tpu.vector_store %arg7[%parallel_loop3A_357, %parallel_loop3A_358, %parallel_loop3A_359], %parallel_loop3A_354 {strides = array<i32>} : memref<8x16x256xf32, #tpu.memory_space<vmem>>, vector<16xf32>,
        %parallel_loop3A_361 = arith.index_cast %parallel_loop3A_285 : i32 to index
        %parallel_loop3A_362 = arith.constant 80 : index
        %parallel_loop3A_363 = tpu.vector_load %arg6[%parallel_loop3A_361, %parallel_loop3A_362] {strides = array<i32>} : memref<16x256xf32, #tpu.memory_space<vmem>>, vector<16xf32>,
        %parallel_loop3A_364 = arith.addf %parallel_loop3A_171, %parallel_loop3A_363 : vector<16xf32>
        %parallel_loop3A_365 = arith.index_cast %parallel_loop3A_153 : i32 to index
        %parallel_loop3A_366 = arith.index_cast %parallel_loop3A_285 : i32 to index
        %parallel_loop3A_367 = arith.constant 80 : index
        %parallel_loop3A_368 = tpu.vector_load %arg7[%parallel_loop3A_365, %parallel_loop3A_366, %parallel_loop3A_367] {strides = array<i32>} : memref<8x16x256xf32, #tpu.memory_space<vmem>>, vector<16xf32>,
        tpu.vector_store %arg7[%parallel_loop3A_365, %parallel_loop3A_366, %parallel_loop3A_367], %parallel_loop3A_364 {strides = array<i32>} : memref<8x16x256xf32, #tpu.memory_space<vmem>>, vector<16xf32>,
        %parallel_loop3A_369 = arith.addf %parallel_loop3A_231, %parallel_loop3A_363 : vector<16xf32>
        %parallel_loop3A_370 = arith.constant 1 : i32
        %parallel_loop3A_371 = arith.addi %parallel_loop3A_153, %parallel_loop3A_370 : i32
        %parallel_loop3A_372 = arith.index_cast %parallel_loop3A_371 : i32 to index
        %parallel_loop3A_373 = arith.index_cast %parallel_loop3A_285 : i32 to index
        %parallel_loop3A_374 = arith.constant 80 : index
        %parallel_loop3A_375 = tpu.vector_load %arg7[%parallel_loop3A_372, %parallel_loop3A_373, %parallel_loop3A_374] {strides = array<i32>} : memref<8x16x256xf32, #tpu.memory_space<vmem>>, vector<16xf32>,
        tpu.vector_store %arg7[%parallel_loop3A_372, %parallel_loop3A_373, %parallel_loop3A_374], %parallel_loop3A_369 {strides = array<i32>} : memref<8x16x256xf32, #tpu.memory_space<vmem>>, vector<16xf32>,
        %parallel_loop3A_376 = arith.index_cast %parallel_loop3A_285 : i32 to index
        %parallel_loop3A_377 = arith.constant 96 : index
        %parallel_loop3A_378 = tpu.vector_load %arg6[%parallel_loop3A_376, %parallel_loop3A_377] {strides = array<i32>} : memref<16x256xf32, #tpu.memory_space<vmem>>, vector<16xf32>,
        %parallel_loop3A_379 = arith.addf %parallel_loop3A_174, %parallel_loop3A_378 : vector<16xf32>
        %parallel_loop3A_380 = arith.index_cast %parallel_loop3A_153 : i32 to index
        %parallel_loop3A_381 = arith.index_cast %parallel_loop3A_285 : i32 to index
        %parallel_loop3A_382 = arith.constant 96 : index
        %parallel_loop3A_383 = tpu.vector_load %arg7[%parallel_loop3A_380, %parallel_loop3A_381, %parallel_loop3A_382] {strides = array<i32>} : memref<8x16x256xf32, #tpu.memory_space<vmem>>, vector<16xf32>,
        tpu.vector_store %arg7[%parallel_loop3A_380, %parallel_loop3A_381, %parallel_loop3A_382], %parallel_loop3A_379 {strides = array<i32>} : memref<8x16x256xf32, #tpu.memory_space<vmem>>, vector<16xf32>,
        %parallel_loop3A_384 = arith.addf %parallel_loop3A_236, %parallel_loop3A_378 : vector<16xf32>
        %parallel_loop3A_385 = arith.constant 1 : i32
        %parallel_loop3A_386 = arith.addi %parallel_loop3A_153, %parallel_loop3A_385 : i32
        %parallel_loop3A_387 = arith.index_cast %parallel_loop3A_386 : i32 to index
        %parallel_loop3A_388 = arith.index_cast %parallel_loop3A_285 : i32 to index
        %parallel_loop3A_389 = arith.constant 96 : index
        %parallel_loop3A_390 = tpu.vector_load %arg7[%parallel_loop3A_387, %parallel_loop3A_388, %parallel_loop3A_389] {strides = array<i32>} : memref<8x16x256xf32, #tpu.memory_space<vmem>>, vector<16xf32>,
        tpu.vector_store %arg7[%parallel_loop3A_387, %parallel_loop3A_388, %parallel_loop3A_389], %parallel_loop3A_384 {strides = array<i32>} : memref<8x16x256xf32, #tpu.memory_space<vmem>>, vector<16xf32>,
        %parallel_loop3A_391 = arith.index_cast %parallel_loop3A_285 : i32 to index
        %parallel_loop3A_392 = arith.constant 112 : index
        %parallel_loop3A_393 = tpu.vector_load %arg6[%parallel_loop3A_391, %parallel_loop3A_392] {strides = array<i32>} : memref<16x256xf32, #tpu.memory_space<vmem>>, vector<16xf32>,
        %parallel_loop3A_394 = arith.addf %parallel_loop3A_177, %parallel_loop3A_393 : vector<16xf32>
        %parallel_loop3A_395 = arith.index_cast %parallel_loop3A_153 : i32 to index
        %parallel_loop3A_396 = arith.index_cast %parallel_loop3A_285 : i32 to index
        %parallel_loop3A_397 = arith.constant 112 : index
        %parallel_loop3A_398 = tpu.vector_load %arg7[%parallel_loop3A_395, %parallel_loop3A_396, %parallel_loop3A_397] {strides = array<i32>} : memref<8x16x256xf32, #tpu.memory_space<vmem>>, vector<16xf32>,
        tpu.vector_store %arg7[%parallel_loop3A_395, %parallel_loop3A_396, %parallel_loop3A_397], %parallel_loop3A_394 {strides = array<i32>} : memref<8x16x256xf32, #tpu.memory_space<vmem>>, vector<16xf32>,
        %parallel_loop3A_399 = arith.addf %parallel_loop3A_241, %parallel_loop3A_393 : vector<16xf32>
        %parallel_loop3A_400 = arith.constant 1 : i32
        %parallel_loop3A_401 = arith.addi %parallel_loop3A_153, %parallel_loop3A_400 : i32
        %parallel_loop3A_402 = arith.index_cast %parallel_loop3A_401 : i32 to index
        %parallel_loop3A_403 = arith.index_cast %parallel_loop3A_285 : i32 to index
        %parallel_loop3A_404 = arith.constant 112 : index
        %parallel_loop3A_405 = tpu.vector_load %arg7[%parallel_loop3A_402, %parallel_loop3A_403, %parallel_loop3A_404] {strides = array<i32>} : memref<8x16x256xf32, #tpu.memory_space<vmem>>, vector<16xf32>,
        tpu.vector_store %arg7[%parallel_loop3A_402, %parallel_loop3A_403, %parallel_loop3A_404], %parallel_loop3A_399 {strides = array<i32>} : memref<8x16x256xf32, #tpu.memory_space<vmem>>, vector<16xf32>,
        %parallel_loop3A_406 = arith.index_cast %parallel_loop3A_285 : i32 to index
        %parallel_loop3A_407 = arith.constant 128 : index
        %parallel_loop3A_408 = tpu.vector_load %arg6[%parallel_loop3A_406, %parallel_loop3A_407] {strides = array<i32>} : memref<16x256xf32, #tpu.memory_space<vmem>>, vector<16xf32>,
        %parallel_loop3A_409 = arith.addf %parallel_loop3A_180, %parallel_loop3A_408 : vector<16xf32>
        %parallel_loop3A_410 = arith.index_cast %parallel_loop3A_153 : i32 to index
        %parallel_loop3A_411 = arith.index_cast %parallel_loop3A_285 : i32 to index
        %parallel_loop3A_412 = arith.constant 128 : index
        %parallel_loop3A_413 = tpu.vector_load %arg7[%parallel_loop3A_410, %parallel_loop3A_411, %parallel_loop3A_412] {strides = array<i32>} : memref<8x16x256xf32, #tpu.memory_space<vmem>>, vector<16xf32>,
        tpu.vector_store %arg7[%parallel_loop3A_410, %parallel_loop3A_411, %parallel_loop3A_412], %parallel_loop3A_409 {strides = array<i32>} : memref<8x16x256xf32, #tpu.memory_space<vmem>>, vector<16xf32>,
        %parallel_loop3A_414 = arith.addf %parallel_loop3A_246, %parallel_loop3A_408 : vector<16xf32>
        %parallel_loop3A_415 = arith.constant 1 : i32
        %parallel_loop3A_416 = arith.addi %parallel_loop3A_153, %parallel_loop3A_415 : i32
        %parallel_loop3A_417 = arith.index_cast %parallel_loop3A_416 : i32 to index
        %parallel_loop3A_418 = arith.index_cast %parallel_loop3A_285 : i32 to index
        %parallel_loop3A_419 = arith.constant 128 : index
        %parallel_loop3A_420 = tpu.vector_load %arg7[%parallel_loop3A_417, %parallel_loop3A_418, %parallel_loop3A_419] {strides = array<i32>} : memref<8x16x256xf32, #tpu.memory_space<vmem>>, vector<16xf32>,
        tpu.vector_store %arg7[%parallel_loop3A_417, %parallel_loop3A_418, %parallel_loop3A_419], %parallel_loop3A_414 {strides = array<i32>} : memref<8x16x256xf32, #tpu.memory_space<vmem>>, vector<16xf32>,
        %parallel_loop3A_421 = arith.index_cast %parallel_loop3A_285 : i32 to index
        %parallel_loop3A_422 = arith.constant 144 : index
        %parallel_loop3A_423 = tpu.vector_load %arg6[%parallel_loop3A_421, %parallel_loop3A_422] {strides = array<i32>} : memref<16x256xf32, #tpu.memory_space<vmem>>, vector<16xf32>,
        %parallel_loop3A_424 = arith.addf %parallel_loop3A_183, %parallel_loop3A_423 : vector<16xf32>
        %parallel_loop3A_425 = arith.index_cast %parallel_loop3A_153 : i32 to index
        %parallel_loop3A_426 = arith.index_cast %parallel_loop3A_285 : i32 to index
        %parallel_loop3A_427 = arith.constant 144 : index
        %parallel_loop3A_428 = tpu.vector_load %arg7[%parallel_loop3A_425, %parallel_loop3A_426, %parallel_loop3A_427] {strides = array<i32>} : memref<8x16x256xf32, #tpu.memory_space<vmem>>, vector<16xf32>,
        tpu.vector_store %arg7[%parallel_loop3A_425, %parallel_loop3A_426, %parallel_loop3A_427], %parallel_loop3A_424 {strides = array<i32>} : memref<8x16x256xf32, #tpu.memory_space<vmem>>, vector<16xf32>,
        %parallel_loop3A_429 = arith.addf %parallel_loop3A_251, %parallel_loop3A_423 : vector<16xf32>
        %parallel_loop3A_430 = arith.constant 1 : i32
        %parallel_loop3A_431 = arith.addi %parallel_loop3A_153, %parallel_loop3A_430 : i32
        %parallel_loop3A_432 = arith.index_cast %parallel_loop3A_431 : i32 to index
        %parallel_loop3A_433 = arith.index_cast %parallel_loop3A_285 : i32 to index
        %parallel_loop3A_434 = arith.constant 144 : index
        %parallel_loop3A_435 = tpu.vector_load %arg7[%parallel_loop3A_432, %parallel_loop3A_433, %parallel_loop3A_434] {strides = array<i32>} : memref<8x16x256xf32, #tpu.memory_space<vmem>>, vector<16xf32>,
        tpu.vector_store %arg7[%parallel_loop3A_432, %parallel_loop3A_433, %parallel_loop3A_434], %parallel_loop3A_429 {strides = array<i32>} : memref<8x16x256xf32, #tpu.memory_space<vmem>>, vector<16xf32>,
        %parallel_loop3A_436 = arith.index_cast %parallel_loop3A_285 : i32 to index
        %parallel_loop3A_437 = arith.constant 160 : index
        %parallel_loop3A_438 = tpu.vector_load %arg6[%parallel_loop3A_436, %parallel_loop3A_437] {strides = array<i32>} : memref<16x256xf32, #tpu.memory_space<vmem>>, vector<16xf32>,
        %parallel_loop3A_439 = arith.addf %parallel_loop3A_186, %parallel_loop3A_438 : vector<16xf32>
        %parallel_loop3A_440 = arith.index_cast %parallel_loop3A_153 : i32 to index
        %parallel_loop3A_441 = arith.index_cast %parallel_loop3A_285 : i32 to index
        %parallel_loop3A_442 = arith.constant 160 : index
        %parallel_loop3A_443 = tpu.vector_load %arg7[%parallel_loop3A_440, %parallel_loop3A_441, %parallel_loop3A_442] {strides = array<i32>} : memref<8x16x256xf32, #tpu.memory_space<vmem>>, vector<16xf32>,
        tpu.vector_store %arg7[%parallel_loop3A_440, %parallel_loop3A_441, %parallel_loop3A_442], %parallel_loop3A_439 {strides = array<i32>} : memref<8x16x256xf32, #tpu.memory_space<vmem>>, vector<16xf32>,
        %parallel_loop3A_444 = arith.addf %parallel_loop3A_256, %parallel_loop3A_438 : vector<16xf32>
        %parallel_loop3A_445 = arith.constant 1 : i32
        %parallel_loop3A_446 = arith.addi %parallel_loop3A_153, %parallel_loop3A_445 : i32
        %parallel_loop3A_447 = arith.index_cast %parallel_loop3A_446 : i32 to index
        %parallel_loop3A_448 = arith.index_cast %parallel_loop3A_285 : i32 to index
        %parallel_loop3A_449 = arith.constant 160 : index
        %parallel_loop3A_450 = tpu.vector_load %arg7[%parallel_loop3A_447, %parallel_loop3A_448, %parallel_loop3A_449] {strides = array<i32>} : memref<8x16x256xf32, #tpu.memory_space<vmem>>, vector<16xf32>,
        tpu.vector_store %arg7[%parallel_loop3A_447, %parallel_loop3A_448, %parallel_loop3A_449], %parallel_loop3A_444 {strides = array<i32>} : memref<8x16x256xf32, #tpu.memory_space<vmem>>, vector<16xf32>,
        %parallel_loop3A_451 = arith.index_cast %parallel_loop3A_285 : i32 to index
        %parallel_loop3A_452 = arith.constant 176 : index
        %parallel_loop3A_453 = tpu.vector_load %arg6[%parallel_loop3A_451, %parallel_loop3A_452] {strides = array<i32>} : memref<16x256xf32, #tpu.memory_space<vmem>>, vector<16xf32>,
        %parallel_loop3A_454 = arith.addf %parallel_loop3A_189, %parallel_loop3A_453 : vector<16xf32>
        %parallel_loop3A_455 = arith.index_cast %parallel_loop3A_153 : i32 to index
        %parallel_loop3A_456 = arith.index_cast %parallel_loop3A_285 : i32 to index
        %parallel_loop3A_457 = arith.constant 176 : index
        %parallel_loop3A_458 = tpu.vector_load %arg7[%parallel_loop3A_455, %parallel_loop3A_456, %parallel_loop3A_457] {strides = array<i32>} : memref<8x16x256xf32, #tpu.memory_space<vmem>>, vector<16xf32>,
        tpu.vector_store %arg7[%parallel_loop3A_455, %parallel_loop3A_456, %parallel_loop3A_457], %parallel_loop3A_454 {strides = array<i32>} : memref<8x16x256xf32, #tpu.memory_space<vmem>>, vector<16xf32>,
        %parallel_loop3A_459 = arith.addf %parallel_loop3A_261, %parallel_loop3A_453 : vector<16xf32>
        %parallel_loop3A_460 = arith.constant 1 : i32
        %parallel_loop3A_461 = arith.addi %parallel_loop3A_153, %parallel_loop3A_460 : i32
        %parallel_loop3A_462 = arith.index_cast %parallel_loop3A_461 : i32 to index
        %parallel_loop3A_463 = arith.index_cast %parallel_loop3A_285 : i32 to index
        %parallel_loop3A_464 = arith.constant 176 : index
        %parallel_loop3A_465 = tpu.vector_load %arg7[%parallel_loop3A_462, %parallel_loop3A_463, %parallel_loop3A_464] {strides = array<i32>} : memref<8x16x256xf32, #tpu.memory_space<vmem>>, vector<16xf32>,
        tpu.vector_store %arg7[%parallel_loop3A_462, %parallel_loop3A_463, %parallel_loop3A_464], %parallel_loop3A_459 {strides = array<i32>} : memref<8x16x256xf32, #tpu.memory_space<vmem>>, vector<16xf32>,
        %parallel_loop3A_466 = arith.index_cast %parallel_loop3A_285 : i32 to index
        %parallel_loop3A_467 = arith.constant 192 : index
        %parallel_loop3A_468 = tpu.vector_load %arg6[%parallel_loop3A_466, %parallel_loop3A_467] {strides = array<i32>} : memref<16x256xf32, #tpu.memory_space<vmem>>, vector<16xf32>,
        %parallel_loop3A_469 = arith.addf %parallel_loop3A_192, %parallel_loop3A_468 : vector<16xf32>
        %parallel_loop3A_470 = arith.index_cast %parallel_loop3A_153 : i32 to index
        %parallel_loop3A_471 = arith.index_cast %parallel_loop3A_285 : i32 to index
        %parallel_loop3A_472 = arith.constant 192 : index
        %parallel_loop3A_473 = tpu.vector_load %arg7[%parallel_loop3A_470, %parallel_loop3A_471, %parallel_loop3A_472] {strides = array<i32>} : memref<8x16x256xf32, #tpu.memory_space<vmem>>, vector<16xf32>,
        tpu.vector_store %arg7[%parallel_loop3A_470, %parallel_loop3A_471, %parallel_loop3A_472], %parallel_loop3A_469 {strides = array<i32>} : memref<8x16x256xf32, #tpu.memory_space<vmem>>, vector<16xf32>,
        %parallel_loop3A_474 = arith.addf %parallel_loop3A_266, %parallel_loop3A_468 : vector<16xf32>
        %parallel_loop3A_475 = arith.constant 1 : i32
        %parallel_loop3A_476 = arith.addi %parallel_loop3A_153, %parallel_loop3A_475 : i32
        %parallel_loop3A_477 = arith.index_cast %parallel_loop3A_476 : i32 to index
        %parallel_loop3A_478 = arith.index_cast %parallel_loop3A_285 : i32 to index
        %parallel_loop3A_479 = arith.constant 192 : index
        %parallel_loop3A_480 = tpu.vector_load %arg7[%parallel_loop3A_477, %parallel_loop3A_478, %parallel_loop3A_479] {strides = array<i32>} : memref<8x16x256xf32, #tpu.memory_space<vmem>>, vector<16xf32>,
        tpu.vector_store %arg7[%parallel_loop3A_477, %parallel_loop3A_478, %parallel_loop3A_479], %parallel_loop3A_474 {strides = array<i32>} : memref<8x16x256xf32, #tpu.memory_space<vmem>>, vector<16xf32>,
        %parallel_loop3A_481 = arith.index_cast %parallel_loop3A_285 : i32 to index
        %parallel_loop3A_482 = arith.constant 208 : index
        %parallel_loop3A_483 = tpu.vector_load %arg6[%parallel_loop3A_481, %parallel_loop3A_482] {strides = array<i32>} : memref<16x256xf32, #tpu.memory_space<vmem>>, vector<16xf32>,
        %parallel_loop3A_484 = arith.addf %parallel_loop3A_195, %parallel_loop3A_483 : vector<16xf32>
        %parallel_loop3A_485 = arith.index_cast %parallel_loop3A_153 : i32 to index
        %parallel_loop3A_486 = arith.index_cast %parallel_loop3A_285 : i32 to index
        %parallel_loop3A_487 = arith.constant 208 : index
        %parallel_loop3A_488 = tpu.vector_load %arg7[%parallel_loop3A_485, %parallel_loop3A_486, %parallel_loop3A_487] {strides = array<i32>} : memref<8x16x256xf32, #tpu.memory_space<vmem>>, vector<16xf32>,
        tpu.vector_store %arg7[%parallel_loop3A_485, %parallel_loop3A_486, %parallel_loop3A_487], %parallel_loop3A_484 {strides = array<i32>} : memref<8x16x256xf32, #tpu.memory_space<vmem>>, vector<16xf32>,
        %parallel_loop3A_489 = arith.addf %parallel_loop3A_271, %parallel_loop3A_483 : vector<16xf32>
        %parallel_loop3A_490 = arith.constant 1 : i32
        %parallel_loop3A_491 = arith.addi %parallel_loop3A_153, %parallel_loop3A_490 : i32
        %parallel_loop3A_492 = arith.index_cast %parallel_loop3A_491 : i32 to index
        %parallel_loop3A_493 = arith.index_cast %parallel_loop3A_285 : i32 to index
        %parallel_loop3A_494 = arith.constant 208 : index
        %parallel_loop3A_495 = tpu.vector_load %arg7[%parallel_loop3A_492, %parallel_loop3A_493, %parallel_loop3A_494] {strides = array<i32>} : memref<8x16x256xf32, #tpu.memory_space<vmem>>, vector<16xf32>,
        tpu.vector_store %arg7[%parallel_loop3A_492, %parallel_loop3A_493, %parallel_loop3A_494], %parallel_loop3A_489 {strides = array<i32>} : memref<8x16x256xf32, #tpu.memory_space<vmem>>, vector<16xf32>,
        %parallel_loop3A_496 = arith.index_cast %parallel_loop3A_285 : i32 to index
        %parallel_loop3A_497 = arith.constant 224 : index
        %parallel_loop3A_498 = tpu.vector_load %arg6[%parallel_loop3A_496, %parallel_loop3A_497] {strides = array<i32>} : memref<16x256xf32, #tpu.memory_space<vmem>>, vector<16xf32>,
        %parallel_loop3A_499 = arith.addf %parallel_loop3A_198, %parallel_loop3A_498 : vector<16xf32>
        %parallel_loop3A_500 = arith.index_cast %parallel_loop3A_153 : i32 to index
        %parallel_loop3A_501 = arith.index_cast %parallel_loop3A_285 : i32 to index
        %parallel_loop3A_502 = arith.constant 224 : index
        %parallel_loop3A_503 = tpu.vector_load %arg7[%parallel_loop3A_500, %parallel_loop3A_501, %parallel_loop3A_502] {strides = array<i32>} : memref<8x16x256xf32, #tpu.memory_space<vmem>>, vector<16xf32>,
        tpu.vector_store %arg7[%parallel_loop3A_500, %parallel_loop3A_501, %parallel_loop3A_502], %parallel_loop3A_499 {strides = array<i32>} : memref<8x16x256xf32, #tpu.memory_space<vmem>>, vector<16xf32>,
        %parallel_loop3A_504 = arith.addf %parallel_loop3A_276, %parallel_loop3A_498 : vector<16xf32>
        %parallel_loop3A_505 = arith.constant 1 : i32
        %parallel_loop3A_506 = arith.addi %parallel_loop3A_153, %parallel_loop3A_505 : i32
        %parallel_loop3A_507 = arith.index_cast %parallel_loop3A_506 : i32 to index
        %parallel_loop3A_508 = arith.index_cast %parallel_loop3A_285 : i32 to index
        %parallel_loop3A_509 = arith.constant 224 : index
        %parallel_loop3A_510 = tpu.vector_load %arg7[%parallel_loop3A_507, %parallel_loop3A_508, %parallel_loop3A_509] {strides = array<i32>} : memref<8x16x256xf32, #tpu.memory_space<vmem>>, vector<16xf32>,
        tpu.vector_store %arg7[%parallel_loop3A_507, %parallel_loop3A_508, %parallel_loop3A_509], %parallel_loop3A_504 {strides = array<i32>} : memref<8x16x256xf32, #tpu.memory_space<vmem>>, vector<16xf32>,
        %parallel_loop3A_511 = arith.index_cast %parallel_loop3A_285 : i32 to index
        %parallel_loop3A_512 = arith.constant 240 : index
        %parallel_loop3A_513 = tpu.vector_load %arg6[%parallel_loop3A_511, %parallel_loop3A_512] {strides = array<i32>} : memref<16x256xf32, #tpu.memory_space<vmem>>, vector<16xf32>,
        %parallel_loop3A_514 = arith.addf %parallel_loop3A_201, %parallel_loop3A_513 : vector<16xf32>
        %parallel_loop3A_515 = arith.index_cast %parallel_loop3A_153 : i32 to index
        %parallel_loop3A_516 = arith.index_cast %parallel_loop3A_285 : i32 to index
        %parallel_loop3A_517 = arith.constant 240 : index
        %parallel_loop3A_518 = tpu.vector_load %arg7[%parallel_loop3A_515, %parallel_loop3A_516, %parallel_loop3A_517] {strides = array<i32>} : memref<8x16x256xf32, #tpu.memory_space<vmem>>, vector<16xf32>,
        tpu.vector_store %arg7[%parallel_loop3A_515, %parallel_loop3A_516, %parallel_loop3A_517], %parallel_loop3A_514 {strides = array<i32>} : memref<8x16x256xf32, #tpu.memory_space<vmem>>, vector<16xf32>,
        %parallel_loop3A_519 = arith.addf %parallel_loop3A_281, %parallel_loop3A_513 : vector<16xf32>
        %parallel_loop3A_520 = arith.constant 1 : i32
        %parallel_loop3A_521 = arith.addi %parallel_loop3A_153, %parallel_loop3A_520 : i32
        %parallel_loop3A_522 = arith.index_cast %parallel_loop3A_521 : i32 to index
        %parallel_loop3A_523 = arith.index_cast %parallel_loop3A_285 : i32 to index
        %parallel_loop3A_524 = arith.constant 240 : index
        %parallel_loop3A_525 = tpu.vector_load %arg7[%parallel_loop3A_522, %parallel_loop3A_523, %parallel_loop3A_524] {strides = array<i32>} : memref<8x16x256xf32, #tpu.memory_space<vmem>>, vector<16xf32>,
        tpu.vector_store %arg7[%parallel_loop3A_522, %parallel_loop3A_523, %parallel_loop3A_524], %parallel_loop3A_519 {strides = array<i32>} : memref<8x16x256xf32, #tpu.memory_space<vmem>>, vector<16xf32>,
      } {sc.loop_unroll_factor = 2 : i64, sc.parallel_access}
    } {sc.loop_unroll_factor = 1 : i64, sc.parallel_access}
    %add3A_57 = arith.constant 2 : i32
    %add3A_58 = arith.addi %mul3A_21, %add3A_57 : i32
    %dma_start3A_59 = arith.constant 2 : i32
    %dma_start3A_60 = arith.constant 0 : i32
    %dma_start3A_61 = arith.constant 0 : i32
    %dma_start3A_62 = tpu.memref_slice %arg7[%dma_start3A_59, %dma_start3A_60, %dma_start3A_61] : memref<8x16x256xf32, #tpu.memory_space<vmem>> -> memref<2x16x256xf32, #tpu.memory_space<vmem>>
    %dma_start3A_63 = arith.constant 0 : i32
    %dma_start3A_64 = tpu.memref_slice %arg4[%add3A_58, %mul3A_23, %dma_start3A_63] : memref<64x64x256xf32, #tpu.memory_space<hbm>> -> memref<2x16x256xf32, #tpu.memory_space<hbm>>
    %dma_start3A_65 = arith.constant 0 : i32
    %dma_start3A_66 = tpu.memref_slice %arg4[%add3A_58, %mul3A_23, %dma_start3A_65] : memref<64x64x256xf32, #tpu.memory_space<hbm>> -> memref<2x16x256xf32, #tpu.memory_space<hbm>>
    %dma_start3A_67 = arith.constant 2 : i32
    %dma_start3A_68 = arith.constant 0 : i32
    %dma_start3A_69 = arith.constant 0 : i32
    %dma_start3A_70 = tpu.memref_slice %arg7[%dma_start3A_67, %dma_start3A_68, %dma_start3A_69] : memref<8x16x256xf32, #tpu.memory_space<vmem>> -> memref<2x16x256xf32, #tpu.memory_space<vmem>>
    tpu.enqueue_dma source(%dma_start3A_70 : memref<2x16x256xf32, #tpu.memory_space<vmem>>) target(%dma_start3A_66 : memref<2x16x256xf32, #tpu.memory_space<hbm>>) target_semaphore(%arg9 : memref<!tpu.dma_semaphore, #tpu.memory_space<semaphore_mem>>)
    %parallel_loop3A_71 = arith.constant 4 : i32
    %parallel_loop3A_72 = arith.constant 6 : i32
    %parallel_loop3A_73 = arith.constant 2 : i32
    scf.for %parallel_loop3A_153 = %parallel_loop3A_71 to %parallel_loop3A_72 step %parallel_loop3A_73  : i32 {
      %parallel_loop3A_154 = arith.index_cast %parallel_loop3A_153 : i32 to index
      %parallel_loop3A_155 = arith.constant 0 : index
      %parallel_loop3A_156 = tpu.vector_load %arg5[%parallel_loop3A_154, %parallel_loop3A_155] {strides = array<i32>} : memref<8x256xf32, #tpu.memory_space<vmem>>, vector<16xf32>,
      %parallel_loop3A_157 = arith.index_cast %parallel_loop3A_153 : i32 to index
      %parallel_loop3A_158 = arith.constant 16 : index
      %parallel_loop3A_159 = tpu.vector_load %arg5[%parallel_loop3A_157, %parallel_loop3A_158] {strides = array<i32>} : memref<8x256xf32, #tpu.memory_space<vmem>>, vector<16xf32>,
      %parallel_loop3A_160 = arith.index_cast %parallel_loop3A_153 : i32 to index
      %parallel_loop3A_161 = arith.constant 32 : index
      %parallel_loop3A_162 = tpu.vector_load %arg5[%parallel_loop3A_160, %parallel_loop3A_161] {strides = array<i32>} : memref<8x256xf32, #tpu.memory_space<vmem>>, vector<16xf32>,
      %parallel_loop3A_163 = arith.index_cast %parallel_loop3A_153 : i32 to index
      %parallel_loop3A_164 = arith.constant 48 : index
      %parallel_loop3A_165 = tpu.vector_load %arg5[%parallel_loop3A_163, %parallel_loop3A_164] {strides = array<i32>} : memref<8x256xf32, #tpu.memory_space<vmem>>, vector<16xf32>,
      %parallel_loop3A_166 = arith.index_cast %parallel_loop3A_153 : i32 to index
      %parallel_loop3A_167 = arith.constant 64 : index
      %parallel_loop3A_168 = tpu.vector_load %arg5[%parallel_loop3A_166, %parallel_loop3A_167] {strides = array<i32>} : memref<8x256xf32, #tpu.memory_space<vmem>>, vector<16xf32>,
      %parallel_loop3A_169 = arith.index_cast %parallel_loop3A_153 : i32 to index
      %parallel_loop3A_170 = arith.constant 80 : index
      %parallel_loop3A_171 = tpu.vector_load %arg5[%parallel_loop3A_169, %parallel_loop3A_170] {strides = array<i32>} : memref<8x256xf32, #tpu.memory_space<vmem>>, vector<16xf32>,
      %parallel_loop3A_172 = arith.index_cast %parallel_loop3A_153 : i32 to index
      %parallel_loop3A_173 = arith.constant 96 : index
      %parallel_loop3A_174 = tpu.vector_load %arg5[%parallel_loop3A_172, %parallel_loop3A_173] {strides = array<i32>} : memref<8x256xf32, #tpu.memory_space<vmem>>, vector<16xf32>,
      %parallel_loop3A_175 = arith.index_cast %parallel_loop3A_153 : i32 to index
      %parallel_loop3A_176 = arith.constant 112 : index
      %parallel_loop3A_177 = tpu.vector_load %arg5[%parallel_loop3A_175, %parallel_loop3A_176] {strides = array<i32>} : memref<8x256xf32, #tpu.memory_space<vmem>>, vector<16xf32>,
      %parallel_loop3A_178 = arith.index_cast %parallel_loop3A_153 : i32 to index
      %parallel_loop3A_179 = arith.constant 128 : index
      %parallel_loop3A_180 = tpu.vector_load %arg5[%parallel_loop3A_178, %parallel_loop3A_179] {strides = array<i32>} : memref<8x256xf32, #tpu.memory_space<vmem>>, vector<16xf32>,
      %parallel_loop3A_181 = arith.index_cast %parallel_loop3A_153 : i32 to index
      %parallel_loop3A_182 = arith.constant 144 : index
      %parallel_loop3A_183 = tpu.vector_load %arg5[%parallel_loop3A_181, %parallel_loop3A_182] {strides = array<i32>} : memref<8x256xf32, #tpu.memory_space<vmem>>, vector<16xf32>,
      %parallel_loop3A_184 = arith.index_cast %parallel_loop3A_153 : i32 to index
      %parallel_loop3A_185 = arith.constant 160 : index
      %parallel_loop3A_186 = tpu.vector_load %arg5[%parallel_loop3A_184, %parallel_loop3A_185] {strides = array<i32>} : memref<8x256xf32, #tpu.memory_space<vmem>>, vector<16xf32>,
      %parallel_loop3A_187 = arith.index_cast %parallel_loop3A_153 : i32 to index
      %parallel_loop3A_188 = arith.constant 176 : index
      %parallel_loop3A_189 = tpu.vector_load %arg5[%parallel_loop3A_187, %parallel_loop3A_188] {strides = array<i32>} : memref<8x256xf32, #tpu.memory_space<vmem>>, vector<16xf32>,
      %parallel_loop3A_190 = arith.index_cast %parallel_loop3A_153 : i32 to index
      %parallel_loop3A_191 = arith.constant 192 : index
      %parallel_loop3A_192 = tpu.vector_load %arg5[%parallel_loop3A_190, %parallel_loop3A_191] {strides = array<i32>} : memref<8x256xf32, #tpu.memory_space<vmem>>, vector<16xf32>,
      %parallel_loop3A_193 = arith.index_cast %parallel_loop3A_153 : i32 to index
      %parallel_loop3A_194 = arith.constant 208 : index
      %parallel_loop3A_195 = tpu.vector_load %arg5[%parallel_loop3A_193, %parallel_loop3A_194] {strides = array<i32>} : memref<8x256xf32, #tpu.memory_space<vmem>>, vector<16xf32>,
      %parallel_loop3A_196 = arith.index_cast %parallel_loop3A_153 : i32 to index
      %parallel_loop3A_197 = arith.constant 224 : index
      %parallel_loop3A_198 = tpu.vector_load %arg5[%parallel_loop3A_196, %parallel_loop3A_197] {strides = array<i32>} : memref<8x256xf32, #tpu.memory_space<vmem>>, vector<16xf32>,
      %parallel_loop3A_199 = arith.index_cast %parallel_loop3A_153 : i32 to index
      %parallel_loop3A_200 = arith.constant 240 : index
      %parallel_loop3A_201 = tpu.vector_load %arg5[%parallel_loop3A_199, %parallel_loop3A_200] {strides = array<i32>} : memref<8x256xf32, #tpu.memory_space<vmem>>, vector<16xf32>,
      %parallel_loop3A_202 = arith.constant 1 : i32
      %parallel_loop3A_203 = arith.addi %parallel_loop3A_153, %parallel_loop3A_202 : i32
      %parallel_loop3A_204 = arith.index_cast %parallel_loop3A_203 : i32 to index
      %parallel_loop3A_205 = arith.constant 0 : index
      %parallel_loop3A_206 = tpu.vector_load %arg5[%parallel_loop3A_204, %parallel_loop3A_205] {strides = array<i32>} : memref<8x256xf32, #tpu.memory_space<vmem>>, vector<16xf32>,
      %parallel_loop3A_207 = arith.constant 1 : i32
      %parallel_loop3A_208 = arith.addi %parallel_loop3A_153, %parallel_loop3A_207 : i32
      %parallel_loop3A_209 = arith.index_cast %parallel_loop3A_208 : i32 to index
      %parallel_loop3A_210 = arith.constant 16 : index
      %parallel_loop3A_211 = tpu.vector_load %arg5[%parallel_loop3A_209, %parallel_loop3A_210] {strides = array<i32>} : memref<8x256xf32, #tpu.memory_space<vmem>>, vector<16xf32>,
      %parallel_loop3A_212 = arith.constant 1 : i32
      %parallel_loop3A_213 = arith.addi %parallel_loop3A_153, %parallel_loop3A_212 : i32
      %parallel_loop3A_214 = arith.index_cast %parallel_loop3A_213 : i32 to index
      %parallel_loop3A_215 = arith.constant 32 : index
      %parallel_loop3A_216 = tpu.vector_load %arg5[%parallel_loop3A_214, %parallel_loop3A_215] {strides = array<i32>} : memref<8x256xf32, #tpu.memory_space<vmem>>, vector<16xf32>,
      %parallel_loop3A_217 = arith.constant 1 : i32
      %parallel_loop3A_218 = arith.addi %parallel_loop3A_153, %parallel_loop3A_217 : i32
      %parallel_loop3A_219 = arith.index_cast %parallel_loop3A_218 : i32 to index
      %parallel_loop3A_220 = arith.constant 48 : index
      %parallel_loop3A_221 = tpu.vector_load %arg5[%parallel_loop3A_219, %parallel_loop3A_220] {strides = array<i32>} : memref<8x256xf32, #tpu.memory_space<vmem>>, vector<16xf32>,
      %parallel_loop3A_222 = arith.constant 1 : i32
      %parallel_loop3A_223 = arith.addi %parallel_loop3A_153, %parallel_loop3A_222 : i32
      %parallel_loop3A_224 = arith.index_cast %parallel_loop3A_223 : i32 to index
      %parallel_loop3A_225 = arith.constant 64 : index
      %parallel_loop3A_226 = tpu.vector_load %arg5[%parallel_loop3A_224, %parallel_loop3A_225] {strides = array<i32>} : memref<8x256xf32, #tpu.memory_space<vmem>>, vector<16xf32>,
      %parallel_loop3A_227 = arith.constant 1 : i32
      %parallel_loop3A_228 = arith.addi %parallel_loop3A_153, %parallel_loop3A_227 : i32
      %parallel_loop3A_229 = arith.index_cast %parallel_loop3A_228 : i32 to index
      %parallel_loop3A_230 = arith.constant 80 : index
      %parallel_loop3A_231 = tpu.vector_load %arg5[%parallel_loop3A_229, %parallel_loop3A_230] {strides = array<i32>} : memref<8x256xf32, #tpu.memory_space<vmem>>, vector<16xf32>,
      %parallel_loop3A_232 = arith.constant 1 : i32
      %parallel_loop3A_233 = arith.addi %parallel_loop3A_153, %parallel_loop3A_232 : i32
      %parallel_loop3A_234 = arith.index_cast %parallel_loop3A_233 : i32 to index
      %parallel_loop3A_235 = arith.constant 96 : index
      %parallel_loop3A_236 = tpu.vector_load %arg5[%parallel_loop3A_234, %parallel_loop3A_235] {strides = array<i32>} : memref<8x256xf32, #tpu.memory_space<vmem>>, vector<16xf32>,
      %parallel_loop3A_237 = arith.constant 1 : i32
      %parallel_loop3A_238 = arith.addi %parallel_loop3A_153, %parallel_loop3A_237 : i32
      %parallel_loop3A_239 = arith.index_cast %parallel_loop3A_238 : i32 to index
      %parallel_loop3A_240 = arith.constant 112 : index
      %parallel_loop3A_241 = tpu.vector_load %arg5[%parallel_loop3A_239, %parallel_loop3A_240] {strides = array<i32>} : memref<8x256xf32, #tpu.memory_space<vmem>>, vector<16xf32>,
      %parallel_loop3A_242 = arith.constant 1 : i32
      %parallel_loop3A_243 = arith.addi %parallel_loop3A_153, %parallel_loop3A_242 : i32
      %parallel_loop3A_244 = arith.index_cast %parallel_loop3A_243 : i32 to index
      %parallel_loop3A_245 = arith.constant 128 : index
      %parallel_loop3A_246 = tpu.vector_load %arg5[%parallel_loop3A_244, %parallel_loop3A_245] {strides = array<i32>} : memref<8x256xf32, #tpu.memory_space<vmem>>, vector<16xf32>,
      %parallel_loop3A_247 = arith.constant 1 : i32
      %parallel_loop3A_248 = arith.addi %parallel_loop3A_153, %parallel_loop3A_247 : i32
      %parallel_loop3A_249 = arith.index_cast %parallel_loop3A_248 : i32 to index
      %parallel_loop3A_250 = arith.constant 144 : index
      %parallel_loop3A_251 = tpu.vector_load %arg5[%parallel_loop3A_249, %parallel_loop3A_250] {strides = array<i32>} : memref<8x256xf32, #tpu.memory_space<vmem>>, vector<16xf32>,
      %parallel_loop3A_252 = arith.constant 1 : i32
      %parallel_loop3A_253 = arith.addi %parallel_loop3A_153, %parallel_loop3A_252 : i32
      %parallel_loop3A_254 = arith.index_cast %parallel_loop3A_253 : i32 to index
      %parallel_loop3A_255 = arith.constant 160 : index
      %parallel_loop3A_256 = tpu.vector_load %arg5[%parallel_loop3A_254, %parallel_loop3A_255] {strides = array<i32>} : memref<8x256xf32, #tpu.memory_space<vmem>>, vector<16xf32>,
      %parallel_loop3A_257 = arith.constant 1 : i32
      %parallel_loop3A_258 = arith.addi %parallel_loop3A_153, %parallel_loop3A_257 : i32
      %parallel_loop3A_259 = arith.index_cast %parallel_loop3A_258 : i32 to index
      %parallel_loop3A_260 = arith.constant 176 : index
      %parallel_loop3A_261 = tpu.vector_load %arg5[%parallel_loop3A_259, %parallel_loop3A_260] {strides = array<i32>} : memref<8x256xf32, #tpu.memory_space<vmem>>, vector<16xf32>,
      %parallel_loop3A_262 = arith.constant 1 : i32
      %parallel_loop3A_263 = arith.addi %parallel_loop3A_153, %parallel_loop3A_262 : i32
      %parallel_loop3A_264 = arith.index_cast %parallel_loop3A_263 : i32 to index
      %parallel_loop3A_265 = arith.constant 192 : index
      %parallel_loop3A_266 = tpu.vector_load %arg5[%parallel_loop3A_264, %parallel_loop3A_265] {strides = array<i32>} : memref<8x256xf32, #tpu.memory_space<vmem>>, vector<16xf32>,
      %parallel_loop3A_267 = arith.constant 1 : i32
      %parallel_loop3A_268 = arith.addi %parallel_loop3A_153, %parallel_loop3A_267 : i32
      %parallel_loop3A_269 = arith.index_cast %parallel_loop3A_268 : i32 to index
      %parallel_loop3A_270 = arith.constant 208 : index
      %parallel_loop3A_271 = tpu.vector_load %arg5[%parallel_loop3A_269, %parallel_loop3A_270] {strides = array<i32>} : memref<8x256xf32, #tpu.memory_space<vmem>>, vector<16xf32>,
      %parallel_loop3A_272 = arith.constant 1 : i32
      %parallel_loop3A_273 = arith.addi %parallel_loop3A_153, %parallel_loop3A_272 : i32
      %parallel_loop3A_274 = arith.index_cast %parallel_loop3A_273 : i32 to index
      %parallel_loop3A_275 = arith.constant 224 : index
      %parallel_loop3A_276 = tpu.vector_load %arg5[%parallel_loop3A_274, %parallel_loop3A_275] {strides = array<i32>} : memref<8x256xf32, #tpu.memory_space<vmem>>, vector<16xf32>,
      %parallel_loop3A_277 = arith.constant 1 : i32
      %parallel_loop3A_278 = arith.addi %parallel_loop3A_153, %parallel_loop3A_277 : i32
      %parallel_loop3A_279 = arith.index_cast %parallel_loop3A_278 : i32 to index
      %parallel_loop3A_280 = arith.constant 240 : index
      %parallel_loop3A_281 = tpu.vector_load %arg5[%parallel_loop3A_279, %parallel_loop3A_280] {strides = array<i32>} : memref<8x256xf32, #tpu.memory_space<vmem>>, vector<16xf32>,
      %parallel_loop3A_282 = arith.constant 0 : i32
      %parallel_loop3A_283 = arith.constant 16 : i32
      %parallel_loop3A_284 = arith.constant 1 : i32
      scf.for %parallel_loop3A_285 = %parallel_loop3A_282 to %parallel_loop3A_283 step %parallel_loop3A_284  : i32 {
        %parallel_loop3A_286 = arith.index_cast %parallel_loop3A_285 : i32 to index
        %parallel_loop3A_287 = arith.constant 0 : index
        %parallel_loop3A_288 = tpu.vector_load %arg6[%parallel_loop3A_286, %parallel_loop3A_287] {strides = array<i32>} : memref<16x256xf32, #tpu.memory_space<vmem>>, vector<16xf32>,
        %parallel_loop3A_289 = arith.addf %parallel_loop3A_156, %parallel_loop3A_288 : vector<16xf32>
        %parallel_loop3A_290 = arith.index_cast %parallel_loop3A_153 : i32 to index
        %parallel_loop3A_291 = arith.index_cast %parallel_loop3A_285 : i32 to index
        %parallel_loop3A_292 = arith.constant 0 : index
        %parallel_loop3A_293 = tpu.vector_load %arg7[%parallel_loop3A_290, %parallel_loop3A_291, %parallel_loop3A_292] {strides = array<i32>} : memref<8x16x256xf32, #tpu.memory_space<vmem>>, vector<16xf32>,
        tpu.vector_store %arg7[%parallel_loop3A_290, %parallel_loop3A_291, %parallel_loop3A_292], %parallel_loop3A_289 {strides = array<i32>} : memref<8x16x256xf32, #tpu.memory_space<vmem>>, vector<16xf32>,
        %parallel_loop3A_294 = arith.addf %parallel_loop3A_206, %parallel_loop3A_288 : vector<16xf32>
        %parallel_loop3A_295 = arith.constant 1 : i32
        %parallel_loop3A_296 = arith.addi %parallel_loop3A_153, %parallel_loop3A_295 : i32
        %parallel_loop3A_297 = arith.index_cast %parallel_loop3A_296 : i32 to index
        %parallel_loop3A_298 = arith.index_cast %parallel_loop3A_285 : i32 to index
        %parallel_loop3A_299 = arith.constant 0 : index
        %parallel_loop3A_300 = tpu.vector_load %arg7[%parallel_loop3A_297, %parallel_loop3A_298, %parallel_loop3A_299] {strides = array<i32>} : memref<8x16x256xf32, #tpu.memory_space<vmem>>, vector<16xf32>,
        tpu.vector_store %arg7[%parallel_loop3A_297, %parallel_loop3A_298, %parallel_loop3A_299], %parallel_loop3A_294 {strides = array<i32>} : memref<8x16x256xf32, #tpu.memory_space<vmem>>, vector<16xf32>,
        %parallel_loop3A_301 = arith.index_cast %parallel_loop3A_285 : i32 to index
        %parallel_loop3A_302 = arith.constant 16 : index
        %parallel_loop3A_303 = tpu.vector_load %arg6[%parallel_loop3A_301, %parallel_loop3A_302] {strides = array<i32>} : memref<16x256xf32, #tpu.memory_space<vmem>>, vector<16xf32>,
        %parallel_loop3A_304 = arith.addf %parallel_loop3A_159, %parallel_loop3A_303 : vector<16xf32>
        %parallel_loop3A_305 = arith.index_cast %parallel_loop3A_153 : i32 to index
        %parallel_loop3A_306 = arith.index_cast %parallel_loop3A_285 : i32 to index
        %parallel_loop3A_307 = arith.constant 16 : index
        %parallel_loop3A_308 = tpu.vector_load %arg7[%parallel_loop3A_305, %parallel_loop3A_306, %parallel_loop3A_307] {strides = array<i32>} : memref<8x16x256xf32, #tpu.memory_space<vmem>>, vector<16xf32>,
        tpu.vector_store %arg7[%parallel_loop3A_305, %parallel_loop3A_306, %parallel_loop3A_307], %parallel_loop3A_304 {strides = array<i32>} : memref<8x16x256xf32, #tpu.memory_space<vmem>>, vector<16xf32>,
        %parallel_loop3A_309 = arith.addf %parallel_loop3A_211, %parallel_loop3A_303 : vector<16xf32>
        %parallel_loop3A_310 = arith.constant 1 : i32
        %parallel_loop3A_311 = arith.addi %parallel_loop3A_153, %parallel_loop3A_310 : i32
        %parallel_loop3A_312 = arith.index_cast %parallel_loop3A_311 : i32 to index
        %parallel_loop3A_313 = arith.index_cast %parallel_loop3A_285 : i32 to index
        %parallel_loop3A_314 = arith.constant 16 : index
        %parallel_loop3A_315 = tpu.vector_load %arg7[%parallel_loop3A_312, %parallel_loop3A_313, %parallel_loop3A_314] {strides = array<i32>} : memref<8x16x256xf32, #tpu.memory_space<vmem>>, vector<16xf32>,
        tpu.vector_store %arg7[%parallel_loop3A_312, %parallel_loop3A_313, %parallel_loop3A_314], %parallel_loop3A_309 {strides = array<i32>} : memref<8x16x256xf32, #tpu.memory_space<vmem>>, vector<16xf32>,
        %parallel_loop3A_316 = arith.index_cast %parallel_loop3A_285 : i32 to index
        %parallel_loop3A_317 = arith.constant 32 : index
        %parallel_loop3A_318 = tpu.vector_load %arg6[%parallel_loop3A_316, %parallel_loop3A_317] {strides = array<i32>} : memref<16x256xf32, #tpu.memory_space<vmem>>, vector<16xf32>,
        %parallel_loop3A_319 = arith.addf %parallel_loop3A_162, %parallel_loop3A_318 : vector<16xf32>
        %parallel_loop3A_320 = arith.index_cast %parallel_loop3A_153 : i32 to index
        %parallel_loop3A_321 = arith.index_cast %parallel_loop3A_285 : i32 to index
        %parallel_loop3A_322 = arith.constant 32 : index
        %parallel_loop3A_323 = tpu.vector_load %arg7[%parallel_loop3A_320, %parallel_loop3A_321, %parallel_loop3A_322] {strides = array<i32>} : memref<8x16x256xf32, #tpu.memory_space<vmem>>, vector<16xf32>,
        tpu.vector_store %arg7[%parallel_loop3A_320, %parallel_loop3A_321, %parallel_loop3A_322], %parallel_loop3A_319 {strides = array<i32>} : memref<8x16x256xf32, #tpu.memory_space<vmem>>, vector<16xf32>,
        %parallel_loop3A_324 = arith.addf %parallel_loop3A_216, %parallel_loop3A_318 : vector<16xf32>
        %parallel_loop3A_325 = arith.constant 1 : i32
        %parallel_loop3A_326 = arith.addi %parallel_loop3A_153, %parallel_loop3A_325 : i32
        %parallel_loop3A_327 = arith.index_cast %parallel_loop3A_326 : i32 to index
        %parallel_loop3A_328 = arith.index_cast %parallel_loop3A_285 : i32 to index
        %parallel_loop3A_329 = arith.constant 32 : index
        %parallel_loop3A_330 = tpu.vector_load %arg7[%parallel_loop3A_327, %parallel_loop3A_328, %parallel_loop3A_329] {strides = array<i32>} : memref<8x16x256xf32, #tpu.memory_space<vmem>>, vector<16xf32>,
        tpu.vector_store %arg7[%parallel_loop3A_327, %parallel_loop3A_328, %parallel_loop3A_329], %parallel_loop3A_324 {strides = array<i32>} : memref<8x16x256xf32, #tpu.memory_space<vmem>>, vector<16xf32>,
        %parallel_loop3A_331 = arith.index_cast %parallel_loop3A_285 : i32 to index
        %parallel_loop3A_332 = arith.constant 48 : index
        %parallel_loop3A_333 = tpu.vector_load %arg6[%parallel_loop3A_331, %parallel_loop3A_332] {strides = array<i32>} : memref<16x256xf32, #tpu.memory_space<vmem>>, vector<16xf32>,
        %parallel_loop3A_334 = arith.addf %parallel_loop3A_165, %parallel_loop3A_333 : vector<16xf32>
        %parallel_loop3A_335 = arith.index_cast %parallel_loop3A_153 : i32 to index
        %parallel_loop3A_336 = arith.index_cast %parallel_loop3A_285 : i32 to index
        %parallel_loop3A_337 = arith.constant 48 : index
        %parallel_loop3A_338 = tpu.vector_load %arg7[%parallel_loop3A_335, %parallel_loop3A_336, %parallel_loop3A_337] {strides = array<i32>} : memref<8x16x256xf32, #tpu.memory_space<vmem>>, vector<16xf32>,
        tpu.vector_store %arg7[%parallel_loop3A_335, %parallel_loop3A_336, %parallel_loop3A_337], %parallel_loop3A_334 {strides = array<i32>} : memref<8x16x256xf32, #tpu.memory_space<vmem>>, vector<16xf32>,
        %parallel_loop3A_339 = arith.addf %parallel_loop3A_221, %parallel_loop3A_333 : vector<16xf32>
        %parallel_loop3A_340 = arith.constant 1 : i32
        %parallel_loop3A_341 = arith.addi %parallel_loop3A_153, %parallel_loop3A_340 : i32
        %parallel_loop3A_342 = arith.index_cast %parallel_loop3A_341 : i32 to index
        %parallel_loop3A_343 = arith.index_cast %parallel_loop3A_285 : i32 to index
        %parallel_loop3A_344 = arith.constant 48 : index
        %parallel_loop3A_345 = tpu.vector_load %arg7[%parallel_loop3A_342, %parallel_loop3A_343, %parallel_loop3A_344] {strides = array<i32>} : memref<8x16x256xf32, #tpu.memory_space<vmem>>, vector<16xf32>,
        tpu.vector_store %arg7[%parallel_loop3A_342, %parallel_loop3A_343, %parallel_loop3A_344], %parallel_loop3A_339 {strides = array<i32>} : memref<8x16x256xf32, #tpu.memory_space<vmem>>, vector<16xf32>,
        %parallel_loop3A_346 = arith.index_cast %parallel_loop3A_285 : i32 to index
        %parallel_loop3A_347 = arith.constant 64 : index
        %parallel_loop3A_348 = tpu.vector_load %arg6[%parallel_loop3A_346, %parallel_loop3A_347] {strides = array<i32>} : memref<16x256xf32, #tpu.memory_space<vmem>>, vector<16xf32>,
        %parallel_loop3A_349 = arith.addf %parallel_loop3A_168, %parallel_loop3A_348 : vector<16xf32>
        %parallel_loop3A_350 = arith.index_cast %parallel_loop3A_153 : i32 to index
        %parallel_loop3A_351 = arith.index_cast %parallel_loop3A_285 : i32 to index
        %parallel_loop3A_352 = arith.constant 64 : index
        %parallel_loop3A_353 = tpu.vector_load %arg7[%parallel_loop3A_350, %parallel_loop3A_351, %parallel_loop3A_352] {strides = array<i32>} : memref<8x16x256xf32, #tpu.memory_space<vmem>>, vector<16xf32>,
        tpu.vector_store %arg7[%parallel_loop3A_350, %parallel_loop3A_351, %parallel_loop3A_352], %parallel_loop3A_349 {strides = array<i32>} : memref<8x16x256xf32, #tpu.memory_space<vmem>>, vector<16xf32>,
        %parallel_loop3A_354 = arith.addf %parallel_loop3A_226, %parallel_loop3A_348 : vector<16xf32>
        %parallel_loop3A_355 = arith.constant 1 : i32
        %parallel_loop3A_356 = arith.addi %parallel_loop3A_153, %parallel_loop3A_355 : i32
        %parallel_loop3A_357 = arith.index_cast %parallel_loop3A_356 : i32 to index
        %parallel_loop3A_358 = arith.index_cast %parallel_loop3A_285 : i32 to index
        %parallel_loop3A_359 = arith.constant 64 : index
        %parallel_loop3A_360 = tpu.vector_load %arg7[%parallel_loop3A_357, %parallel_loop3A_358, %parallel_loop3A_359] {strides = array<i32>} : memref<8x16x256xf32, #tpu.memory_space<vmem>>, vector<16xf32>,
        tpu.vector_store %arg7[%parallel_loop3A_357, %parallel_loop3A_358, %parallel_loop3A_359], %parallel_loop3A_354 {strides = array<i32>} : memref<8x16x256xf32, #tpu.memory_space<vmem>>, vector<16xf32>,
        %parallel_loop3A_361 = arith.index_cast %parallel_loop3A_285 : i32 to index
        %parallel_loop3A_362 = arith.constant 80 : index
        %parallel_loop3A_363 = tpu.vector_load %arg6[%parallel_loop3A_361, %parallel_loop3A_362] {strides = array<i32>} : memref<16x256xf32, #tpu.memory_space<vmem>>, vector<16xf32>,
        %parallel_loop3A_364 = arith.addf %parallel_loop3A_171, %parallel_loop3A_363 : vector<16xf32>
        %parallel_loop3A_365 = arith.index_cast %parallel_loop3A_153 : i32 to index
        %parallel_loop3A_366 = arith.index_cast %parallel_loop3A_285 : i32 to index
        %parallel_loop3A_367 = arith.constant 80 : index
        %parallel_loop3A_368 = tpu.vector_load %arg7[%parallel_loop3A_365, %parallel_loop3A_366, %parallel_loop3A_367] {strides = array<i32>} : memref<8x16x256xf32, #tpu.memory_space<vmem>>, vector<16xf32>,
        tpu.vector_store %arg7[%parallel_loop3A_365, %parallel_loop3A_366, %parallel_loop3A_367], %parallel_loop3A_364 {strides = array<i32>} : memref<8x16x256xf32, #tpu.memory_space<vmem>>, vector<16xf32>,
        %parallel_loop3A_369 = arith.addf %parallel_loop3A_231, %parallel_loop3A_363 : vector<16xf32>
        %parallel_loop3A_370 = arith.constant 1 : i32
        %parallel_loop3A_371 = arith.addi %parallel_loop3A_153, %parallel_loop3A_370 : i32
        %parallel_loop3A_372 = arith.index_cast %parallel_loop3A_371 : i32 to index
        %parallel_loop3A_373 = arith.index_cast %parallel_loop3A_285 : i32 to index
        %parallel_loop3A_374 = arith.constant 80 : index
        %parallel_loop3A_375 = tpu.vector_load %arg7[%parallel_loop3A_372, %parallel_loop3A_373, %parallel_loop3A_374] {strides = array<i32>} : memref<8x16x256xf32, #tpu.memory_space<vmem>>, vector<16xf32>,
        tpu.vector_store %arg7[%parallel_loop3A_372, %parallel_loop3A_373, %parallel_loop3A_374], %parallel_loop3A_369 {strides = array<i32>} : memref<8x16x256xf32, #tpu.memory_space<vmem>>, vector<16xf32>,
        %parallel_loop3A_376 = arith.index_cast %parallel_loop3A_285 : i32 to index
        %parallel_loop3A_377 = arith.constant 96 : index
        %parallel_loop3A_378 = tpu.vector_load %arg6[%parallel_loop3A_376, %parallel_loop3A_377] {strides = array<i32>} : memref<16x256xf32, #tpu.memory_space<vmem>>, vector<16xf32>,
        %parallel_loop3A_379 = arith.addf %parallel_loop3A_174, %parallel_loop3A_378 : vector<16xf32>
        %parallel_loop3A_380 = arith.index_cast %parallel_loop3A_153 : i32 to index
        %parallel_loop3A_381 = arith.index_cast %parallel_loop3A_285 : i32 to index
        %parallel_loop3A_382 = arith.constant 96 : index
        %parallel_loop3A_383 = tpu.vector_load %arg7[%parallel_loop3A_380, %parallel_loop3A_381, %parallel_loop3A_382] {strides = array<i32>} : memref<8x16x256xf32, #tpu.memory_space<vmem>>, vector<16xf32>,
        tpu.vector_store %arg7[%parallel_loop3A_380, %parallel_loop3A_381, %parallel_loop3A_382], %parallel_loop3A_379 {strides = array<i32>} : memref<8x16x256xf32, #tpu.memory_space<vmem>>, vector<16xf32>,
        %parallel_loop3A_384 = arith.addf %parallel_loop3A_236, %parallel_loop3A_378 : vector<16xf32>
        %parallel_loop3A_385 = arith.constant 1 : i32
        %parallel_loop3A_386 = arith.addi %parallel_loop3A_153, %parallel_loop3A_385 : i32
        %parallel_loop3A_387 = arith.index_cast %parallel_loop3A_386 : i32 to index
        %parallel_loop3A_388 = arith.index_cast %parallel_loop3A_285 : i32 to index
        %parallel_loop3A_389 = arith.constant 96 : index
        %parallel_loop3A_390 = tpu.vector_load %arg7[%parallel_loop3A_387, %parallel_loop3A_388, %parallel_loop3A_389] {strides = array<i32>} : memref<8x16x256xf32, #tpu.memory_space<vmem>>, vector<16xf32>,
        tpu.vector_store %arg7[%parallel_loop3A_387, %parallel_loop3A_388, %parallel_loop3A_389], %parallel_loop3A_384 {strides = array<i32>} : memref<8x16x256xf32, #tpu.memory_space<vmem>>, vector<16xf32>,
        %parallel_loop3A_391 = arith.index_cast %parallel_loop3A_285 : i32 to index
        %parallel_loop3A_392 = arith.constant 112 : index
        %parallel_loop3A_393 = tpu.vector_load %arg6[%parallel_loop3A_391, %parallel_loop3A_392] {strides = array<i32>} : memref<16x256xf32, #tpu.memory_space<vmem>>, vector<16xf32>,
        %parallel_loop3A_394 = arith.addf %parallel_loop3A_177, %parallel_loop3A_393 : vector<16xf32>
        %parallel_loop3A_395 = arith.index_cast %parallel_loop3A_153 : i32 to index
        %parallel_loop3A_396 = arith.index_cast %parallel_loop3A_285 : i32 to index
        %parallel_loop3A_397 = arith.constant 112 : index
        %parallel_loop3A_398 = tpu.vector_load %arg7[%parallel_loop3A_395, %parallel_loop3A_396, %parallel_loop3A_397] {strides = array<i32>} : memref<8x16x256xf32, #tpu.memory_space<vmem>>, vector<16xf32>,
        tpu.vector_store %arg7[%parallel_loop3A_395, %parallel_loop3A_396, %parallel_loop3A_397], %parallel_loop3A_394 {strides = array<i32>} : memref<8x16x256xf32, #tpu.memory_space<vmem>>, vector<16xf32>,
        %parallel_loop3A_399 = arith.addf %parallel_loop3A_241, %parallel_loop3A_393 : vector<16xf32>
        %parallel_loop3A_400 = arith.constant 1 : i32
        %parallel_loop3A_401 = arith.addi %parallel_loop3A_153, %parallel_loop3A_400 : i32
        %parallel_loop3A_402 = arith.index_cast %parallel_loop3A_401 : i32 to index
        %parallel_loop3A_403 = arith.index_cast %parallel_loop3A_285 : i32 to index
        %parallel_loop3A_404 = arith.constant 112 : index
        %parallel_loop3A_405 = tpu.vector_load %arg7[%parallel_loop3A_402, %parallel_loop3A_403, %parallel_loop3A_404] {strides = array<i32>} : memref<8x16x256xf32, #tpu.memory_space<vmem>>, vector<16xf32>,
        tpu.vector_store %arg7[%parallel_loop3A_402, %parallel_loop3A_403, %parallel_loop3A_404], %parallel_loop3A_399 {strides = array<i32>} : memref<8x16x256xf32, #tpu.memory_space<vmem>>, vector<16xf32>,
        %parallel_loop3A_406 = arith.index_cast %parallel_loop3A_285 : i32 to index
        %parallel_loop3A_407 = arith.constant 128 : index
        %parallel_loop3A_408 = tpu.vector_load %arg6[%parallel_loop3A_406, %parallel_loop3A_407] {strides = array<i32>} : memref<16x256xf32, #tpu.memory_space<vmem>>, vector<16xf32>,
        %parallel_loop3A_409 = arith.addf %parallel_loop3A_180, %parallel_loop3A_408 : vector<16xf32>
        %parallel_loop3A_410 = arith.index_cast %parallel_loop3A_153 : i32 to index
        %parallel_loop3A_411 = arith.index_cast %parallel_loop3A_285 : i32 to index
        %parallel_loop3A_412 = arith.constant 128 : index
        %parallel_loop3A_413 = tpu.vector_load %arg7[%parallel_loop3A_410, %parallel_loop3A_411, %parallel_loop3A_412] {strides = array<i32>} : memref<8x16x256xf32, #tpu.memory_space<vmem>>, vector<16xf32>,
        tpu.vector_store %arg7[%parallel_loop3A_410, %parallel_loop3A_411, %parallel_loop3A_412], %parallel_loop3A_409 {strides = array<i32>} : memref<8x16x256xf32, #tpu.memory_space<vmem>>, vector<16xf32>,
        %parallel_loop3A_414 = arith.addf %parallel_loop3A_246, %parallel_loop3A_408 : vector<16xf32>
        %parallel_loop3A_415 = arith.constant 1 : i32
        %parallel_loop3A_416 = arith.addi %parallel_loop3A_153, %parallel_loop3A_415 : i32
        %parallel_loop3A_417 = arith.index_cast %parallel_loop3A_416 : i32 to index
        %parallel_loop3A_418 = arith.index_cast %parallel_loop3A_285 : i32 to index
        %parallel_loop3A_419 = arith.constant 128 : index
        %parallel_loop3A_420 = tpu.vector_load %arg7[%parallel_loop3A_417, %parallel_loop3A_418, %parallel_loop3A_419] {strides = array<i32>} : memref<8x16x256xf32, #tpu.memory_space<vmem>>, vector<16xf32>,
        tpu.vector_store %arg7[%parallel_loop3A_417, %parallel_loop3A_418, %parallel_loop3A_419], %parallel_loop3A_414 {strides = array<i32>} : memref<8x16x256xf32, #tpu.memory_space<vmem>>, vector<16xf32>,
        %parallel_loop3A_421 = arith.index_cast %parallel_loop3A_285 : i32 to index
        %parallel_loop3A_422 = arith.constant 144 : index
        %parallel_loop3A_423 = tpu.vector_load %arg6[%parallel_loop3A_421, %parallel_loop3A_422] {strides = array<i32>} : memref<16x256xf32, #tpu.memory_space<vmem>>, vector<16xf32>,
        %parallel_loop3A_424 = arith.addf %parallel_loop3A_183, %parallel_loop3A_423 : vector<16xf32>
        %parallel_loop3A_425 = arith.index_cast %parallel_loop3A_153 : i32 to index
        %parallel_loop3A_426 = arith.index_cast %parallel_loop3A_285 : i32 to index
        %parallel_loop3A_427 = arith.constant 144 : index
        %parallel_loop3A_428 = tpu.vector_load %arg7[%parallel_loop3A_425, %parallel_loop3A_426, %parallel_loop3A_427] {strides = array<i32>} : memref<8x16x256xf32, #tpu.memory_space<vmem>>, vector<16xf32>,
        tpu.vector_store %arg7[%parallel_loop3A_425, %parallel_loop3A_426, %parallel_loop3A_427], %parallel_loop3A_424 {strides = array<i32>} : memref<8x16x256xf32, #tpu.memory_space<vmem>>, vector<16xf32>,
        %parallel_loop3A_429 = arith.addf %parallel_loop3A_251, %parallel_loop3A_423 : vector<16xf32>
        %parallel_loop3A_430 = arith.constant 1 : i32
        %parallel_loop3A_431 = arith.addi %parallel_loop3A_153, %parallel_loop3A_430 : i32
        %parallel_loop3A_432 = arith.index_cast %parallel_loop3A_431 : i32 to index
        %parallel_loop3A_433 = arith.index_cast %parallel_loop3A_285 : i32 to index
        %parallel_loop3A_434 = arith.constant 144 : index
        %parallel_loop3A_435 = tpu.vector_load %arg7[%parallel_loop3A_432, %parallel_loop3A_433, %parallel_loop3A_434] {strides = array<i32>} : memref<8x16x256xf32, #tpu.memory_space<vmem>>, vector<16xf32>,
        tpu.vector_store %arg7[%parallel_loop3A_432, %parallel_loop3A_433, %parallel_loop3A_434], %parallel_loop3A_429 {strides = array<i32>} : memref<8x16x256xf32, #tpu.memory_space<vmem>>, vector<16xf32>,
        %parallel_loop3A_436 = arith.index_cast %parallel_loop3A_285 : i32 to index
        %parallel_loop3A_437 = arith.constant 160 : index
        %parallel_loop3A_438 = tpu.vector_load %arg6[%parallel_loop3A_436, %parallel_loop3A_437] {strides = array<i32>} : memref<16x256xf32, #tpu.memory_space<vmem>>, vector<16xf32>,
        %parallel_loop3A_439 = arith.addf %parallel_loop3A_186, %parallel_loop3A_438 : vector<16xf32>
        %parallel_loop3A_440 = arith.index_cast %parallel_loop3A_153 : i32 to index
        %parallel_loop3A_441 = arith.index_cast %parallel_loop3A_285 : i32 to index
        %parallel_loop3A_442 = arith.constant 160 : index
        %parallel_loop3A_443 = tpu.vector_load %arg7[%parallel_loop3A_440, %parallel_loop3A_441, %parallel_loop3A_442] {strides = array<i32>} : memref<8x16x256xf32, #tpu.memory_space<vmem>>, vector<16xf32>,
        tpu.vector_store %arg7[%parallel_loop3A_440, %parallel_loop3A_441, %parallel_loop3A_442], %parallel_loop3A_439 {strides = array<i32>} : memref<8x16x256xf32, #tpu.memory_space<vmem>>, vector<16xf32>,
        %parallel_loop3A_444 = arith.addf %parallel_loop3A_256, %parallel_loop3A_438 : vector<16xf32>
        %parallel_loop3A_445 = arith.constant 1 : i32
        %parallel_loop3A_446 = arith.addi %parallel_loop3A_153, %parallel_loop3A_445 : i32
        %parallel_loop3A_447 = arith.index_cast %parallel_loop3A_446 : i32 to index
        %parallel_loop3A_448 = arith.index_cast %parallel_loop3A_285 : i32 to index
        %parallel_loop3A_449 = arith.constant 160 : index
        %parallel_loop3A_450 = tpu.vector_load %arg7[%parallel_loop3A_447, %parallel_loop3A_448, %parallel_loop3A_449] {strides = array<i32>} : memref<8x16x256xf32, #tpu.memory_space<vmem>>, vector<16xf32>,
        tpu.vector_store %arg7[%parallel_loop3A_447, %parallel_loop3A_448, %parallel_loop3A_449], %parallel_loop3A_444 {strides = array<i32>} : memref<8x16x256xf32, #tpu.memory_space<vmem>>, vector<16xf32>,
        %parallel_loop3A_451 = arith.index_cast %parallel_loop3A_285 : i32 to index
        %parallel_loop3A_452 = arith.constant 176 : index
        %parallel_loop3A_453 = tpu.vector_load %arg6[%parallel_loop3A_451, %parallel_loop3A_452] {strides = array<i32>} : memref<16x256xf32, #tpu.memory_space<vmem>>, vector<16xf32>,
        %parallel_loop3A_454 = arith.addf %parallel_loop3A_189, %parallel_loop3A_453 : vector<16xf32>
        %parallel_loop3A_455 = arith.index_cast %parallel_loop3A_153 : i32 to index
        %parallel_loop3A_456 = arith.index_cast %parallel_loop3A_285 : i32 to index
        %parallel_loop3A_457 = arith.constant 176 : index
        %parallel_loop3A_458 = tpu.vector_load %arg7[%parallel_loop3A_455, %parallel_loop3A_456, %parallel_loop3A_457] {strides = array<i32>} : memref<8x16x256xf32, #tpu.memory_space<vmem>>, vector<16xf32>,
        tpu.vector_store %arg7[%parallel_loop3A_455, %parallel_loop3A_456, %parallel_loop3A_457], %parallel_loop3A_454 {strides = array<i32>} : memref<8x16x256xf32, #tpu.memory_space<vmem>>, vector<16xf32>,
        %parallel_loop3A_459 = arith.addf %parallel_loop3A_261, %parallel_loop3A_453 : vector<16xf32>
        %parallel_loop3A_460 = arith.constant 1 : i32
        %parallel_loop3A_461 = arith.addi %parallel_loop3A_153, %parallel_loop3A_460 : i32
        %parallel_loop3A_462 = arith.index_cast %parallel_loop3A_461 : i32 to index
        %parallel_loop3A_463 = arith.index_cast %parallel_loop3A_285 : i32 to index
        %parallel_loop3A_464 = arith.constant 176 : index
        %parallel_loop3A_465 = tpu.vector_load %arg7[%parallel_loop3A_462, %parallel_loop3A_463, %parallel_loop3A_464] {strides = array<i32>} : memref<8x16x256xf32, #tpu.memory_space<vmem>>, vector<16xf32>,
        tpu.vector_store %arg7[%parallel_loop3A_462, %parallel_loop3A_463, %parallel_loop3A_464], %parallel_loop3A_459 {strides = array<i32>} : memref<8x16x256xf32, #tpu.memory_space<vmem>>, vector<16xf32>,
        %parallel_loop3A_466 = arith.index_cast %parallel_loop3A_285 : i32 to index
        %parallel_loop3A_467 = arith.constant 192 : index
        %parallel_loop3A_468 = tpu.vector_load %arg6[%parallel_loop3A_466, %parallel_loop3A_467] {strides = array<i32>} : memref<16x256xf32, #tpu.memory_space<vmem>>, vector<16xf32>,
        %parallel_loop3A_469 = arith.addf %parallel_loop3A_192, %parallel_loop3A_468 : vector<16xf32>
        %parallel_loop3A_470 = arith.index_cast %parallel_loop3A_153 : i32 to index
        %parallel_loop3A_471 = arith.index_cast %parallel_loop3A_285 : i32 to index
        %parallel_loop3A_472 = arith.constant 192 : index
        %parallel_loop3A_473 = tpu.vector_load %arg7[%parallel_loop3A_470, %parallel_loop3A_471, %parallel_loop3A_472] {strides = array<i32>} : memref<8x16x256xf32, #tpu.memory_space<vmem>>, vector<16xf32>,
        tpu.vector_store %arg7[%parallel_loop3A_470, %parallel_loop3A_471, %parallel_loop3A_472], %parallel_loop3A_469 {strides = array<i32>} : memref<8x16x256xf32, #tpu.memory_space<vmem>>, vector<16xf32>,
        %parallel_loop3A_474 = arith.addf %parallel_loop3A_266, %parallel_loop3A_468 : vector<16xf32>
        %parallel_loop3A_475 = arith.constant 1 : i32
        %parallel_loop3A_476 = arith.addi %parallel_loop3A_153, %parallel_loop3A_475 : i32
        %parallel_loop3A_477 = arith.index_cast %parallel_loop3A_476 : i32 to index
        %parallel_loop3A_478 = arith.index_cast %parallel_loop3A_285 : i32 to index
        %parallel_loop3A_479 = arith.constant 192 : index
        %parallel_loop3A_480 = tpu.vector_load %arg7[%parallel_loop3A_477, %parallel_loop3A_478, %parallel_loop3A_479] {strides = array<i32>} : memref<8x16x256xf32, #tpu.memory_space<vmem>>, vector<16xf32>,
        tpu.vector_store %arg7[%parallel_loop3A_477, %parallel_loop3A_478, %parallel_loop3A_479], %parallel_loop3A_474 {strides = array<i32>} : memref<8x16x256xf32, #tpu.memory_space<vmem>>, vector<16xf32>,
        %parallel_loop3A_481 = arith.index_cast %parallel_loop3A_285 : i32 to index
        %parallel_loop3A_482 = arith.constant 208 : index
        %parallel_loop3A_483 = tpu.vector_load %arg6[%parallel_loop3A_481, %parallel_loop3A_482] {strides = array<i32>} : memref<16x256xf32, #tpu.memory_space<vmem>>, vector<16xf32>,
        %parallel_loop3A_484 = arith.addf %parallel_loop3A_195, %parallel_loop3A_483 : vector<16xf32>
        %parallel_loop3A_485 = arith.index_cast %parallel_loop3A_153 : i32 to index
        %parallel_loop3A_486 = arith.index_cast %parallel_loop3A_285 : i32 to index
        %parallel_loop3A_487 = arith.constant 208 : index
        %parallel_loop3A_488 = tpu.vector_load %arg7[%parallel_loop3A_485, %parallel_loop3A_486, %parallel_loop3A_487] {strides = array<i32>} : memref<8x16x256xf32, #tpu.memory_space<vmem>>, vector<16xf32>,
        tpu.vector_store %arg7[%parallel_loop3A_485, %parallel_loop3A_486, %parallel_loop3A_487], %parallel_loop3A_484 {strides = array<i32>} : memref<8x16x256xf32, #tpu.memory_space<vmem>>, vector<16xf32>,
        %parallel_loop3A_489 = arith.addf %parallel_loop3A_271, %parallel_loop3A_483 : vector<16xf32>
        %parallel_loop3A_490 = arith.constant 1 : i32
        %parallel_loop3A_491 = arith.addi %parallel_loop3A_153, %parallel_loop3A_490 : i32
        %parallel_loop3A_492 = arith.index_cast %parallel_loop3A_491 : i32 to index
        %parallel_loop3A_493 = arith.index_cast %parallel_loop3A_285 : i32 to index
        %parallel_loop3A_494 = arith.constant 208 : index
        %parallel_loop3A_495 = tpu.vector_load %arg7[%parallel_loop3A_492, %parallel_loop3A_493, %parallel_loop3A_494] {strides = array<i32>} : memref<8x16x256xf32, #tpu.memory_space<vmem>>, vector<16xf32>,
        tpu.vector_store %arg7[%parallel_loop3A_492, %parallel_loop3A_493, %parallel_loop3A_494], %parallel_loop3A_489 {strides = array<i32>} : memref<8x16x256xf32, #tpu.memory_space<vmem>>, vector<16xf32>,
        %parallel_loop3A_496 = arith.index_cast %parallel_loop3A_285 : i32 to index
        %parallel_loop3A_497 = arith.constant 224 : index
        %parallel_loop3A_498 = tpu.vector_load %arg6[%parallel_loop3A_496, %parallel_loop3A_497] {strides = array<i32>} : memref<16x256xf32, #tpu.memory_space<vmem>>, vector<16xf32>,
        %parallel_loop3A_499 = arith.addf %parallel_loop3A_198, %parallel_loop3A_498 : vector<16xf32>
        %parallel_loop3A_500 = arith.index_cast %parallel_loop3A_153 : i32 to index
        %parallel_loop3A_501 = arith.index_cast %parallel_loop3A_285 : i32 to index
        %parallel_loop3A_502 = arith.constant 224 : index
        %parallel_loop3A_503 = tpu.vector_load %arg7[%parallel_loop3A_500, %parallel_loop3A_501, %parallel_loop3A_502] {strides = array<i32>} : memref<8x16x256xf32, #tpu.memory_space<vmem>>, vector<16xf32>,
        tpu.vector_store %arg7[%parallel_loop3A_500, %parallel_loop3A_501, %parallel_loop3A_502], %parallel_loop3A_499 {strides = array<i32>} : memref<8x16x256xf32, #tpu.memory_space<vmem>>, vector<16xf32>,
        %parallel_loop3A_504 = arith.addf %parallel_loop3A_276, %parallel_loop3A_498 : vector<16xf32>
        %parallel_loop3A_505 = arith.constant 1 : i32
        %parallel_loop3A_506 = arith.addi %parallel_loop3A_153, %parallel_loop3A_505 : i32
        %parallel_loop3A_507 = arith.index_cast %parallel_loop3A_506 : i32 to index
        %parallel_loop3A_508 = arith.index_cast %parallel_loop3A_285 : i32 to index
        %parallel_loop3A_509 = arith.constant 224 : index
        %parallel_loop3A_510 = tpu.vector_load %arg7[%parallel_loop3A_507, %parallel_loop3A_508, %parallel_loop3A_509] {strides = array<i32>} : memref<8x16x256xf32, #tpu.memory_space<vmem>>, vector<16xf32>,
        tpu.vector_store %arg7[%parallel_loop3A_507, %parallel_loop3A_508, %parallel_loop3A_509], %parallel_loop3A_504 {strides = array<i32>} : memref<8x16x256xf32, #tpu.memory_space<vmem>>, vector<16xf32>,
        %parallel_loop3A_511 = arith.index_cast %parallel_loop3A_285 : i32 to index
        %parallel_loop3A_512 = arith.constant 240 : index
        %parallel_loop3A_513 = tpu.vector_load %arg6[%parallel_loop3A_511, %parallel_loop3A_512] {strides = array<i32>} : memref<16x256xf32, #tpu.memory_space<vmem>>, vector<16xf32>,
        %parallel_loop3A_514 = arith.addf %parallel_loop3A_201, %parallel_loop3A_513 : vector<16xf32>
        %parallel_loop3A_515 = arith.index_cast %parallel_loop3A_153 : i32 to index
        %parallel_loop3A_516 = arith.index_cast %parallel_loop3A_285 : i32 to index
        %parallel_loop3A_517 = arith.constant 240 : index
        %parallel_loop3A_518 = tpu.vector_load %arg7[%parallel_loop3A_515, %parallel_loop3A_516, %parallel_loop3A_517] {strides = array<i32>} : memref<8x16x256xf32, #tpu.memory_space<vmem>>, vector<16xf32>,
        tpu.vector_store %arg7[%parallel_loop3A_515, %parallel_loop3A_516, %parallel_loop3A_517], %parallel_loop3A_514 {strides = array<i32>} : memref<8x16x256xf32, #tpu.memory_space<vmem>>, vector<16xf32>,
        %parallel_loop3A_519 = arith.addf %parallel_loop3A_281, %parallel_loop3A_513 : vector<16xf32>
        %parallel_loop3A_520 = arith.constant 1 : i32
        %parallel_loop3A_521 = arith.addi %parallel_loop3A_153, %parallel_loop3A_520 : i32
        %parallel_loop3A_522 = arith.index_cast %parallel_loop3A_521 : i32 to index
        %parallel_loop3A_523 = arith.index_cast %parallel_loop3A_285 : i32 to index
        %parallel_loop3A_524 = arith.constant 240 : index
        %parallel_loop3A_525 = tpu.vector_load %arg7[%parallel_loop3A_522, %parallel_loop3A_523, %parallel_loop3A_524] {strides = array<i32>} : memref<8x16x256xf32, #tpu.memory_space<vmem>>, vector<16xf32>,
        tpu.vector_store %arg7[%parallel_loop3A_522, %parallel_loop3A_523, %parallel_loop3A_524], %parallel_loop3A_519 {strides = array<i32>} : memref<8x16x256xf32, #tpu.memory_space<vmem>>, vector<16xf32>,
      } {sc.loop_unroll_factor = 2 : i64, sc.parallel_access}
    } {sc.loop_unroll_factor = 1 : i64, sc.parallel_access}
    %add3A_74 = arith.constant 4 : i32
    %add3A_75 = arith.addi %mul3A_21, %add3A_74 : i32
    %dma_start3A_76 = arith.constant 4 : i32
    %dma_start3A_77 = arith.constant 0 : i32
    %dma_start3A_78 = arith.constant 0 : i32
    %dma_start3A_79 = tpu.memref_slice %arg7[%dma_start3A_76, %dma_start3A_77, %dma_start3A_78] : memref<8x16x256xf32, #tpu.memory_space<vmem>> -> memref<2x16x256xf32, #tpu.memory_space<vmem>>
    %dma_start3A_80 = arith.constant 0 : i32
    %dma_start3A_81 = tpu.memref_slice %arg4[%add3A_75, %mul3A_23, %dma_start3A_80] : memref<64x64x256xf32, #tpu.memory_space<hbm>> -> memref<2x16x256xf32, #tpu.memory_space<hbm>>
    %dma_start3A_82 = arith.constant 0 : i32
    %dma_start3A_83 = tpu.memref_slice %arg4[%add3A_75, %mul3A_23, %dma_start3A_82] : memref<64x64x256xf32, #tpu.memory_space<hbm>> -> memref<2x16x256xf32, #tpu.memory_space<hbm>>
    %dma_start3A_84 = arith.constant 4 : i32
    %dma_start3A_85 = arith.constant 0 : i32
    %dma_start3A_86 = arith.constant 0 : i32
    %dma_start3A_87 = tpu.memref_slice %arg7[%dma_start3A_84, %dma_start3A_85, %dma_start3A_86] : memref<8x16x256xf32, #tpu.memory_space<vmem>> -> memref<2x16x256xf32, #tpu.memory_space<vmem>>
    tpu.enqueue_dma source(%dma_start3A_87 : memref<2x16x256xf32, #tpu.memory_space<vmem>>) target(%dma_start3A_83 : memref<2x16x256xf32, #tpu.memory_space<hbm>>) target_semaphore(%arg9 : memref<!tpu.dma_semaphore, #tpu.memory_space<semaphore_mem>>)
    %parallel_loop3A_88 = arith.constant 6 : i32
    %parallel_loop3A_89 = arith.constant 8 : i32
    %parallel_loop3A_90 = arith.constant 2 : i32
    scf.for %parallel_loop3A_153 = %parallel_loop3A_88 to %parallel_loop3A_89 step %parallel_loop3A_90  : i32 {
      %parallel_loop3A_154 = arith.index_cast %parallel_loop3A_153 : i32 to index
      %parallel_loop3A_155 = arith.constant 0 : index
      %parallel_loop3A_156 = tpu.vector_load %arg5[%parallel_loop3A_154, %parallel_loop3A_155] {strides = array<i32>} : memref<8x256xf32, #tpu.memory_space<vmem>>, vector<16xf32>,
      %parallel_loop3A_157 = arith.index_cast %parallel_loop3A_153 : i32 to index
      %parallel_loop3A_158 = arith.constant 16 : index
      %parallel_loop3A_159 = tpu.vector_load %arg5[%parallel_loop3A_157, %parallel_loop3A_158] {strides = array<i32>} : memref<8x256xf32, #tpu.memory_space<vmem>>, vector<16xf32>,
      %parallel_loop3A_160 = arith.index_cast %parallel_loop3A_153 : i32 to index
      %parallel_loop3A_161 = arith.constant 32 : index
      %parallel_loop3A_162 = tpu.vector_load %arg5[%parallel_loop3A_160, %parallel_loop3A_161] {strides = array<i32>} : memref<8x256xf32, #tpu.memory_space<vmem>>, vector<16xf32>,
      %parallel_loop3A_163 = arith.index_cast %parallel_loop3A_153 : i32 to index
      %parallel_loop3A_164 = arith.constant 48 : index
      %parallel_loop3A_165 = tpu.vector_load %arg5[%parallel_loop3A_163, %parallel_loop3A_164] {strides = array<i32>} : memref<8x256xf32, #tpu.memory_space<vmem>>, vector<16xf32>,
      %parallel_loop3A_166 = arith.index_cast %parallel_loop3A_153 : i32 to index
      %parallel_loop3A_167 = arith.constant 64 : index
      %parallel_loop3A_168 = tpu.vector_load %arg5[%parallel_loop3A_166, %parallel_loop3A_167] {strides = array<i32>} : memref<8x256xf32, #tpu.memory_space<vmem>>, vector<16xf32>,
      %parallel_loop3A_169 = arith.index_cast %parallel_loop3A_153 : i32 to index
      %parallel_loop3A_170 = arith.constant 80 : index
      %parallel_loop3A_171 = tpu.vector_load %arg5[%parallel_loop3A_169, %parallel_loop3A_170] {strides = array<i32>} : memref<8x256xf32, #tpu.memory_space<vmem>>, vector<16xf32>,
      %parallel_loop3A_172 = arith.index_cast %parallel_loop3A_153 : i32 to index
      %parallel_loop3A_173 = arith.constant 96 : index
      %parallel_loop3A_174 = tpu.vector_load %arg5[%parallel_loop3A_172, %parallel_loop3A_173] {strides = array<i32>} : memref<8x256xf32, #tpu.memory_space<vmem>>, vector<16xf32>,
      %parallel_loop3A_175 = arith.index_cast %parallel_loop3A_153 : i32 to index
      %parallel_loop3A_176 = arith.constant 112 : index
      %parallel_loop3A_177 = tpu.vector_load %arg5[%parallel_loop3A_175, %parallel_loop3A_176] {strides = array<i32>} : memref<8x256xf32, #tpu.memory_space<vmem>>, vector<16xf32>,
      %parallel_loop3A_178 = arith.index_cast %parallel_loop3A_153 : i32 to index
      %parallel_loop3A_179 = arith.constant 128 : index
      %parallel_loop3A_180 = tpu.vector_load %arg5[%parallel_loop3A_178, %parallel_loop3A_179] {strides = array<i32>} : memref<8x256xf32, #tpu.memory_space<vmem>>, vector<16xf32>,
      %parallel_loop3A_181 = arith.index_cast %parallel_loop3A_153 : i32 to index
      %parallel_loop3A_182 = arith.constant 144 : index
      %parallel_loop3A_183 = tpu.vector_load %arg5[%parallel_loop3A_181, %parallel_loop3A_182] {strides = array<i32>} : memref<8x256xf32, #tpu.memory_space<vmem>>, vector<16xf32>,
      %parallel_loop3A_184 = arith.index_cast %parallel_loop3A_153 : i32 to index
      %parallel_loop3A_185 = arith.constant 160 : index
      %parallel_loop3A_186 = tpu.vector_load %arg5[%parallel_loop3A_184, %parallel_loop3A_185] {strides = array<i32>} : memref<8x256xf32, #tpu.memory_space<vmem>>, vector<16xf32>,
      %parallel_loop3A_187 = arith.index_cast %parallel_loop3A_153 : i32 to index
      %parallel_loop3A_188 = arith.constant 176 : index
      %parallel_loop3A_189 = tpu.vector_load %arg5[%parallel_loop3A_187, %parallel_loop3A_188] {strides = array<i32>} : memref<8x256xf32, #tpu.memory_space<vmem>>, vector<16xf32>,
      %parallel_loop3A_190 = arith.index_cast %parallel_loop3A_153 : i32 to index
      %parallel_loop3A_191 = arith.constant 192 : index
      %parallel_loop3A_192 = tpu.vector_load %arg5[%parallel_loop3A_190, %parallel_loop3A_191] {strides = array<i32>} : memref<8x256xf32, #tpu.memory_space<vmem>>, vector<16xf32>,
      %parallel_loop3A_193 = arith.index_cast %parallel_loop3A_153 : i32 to index
      %parallel_loop3A_194 = arith.constant 208 : index
      %parallel_loop3A_195 = tpu.vector_load %arg5[%parallel_loop3A_193, %parallel_loop3A_194] {strides = array<i32>} : memref<8x256xf32, #tpu.memory_space<vmem>>, vector<16xf32>,
      %parallel_loop3A_196 = arith.index_cast %parallel_loop3A_153 : i32 to index
      %parallel_loop3A_197 = arith.constant 224 : index
      %parallel_loop3A_198 = tpu.vector_load %arg5[%parallel_loop3A_196, %parallel_loop3A_197] {strides = array<i32>} : memref<8x256xf32, #tpu.memory_space<vmem>>, vector<16xf32>,
      %parallel_loop3A_199 = arith.index_cast %parallel_loop3A_153 : i32 to index
      %parallel_loop3A_200 = arith.constant 240 : index
      %parallel_loop3A_201 = tpu.vector_load %arg5[%parallel_loop3A_199, %parallel_loop3A_200] {strides = array<i32>} : memref<8x256xf32, #tpu.memory_space<vmem>>, vector<16xf32>,
      %parallel_loop3A_202 = arith.constant 1 : i32
      %parallel_loop3A_203 = arith.addi %parallel_loop3A_153, %parallel_loop3A_202 : i32
      %parallel_loop3A_204 = arith.index_cast %parallel_loop3A_203 : i32 to index
      %parallel_loop3A_205 = arith.constant 0 : index
      %parallel_loop3A_206 = tpu.vector_load %arg5[%parallel_loop3A_204, %parallel_loop3A_205] {strides = array<i32>} : memref<8x256xf32, #tpu.memory_space<vmem>>, vector<16xf32>,
      %parallel_loop3A_207 = arith.constant 1 : i32
      %parallel_loop3A_208 = arith.addi %parallel_loop3A_153, %parallel_loop3A_207 : i32
      %parallel_loop3A_209 = arith.index_cast %parallel_loop3A_208 : i32 to index
      %parallel_loop3A_210 = arith.constant 16 : index
      %parallel_loop3A_211 = tpu.vector_load %arg5[%parallel_loop3A_209, %parallel_loop3A_210] {strides = array<i32>} : memref<8x256xf32, #tpu.memory_space<vmem>>, vector<16xf32>,
      %parallel_loop3A_212 = arith.constant 1 : i32
      %parallel_loop3A_213 = arith.addi %parallel_loop3A_153, %parallel_loop3A_212 : i32
      %parallel_loop3A_214 = arith.index_cast %parallel_loop3A_213 : i32 to index
      %parallel_loop3A_215 = arith.constant 32 : index
      %parallel_loop3A_216 = tpu.vector_load %arg5[%parallel_loop3A_214, %parallel_loop3A_215] {strides = array<i32>} : memref<8x256xf32, #tpu.memory_space<vmem>>, vector<16xf32>,
      %parallel_loop3A_217 = arith.constant 1 : i32
      %parallel_loop3A_218 = arith.addi %parallel_loop3A_153, %parallel_loop3A_217 : i32
      %parallel_loop3A_219 = arith.index_cast %parallel_loop3A_218 : i32 to index
      %parallel_loop3A_220 = arith.constant 48 : index
      %parallel_loop3A_221 = tpu.vector_load %arg5[%parallel_loop3A_219, %parallel_loop3A_220] {strides = array<i32>} : memref<8x256xf32, #tpu.memory_space<vmem>>, vector<16xf32>,
      %parallel_loop3A_222 = arith.constant 1 : i32
      %parallel_loop3A_223 = arith.addi %parallel_loop3A_153, %parallel_loop3A_222 : i32
      %parallel_loop3A_224 = arith.index_cast %parallel_loop3A_223 : i32 to index
      %parallel_loop3A_225 = arith.constant 64 : index
      %parallel_loop3A_226 = tpu.vector_load %arg5[%parallel_loop3A_224, %parallel_loop3A_225] {strides = array<i32>} : memref<8x256xf32, #tpu.memory_space<vmem>>, vector<16xf32>,
      %parallel_loop3A_227 = arith.constant 1 : i32
      %parallel_loop3A_228 = arith.addi %parallel_loop3A_153, %parallel_loop3A_227 : i32
      %parallel_loop3A_229 = arith.index_cast %parallel_loop3A_228 : i32 to index
      %parallel_loop3A_230 = arith.constant 80 : index
      %parallel_loop3A_231 = tpu.vector_load %arg5[%parallel_loop3A_229, %parallel_loop3A_230] {strides = array<i32>} : memref<8x256xf32, #tpu.memory_space<vmem>>, vector<16xf32>,
      %parallel_loop3A_232 = arith.constant 1 : i32
      %parallel_loop3A_233 = arith.addi %parallel_loop3A_153, %parallel_loop3A_232 : i32
      %parallel_loop3A_234 = arith.index_cast %parallel_loop3A_233 : i32 to index
      %parallel_loop3A_235 = arith.constant 96 : index
      %parallel_loop3A_236 = tpu.vector_load %arg5[%parallel_loop3A_234, %parallel_loop3A_235] {strides = array<i32>} : memref<8x256xf32, #tpu.memory_space<vmem>>, vector<16xf32>,
      %parallel_loop3A_237 = arith.constant 1 : i32
      %parallel_loop3A_238 = arith.addi %parallel_loop3A_153, %parallel_loop3A_237 : i32
      %parallel_loop3A_239 = arith.index_cast %parallel_loop3A_238 : i32 to index
      %parallel_loop3A_240 = arith.constant 112 : index
      %parallel_loop3A_241 = tpu.vector_load %arg5[%parallel_loop3A_239, %parallel_loop3A_240] {strides = array<i32>} : memref<8x256xf32, #tpu.memory_space<vmem>>, vector<16xf32>,
      %parallel_loop3A_242 = arith.constant 1 : i32
      %parallel_loop3A_243 = arith.addi %parallel_loop3A_153, %parallel_loop3A_242 : i32
      %parallel_loop3A_244 = arith.index_cast %parallel_loop3A_243 : i32 to index
      %parallel_loop3A_245 = arith.constant 128 : index
      %parallel_loop3A_246 = tpu.vector_load %arg5[%parallel_loop3A_244, %parallel_loop3A_245] {strides = array<i32>} : memref<8x256xf32, #tpu.memory_space<vmem>>, vector<16xf32>,
      %parallel_loop3A_247 = arith.constant 1 : i32
      %parallel_loop3A_248 = arith.addi %parallel_loop3A_153, %parallel_loop3A_247 : i32
      %parallel_loop3A_249 = arith.index_cast %parallel_loop3A_248 : i32 to index
      %parallel_loop3A_250 = arith.constant 144 : index
      %parallel_loop3A_251 = tpu.vector_load %arg5[%parallel_loop3A_249, %parallel_loop3A_250] {strides = array<i32>} : memref<8x256xf32, #tpu.memory_space<vmem>>, vector<16xf32>,
      %parallel_loop3A_252 = arith.constant 1 : i32
      %parallel_loop3A_253 = arith.addi %parallel_loop3A_153, %parallel_loop3A_252 : i32
      %parallel_loop3A_254 = arith.index_cast %parallel_loop3A_253 : i32 to index
      %parallel_loop3A_255 = arith.constant 160 : index
      %parallel_loop3A_256 = tpu.vector_load %arg5[%parallel_loop3A_254, %parallel_loop3A_255] {strides = array<i32>} : memref<8x256xf32, #tpu.memory_space<vmem>>, vector<16xf32>,
      %parallel_loop3A_257 = arith.constant 1 : i32
      %parallel_loop3A_258 = arith.addi %parallel_loop3A_153, %parallel_loop3A_257 : i32
      %parallel_loop3A_259 = arith.index_cast %parallel_loop3A_258 : i32 to index
      %parallel_loop3A_260 = arith.constant 176 : index
      %parallel_loop3A_261 = tpu.vector_load %arg5[%parallel_loop3A_259, %parallel_loop3A_260] {strides = array<i32>} : memref<8x256xf32, #tpu.memory_space<vmem>>, vector<16xf32>,
      %parallel_loop3A_262 = arith.constant 1 : i32
      %parallel_loop3A_263 = arith.addi %parallel_loop3A_153, %parallel_loop3A_262 : i32
      %parallel_loop3A_264 = arith.index_cast %parallel_loop3A_263 : i32 to index
      %parallel_loop3A_265 = arith.constant 192 : index
      %parallel_loop3A_266 = tpu.vector_load %arg5[%parallel_loop3A_264, %parallel_loop3A_265] {strides = array<i32>} : memref<8x256xf32, #tpu.memory_space<vmem>>, vector<16xf32>,
      %parallel_loop3A_267 = arith.constant 1 : i32
      %parallel_loop3A_268 = arith.addi %parallel_loop3A_153, %parallel_loop3A_267 : i32
      %parallel_loop3A_269 = arith.index_cast %parallel_loop3A_268 : i32 to index
      %parallel_loop3A_270 = arith.constant 208 : index
      %parallel_loop3A_271 = tpu.vector_load %arg5[%parallel_loop3A_269, %parallel_loop3A_270] {strides = array<i32>} : memref<8x256xf32, #tpu.memory_space<vmem>>, vector<16xf32>,
      %parallel_loop3A_272 = arith.constant 1 : i32
      %parallel_loop3A_273 = arith.addi %parallel_loop3A_153, %parallel_loop3A_272 : i32
      %parallel_loop3A_274 = arith.index_cast %parallel_loop3A_273 : i32 to index
      %parallel_loop3A_275 = arith.constant 224 : index
      %parallel_loop3A_276 = tpu.vector_load %arg5[%parallel_loop3A_274, %parallel_loop3A_275] {strides = array<i32>} : memref<8x256xf32, #tpu.memory_space<vmem>>, vector<16xf32>,
      %parallel_loop3A_277 = arith.constant 1 : i32
      %parallel_loop3A_278 = arith.addi %parallel_loop3A_153, %parallel_loop3A_277 : i32
      %parallel_loop3A_279 = arith.index_cast %parallel_loop3A_278 : i32 to index
      %parallel_loop3A_280 = arith.constant 240 : index
      %parallel_loop3A_281 = tpu.vector_load %arg5[%parallel_loop3A_279, %parallel_loop3A_280] {strides = array<i32>} : memref<8x256xf32, #tpu.memory_space<vmem>>, vector<16xf32>,
      %parallel_loop3A_282 = arith.constant 0 : i32
      %parallel_loop3A_283 = arith.constant 16 : i32
      %parallel_loop3A_284 = arith.constant 1 : i32
      scf.for %parallel_loop3A_285 = %parallel_loop3A_282 to %parallel_loop3A_283 step %parallel_loop3A_284  : i32 {
        %parallel_loop3A_286 = arith.index_cast %parallel_loop3A_285 : i32 to index
        %parallel_loop3A_287 = arith.constant 0 : index
        %parallel_loop3A_288 = tpu.vector_load %arg6[%parallel_loop3A_286, %parallel_loop3A_287] {strides = array<i32>} : memref<16x256xf32, #tpu.memory_space<vmem>>, vector<16xf32>,
        %parallel_loop3A_289 = arith.addf %parallel_loop3A_156, %parallel_loop3A_288 : vector<16xf32>
        %parallel_loop3A_290 = arith.index_cast %parallel_loop3A_153 : i32 to index
        %parallel_loop3A_291 = arith.index_cast %parallel_loop3A_285 : i32 to index
        %parallel_loop3A_292 = arith.constant 0 : index
        %parallel_loop3A_293 = tpu.vector_load %arg7[%parallel_loop3A_290, %parallel_loop3A_291, %parallel_loop3A_292] {strides = array<i32>} : memref<8x16x256xf32, #tpu.memory_space<vmem>>, vector<16xf32>,
        tpu.vector_store %arg7[%parallel_loop3A_290, %parallel_loop3A_291, %parallel_loop3A_292], %parallel_loop3A_289 {strides = array<i32>} : memref<8x16x256xf32, #tpu.memory_space<vmem>>, vector<16xf32>,
        %parallel_loop3A_294 = arith.addf %parallel_loop3A_206, %parallel_loop3A_288 : vector<16xf32>
        %parallel_loop3A_295 = arith.constant 1 : i32
        %parallel_loop3A_296 = arith.addi %parallel_loop3A_153, %parallel_loop3A_295 : i32
        %parallel_loop3A_297 = arith.index_cast %parallel_loop3A_296 : i32 to index
        %parallel_loop3A_298 = arith.index_cast %parallel_loop3A_285 : i32 to index
        %parallel_loop3A_299 = arith.constant 0 : index
        %parallel_loop3A_300 = tpu.vector_load %arg7[%parallel_loop3A_297, %parallel_loop3A_298, %parallel_loop3A_299] {strides = array<i32>} : memref<8x16x256xf32, #tpu.memory_space<vmem>>, vector<16xf32>,
        tpu.vector_store %arg7[%parallel_loop3A_297, %parallel_loop3A_298, %parallel_loop3A_299], %parallel_loop3A_294 {strides = array<i32>} : memref<8x16x256xf32, #tpu.memory_space<vmem>>, vector<16xf32>,
        %parallel_loop3A_301 = arith.index_cast %parallel_loop3A_285 : i32 to index
        %parallel_loop3A_302 = arith.constant 16 : index
        %parallel_loop3A_303 = tpu.vector_load %arg6[%parallel_loop3A_301, %parallel_loop3A_302] {strides = array<i32>} : memref<16x256xf32, #tpu.memory_space<vmem>>, vector<16xf32>,
        %parallel_loop3A_304 = arith.addf %parallel_loop3A_159, %parallel_loop3A_303 : vector<16xf32>
        %parallel_loop3A_305 = arith.index_cast %parallel_loop3A_153 : i32 to index
        %parallel_loop3A_306 = arith.index_cast %parallel_loop3A_285 : i32 to index
        %parallel_loop3A_307 = arith.constant 16 : index
        %parallel_loop3A_308 = tpu.vector_load %arg7[%parallel_loop3A_305, %parallel_loop3A_306, %parallel_loop3A_307] {strides = array<i32>} : memref<8x16x256xf32, #tpu.memory_space<vmem>>, vector<16xf32>,
        tpu.vector_store %arg7[%parallel_loop3A_305, %parallel_loop3A_306, %parallel_loop3A_307], %parallel_loop3A_304 {strides = array<i32>} : memref<8x16x256xf32, #tpu.memory_space<vmem>>, vector<16xf32>,
        %parallel_loop3A_309 = arith.addf %parallel_loop3A_211, %parallel_loop3A_303 : vector<16xf32>
        %parallel_loop3A_310 = arith.constant 1 : i32
        %parallel_loop3A_311 = arith.addi %parallel_loop3A_153, %parallel_loop3A_310 : i32
        %parallel_loop3A_312 = arith.index_cast %parallel_loop3A_311 : i32 to index
        %parallel_loop3A_313 = arith.index_cast %parallel_loop3A_285 : i32 to index
        %parallel_loop3A_314 = arith.constant 16 : index
        %parallel_loop3A_315 = tpu.vector_load %arg7[%parallel_loop3A_312, %parallel_loop3A_313, %parallel_loop3A_314] {strides = array<i32>} : memref<8x16x256xf32, #tpu.memory_space<vmem>>, vector<16xf32>,
        tpu.vector_store %arg7[%parallel_loop3A_312, %parallel_loop3A_313, %parallel_loop3A_314], %parallel_loop3A_309 {strides = array<i32>} : memref<8x16x256xf32, #tpu.memory_space<vmem>>, vector<16xf32>,
        %parallel_loop3A_316 = arith.index_cast %parallel_loop3A_285 : i32 to index
        %parallel_loop3A_317 = arith.constant 32 : index
        %parallel_loop3A_318 = tpu.vector_load %arg6[%parallel_loop3A_316, %parallel_loop3A_317] {strides = array<i32>} : memref<16x256xf32, #tpu.memory_space<vmem>>, vector<16xf32>,
        %parallel_loop3A_319 = arith.addf %parallel_loop3A_162, %parallel_loop3A_318 : vector<16xf32>
        %parallel_loop3A_320 = arith.index_cast %parallel_loop3A_153 : i32 to index
        %parallel_loop3A_321 = arith.index_cast %parallel_loop3A_285 : i32 to index
        %parallel_loop3A_322 = arith.constant 32 : index
        %parallel_loop3A_323 = tpu.vector_load %arg7[%parallel_loop3A_320, %parallel_loop3A_321, %parallel_loop3A_322] {strides = array<i32>} : memref<8x16x256xf32, #tpu.memory_space<vmem>>, vector<16xf32>,
        tpu.vector_store %arg7[%parallel_loop3A_320, %parallel_loop3A_321, %parallel_loop3A_322], %parallel_loop3A_319 {strides = array<i32>} : memref<8x16x256xf32, #tpu.memory_space<vmem>>, vector<16xf32>,
        %parallel_loop3A_324 = arith.addf %parallel_loop3A_216, %parallel_loop3A_318 : vector<16xf32>
        %parallel_loop3A_325 = arith.constant 1 : i32
        %parallel_loop3A_326 = arith.addi %parallel_loop3A_153, %parallel_loop3A_325 : i32
        %parallel_loop3A_327 = arith.index_cast %parallel_loop3A_326 : i32 to index
        %parallel_loop3A_328 = arith.index_cast %parallel_loop3A_285 : i32 to index
        %parallel_loop3A_329 = arith.constant 32 : index
        %parallel_loop3A_330 = tpu.vector_load %arg7[%parallel_loop3A_327, %parallel_loop3A_328, %parallel_loop3A_329] {strides = array<i32>} : memref<8x16x256xf32, #tpu.memory_space<vmem>>, vector<16xf32>,
        tpu.vector_store %arg7[%parallel_loop3A_327, %parallel_loop3A_328, %parallel_loop3A_329], %parallel_loop3A_324 {strides = array<i32>} : memref<8x16x256xf32, #tpu.memory_space<vmem>>, vector<16xf32>,
        %parallel_loop3A_331 = arith.index_cast %parallel_loop3A_285 : i32 to index
        %parallel_loop3A_332 = arith.constant 48 : index
        %parallel_loop3A_333 = tpu.vector_load %arg6[%parallel_loop3A_331, %parallel_loop3A_332] {strides = array<i32>} : memref<16x256xf32, #tpu.memory_space<vmem>>, vector<16xf32>,
        %parallel_loop3A_334 = arith.addf %parallel_loop3A_165, %parallel_loop3A_333 : vector<16xf32>
        %parallel_loop3A_335 = arith.index_cast %parallel_loop3A_153 : i32 to index
        %parallel_loop3A_336 = arith.index_cast %parallel_loop3A_285 : i32 to index
        %parallel_loop3A_337 = arith.constant 48 : index
        %parallel_loop3A_338 = tpu.vector_load %arg7[%parallel_loop3A_335, %parallel_loop3A_336, %parallel_loop3A_337] {strides = array<i32>} : memref<8x16x256xf32, #tpu.memory_space<vmem>>, vector<16xf32>,
        tpu.vector_store %arg7[%parallel_loop3A_335, %parallel_loop3A_336, %parallel_loop3A_337], %parallel_loop3A_334 {strides = array<i32>} : memref<8x16x256xf32, #tpu.memory_space<vmem>>, vector<16xf32>,
        %parallel_loop3A_339 = arith.addf %parallel_loop3A_221, %parallel_loop3A_333 : vector<16xf32>
        %parallel_loop3A_340 = arith.constant 1 : i32
        %parallel_loop3A_341 = arith.addi %parallel_loop3A_153, %parallel_loop3A_340 : i32
        %parallel_loop3A_342 = arith.index_cast %parallel_loop3A_341 : i32 to index
        %parallel_loop3A_343 = arith.index_cast %parallel_loop3A_285 : i32 to index
        %parallel_loop3A_344 = arith.constant 48 : index
        %parallel_loop3A_345 = tpu.vector_load %arg7[%parallel_loop3A_342, %parallel_loop3A_343, %parallel_loop3A_344] {strides = array<i32>} : memref<8x16x256xf32, #tpu.memory_space<vmem>>, vector<16xf32>,
        tpu.vector_store %arg7[%parallel_loop3A_342, %parallel_loop3A_343, %parallel_loop3A_344], %parallel_loop3A_339 {strides = array<i32>} : memref<8x16x256xf32, #tpu.memory_space<vmem>>, vector<16xf32>,
        %parallel_loop3A_346 = arith.index_cast %parallel_loop3A_285 : i32 to index
        %parallel_loop3A_347 = arith.constant 64 : index
        %parallel_loop3A_348 = tpu.vector_load %arg6[%parallel_loop3A_346, %parallel_loop3A_347] {strides = array<i32>} : memref<16x256xf32, #tpu.memory_space<vmem>>, vector<16xf32>,
        %parallel_loop3A_349 = arith.addf %parallel_loop3A_168, %parallel_loop3A_348 : vector<16xf32>
        %parallel_loop3A_350 = arith.index_cast %parallel_loop3A_153 : i32 to index
        %parallel_loop3A_351 = arith.index_cast %parallel_loop3A_285 : i32 to index
        %parallel_loop3A_352 = arith.constant 64 : index
        %parallel_loop3A_353 = tpu.vector_load %arg7[%parallel_loop3A_350, %parallel_loop3A_351, %parallel_loop3A_352] {strides = array<i32>} : memref<8x16x256xf32, #tpu.memory_space<vmem>>, vector<16xf32>,
        tpu.vector_store %arg7[%parallel_loop3A_350, %parallel_loop3A_351, %parallel_loop3A_352], %parallel_loop3A_349 {strides = array<i32>} : memref<8x16x256xf32, #tpu.memory_space<vmem>>, vector<16xf32>,
        %parallel_loop3A_354 = arith.addf %parallel_loop3A_226, %parallel_loop3A_348 : vector<16xf32>
        %parallel_loop3A_355 = arith.constant 1 : i32
        %parallel_loop3A_356 = arith.addi %parallel_loop3A_153, %parallel_loop3A_355 : i32
        %parallel_loop3A_357 = arith.index_cast %parallel_loop3A_356 : i32 to index
        %parallel_loop3A_358 = arith.index_cast %parallel_loop3A_285 : i32 to index
        %parallel_loop3A_359 = arith.constant 64 : index
        %parallel_loop3A_360 = tpu.vector_load %arg7[%parallel_loop3A_357, %parallel_loop3A_358, %parallel_loop3A_359] {strides = array<i32>} : memref<8x16x256xf32, #tpu.memory_space<vmem>>, vector<16xf32>,
        tpu.vector_store %arg7[%parallel_loop3A_357, %parallel_loop3A_358, %parallel_loop3A_359], %parallel_loop3A_354 {strides = array<i32>} : memref<8x16x256xf32, #tpu.memory_space<vmem>>, vector<16xf32>,
        %parallel_loop3A_361 = arith.index_cast %parallel_loop3A_285 : i32 to index
        %parallel_loop3A_362 = arith.constant 80 : index
        %parallel_loop3A_363 = tpu.vector_load %arg6[%parallel_loop3A_361, %parallel_loop3A_362] {strides = array<i32>} : memref<16x256xf32, #tpu.memory_space<vmem>>, vector<16xf32>,
        %parallel_loop3A_364 = arith.addf %parallel_loop3A_171, %parallel_loop3A_363 : vector<16xf32>
        %parallel_loop3A_365 = arith.index_cast %parallel_loop3A_153 : i32 to index
        %parallel_loop3A_366 = arith.index_cast %parallel_loop3A_285 : i32 to index
        %parallel_loop3A_367 = arith.constant 80 : index
        %parallel_loop3A_368 = tpu.vector_load %arg7[%parallel_loop3A_365, %parallel_loop3A_366, %parallel_loop3A_367] {strides = array<i32>} : memref<8x16x256xf32, #tpu.memory_space<vmem>>, vector<16xf32>,
        tpu.vector_store %arg7[%parallel_loop3A_365, %parallel_loop3A_366, %parallel_loop3A_367], %parallel_loop3A_364 {strides = array<i32>} : memref<8x16x256xf32, #tpu.memory_space<vmem>>, vector<16xf32>,
        %parallel_loop3A_369 = arith.addf %parallel_loop3A_231, %parallel_loop3A_363 : vector<16xf32>
        %parallel_loop3A_370 = arith.constant 1 : i32
        %parallel_loop3A_371 = arith.addi %parallel_loop3A_153, %parallel_loop3A_370 : i32
        %parallel_loop3A_372 = arith.index_cast %parallel_loop3A_371 : i32 to index
        %parallel_loop3A_373 = arith.index_cast %parallel_loop3A_285 : i32 to index
        %parallel_loop3A_374 = arith.constant 80 : index
        %parallel_loop3A_375 = tpu.vector_load %arg7[%parallel_loop3A_372, %parallel_loop3A_373, %parallel_loop3A_374] {strides = array<i32>} : memref<8x16x256xf32, #tpu.memory_space<vmem>>, vector<16xf32>,
        tpu.vector_store %arg7[%parallel_loop3A_372, %parallel_loop3A_373, %parallel_loop3A_374], %parallel_loop3A_369 {strides = array<i32>} : memref<8x16x256xf32, #tpu.memory_space<vmem>>, vector<16xf32>,
        %parallel_loop3A_376 = arith.index_cast %parallel_loop3A_285 : i32 to index
        %parallel_loop3A_377 = arith.constant 96 : index
        %parallel_loop3A_378 = tpu.vector_load %arg6[%parallel_loop3A_376, %parallel_loop3A_377] {strides = array<i32>} : memref<16x256xf32, #tpu.memory_space<vmem>>, vector<16xf32>,
        %parallel_loop3A_379 = arith.addf %parallel_loop3A_174, %parallel_loop3A_378 : vector<16xf32>
        %parallel_loop3A_380 = arith.index_cast %parallel_loop3A_153 : i32 to index
        %parallel_loop3A_381 = arith.index_cast %parallel_loop3A_285 : i32 to index
        %parallel_loop3A_382 = arith.constant 96 : index
        %parallel_loop3A_383 = tpu.vector_load %arg7[%parallel_loop3A_380, %parallel_loop3A_381, %parallel_loop3A_382] {strides = array<i32>} : memref<8x16x256xf32, #tpu.memory_space<vmem>>, vector<16xf32>,
        tpu.vector_store %arg7[%parallel_loop3A_380, %parallel_loop3A_381, %parallel_loop3A_382], %parallel_loop3A_379 {strides = array<i32>} : memref<8x16x256xf32, #tpu.memory_space<vmem>>, vector<16xf32>,
        %parallel_loop3A_384 = arith.addf %parallel_loop3A_236, %parallel_loop3A_378 : vector<16xf32>
        %parallel_loop3A_385 = arith.constant 1 : i32
        %parallel_loop3A_386 = arith.addi %parallel_loop3A_153, %parallel_loop3A_385 : i32
        %parallel_loop3A_387 = arith.index_cast %parallel_loop3A_386 : i32 to index
        %parallel_loop3A_388 = arith.index_cast %parallel_loop3A_285 : i32 to index
        %parallel_loop3A_389 = arith.constant 96 : index
        %parallel_loop3A_390 = tpu.vector_load %arg7[%parallel_loop3A_387, %parallel_loop3A_388, %parallel_loop3A_389] {strides = array<i32>} : memref<8x16x256xf32, #tpu.memory_space<vmem>>, vector<16xf32>,
        tpu.vector_store %arg7[%parallel_loop3A_387, %parallel_loop3A_388, %parallel_loop3A_389], %parallel_loop3A_384 {strides = array<i32>} : memref<8x16x256xf32, #tpu.memory_space<vmem>>, vector<16xf32>,
        %parallel_loop3A_391 = arith.index_cast %parallel_loop3A_285 : i32 to index
        %parallel_loop3A_392 = arith.constant 112 : index
        %parallel_loop3A_393 = tpu.vector_load %arg6[%parallel_loop3A_391, %parallel_loop3A_392] {strides = array<i32>} : memref<16x256xf32, #tpu.memory_space<vmem>>, vector<16xf32>,
        %parallel_loop3A_394 = arith.addf %parallel_loop3A_177, %parallel_loop3A_393 : vector<16xf32>
        %parallel_loop3A_395 = arith.index_cast %parallel_loop3A_153 : i32 to index
        %parallel_loop3A_396 = arith.index_cast %parallel_loop3A_285 : i32 to index
        %parallel_loop3A_397 = arith.constant 112 : index
        %parallel_loop3A_398 = tpu.vector_load %arg7[%parallel_loop3A_395, %parallel_loop3A_396, %parallel_loop3A_397] {strides = array<i32>} : memref<8x16x256xf32, #tpu.memory_space<vmem>>, vector<16xf32>,
        tpu.vector_store %arg7[%parallel_loop3A_395, %parallel_loop3A_396, %parallel_loop3A_397], %parallel_loop3A_394 {strides = array<i32>} : memref<8x16x256xf32, #tpu.memory_space<vmem>>, vector<16xf32>,
        %parallel_loop3A_399 = arith.addf %parallel_loop3A_241, %parallel_loop3A_393 : vector<16xf32>
        %parallel_loop3A_400 = arith.constant 1 : i32
        %parallel_loop3A_401 = arith.addi %parallel_loop3A_153, %parallel_loop3A_400 : i32
        %parallel_loop3A_402 = arith.index_cast %parallel_loop3A_401 : i32 to index
        %parallel_loop3A_403 = arith.index_cast %parallel_loop3A_285 : i32 to index
        %parallel_loop3A_404 = arith.constant 112 : index
        %parallel_loop3A_405 = tpu.vector_load %arg7[%parallel_loop3A_402, %parallel_loop3A_403, %parallel_loop3A_404] {strides = array<i32>} : memref<8x16x256xf32, #tpu.memory_space<vmem>>, vector<16xf32>,
        tpu.vector_store %arg7[%parallel_loop3A_402, %parallel_loop3A_403, %parallel_loop3A_404], %parallel_loop3A_399 {strides = array<i32>} : memref<8x16x256xf32, #tpu.memory_space<vmem>>, vector<16xf32>,
        %parallel_loop3A_406 = arith.index_cast %parallel_loop3A_285 : i32 to index
        %parallel_loop3A_407 = arith.constant 128 : index
        %parallel_loop3A_408 = tpu.vector_load %arg6[%parallel_loop3A_406, %parallel_loop3A_407] {strides = array<i32>} : memref<16x256xf32, #tpu.memory_space<vmem>>, vector<16xf32>,
        %parallel_loop3A_409 = arith.addf %parallel_loop3A_180, %parallel_loop3A_408 : vector<16xf32>
        %parallel_loop3A_410 = arith.index_cast %parallel_loop3A_153 : i32 to index
        %parallel_loop3A_411 = arith.index_cast %parallel_loop3A_285 : i32 to index
        %parallel_loop3A_412 = arith.constant 128 : index
        %parallel_loop3A_413 = tpu.vector_load %arg7[%parallel_loop3A_410, %parallel_loop3A_411, %parallel_loop3A_412] {strides = array<i32>} : memref<8x16x256xf32, #tpu.memory_space<vmem>>, vector<16xf32>,
        tpu.vector_store %arg7[%parallel_loop3A_410, %parallel_loop3A_411, %parallel_loop3A_412], %parallel_loop3A_409 {strides = array<i32>} : memref<8x16x256xf32, #tpu.memory_space<vmem>>, vector<16xf32>,
        %parallel_loop3A_414 = arith.addf %parallel_loop3A_246, %parallel_loop3A_408 : vector<16xf32>
        %parallel_loop3A_415 = arith.constant 1 : i32
        %parallel_loop3A_416 = arith.addi %parallel_loop3A_153, %parallel_loop3A_415 : i32
        %parallel_loop3A_417 = arith.index_cast %parallel_loop3A_416 : i32 to index
        %parallel_loop3A_418 = arith.index_cast %parallel_loop3A_285 : i32 to index
        %parallel_loop3A_419 = arith.constant 128 : index
        %parallel_loop3A_420 = tpu.vector_load %arg7[%parallel_loop3A_417, %parallel_loop3A_418, %parallel_loop3A_419] {strides = array<i32>} : memref<8x16x256xf32, #tpu.memory_space<vmem>>, vector<16xf32>,
        tpu.vector_store %arg7[%parallel_loop3A_417, %parallel_loop3A_418, %parallel_loop3A_419], %parallel_loop3A_414 {strides = array<i32>} : memref<8x16x256xf32, #tpu.memory_space<vmem>>, vector<16xf32>,
        %parallel_loop3A_421 = arith.index_cast %parallel_loop3A_285 : i32 to index
        %parallel_loop3A_422 = arith.constant 144 : index
        %parallel_loop3A_423 = tpu.vector_load %arg6[%parallel_loop3A_421, %parallel_loop3A_422] {strides = array<i32>} : memref<16x256xf32, #tpu.memory_space<vmem>>, vector<16xf32>,
        %parallel_loop3A_424 = arith.addf %parallel_loop3A_183, %parallel_loop3A_423 : vector<16xf32>
        %parallel_loop3A_425 = arith.index_cast %parallel_loop3A_153 : i32 to index
        %parallel_loop3A_426 = arith.index_cast %parallel_loop3A_285 : i32 to index
        %parallel_loop3A_427 = arith.constant 144 : index
        %parallel_loop3A_428 = tpu.vector_load %arg7[%parallel_loop3A_425, %parallel_loop3A_426, %parallel_loop3A_427] {strides = array<i32>} : memref<8x16x256xf32, #tpu.memory_space<vmem>>, vector<16xf32>,
        tpu.vector_store %arg7[%parallel_loop3A_425, %parallel_loop3A_426, %parallel_loop3A_427], %parallel_loop3A_424 {strides = array<i32>} : memref<8x16x256xf32, #tpu.memory_space<vmem>>, vector<16xf32>,
        %parallel_loop3A_429 = arith.addf %parallel_loop3A_251, %parallel_loop3A_423 : vector<16xf32>
        %parallel_loop3A_430 = arith.constant 1 : i32
        %parallel_loop3A_431 = arith.addi %parallel_loop3A_153, %parallel_loop3A_430 : i32
        %parallel_loop3A_432 = arith.index_cast %parallel_loop3A_431 : i32 to index
        %parallel_loop3A_433 = arith.index_cast %parallel_loop3A_285 : i32 to index
        %parallel_loop3A_434 = arith.constant 144 : index
        %parallel_loop3A_435 = tpu.vector_load %arg7[%parallel_loop3A_432, %parallel_loop3A_433, %parallel_loop3A_434] {strides = array<i32>} : memref<8x16x256xf32, #tpu.memory_space<vmem>>, vector<16xf32>,
        tpu.vector_store %arg7[%parallel_loop3A_432, %parallel_loop3A_433, %parallel_loop3A_434], %parallel_loop3A_429 {strides = array<i32>} : memref<8x16x256xf32, #tpu.memory_space<vmem>>, vector<16xf32>,
        %parallel_loop3A_436 = arith.index_cast %parallel_loop3A_285 : i32 to index
        %parallel_loop3A_437 = arith.constant 160 : index
        %parallel_loop3A_438 = tpu.vector_load %arg6[%parallel_loop3A_436, %parallel_loop3A_437] {strides = array<i32>} : memref<16x256xf32, #tpu.memory_space<vmem>>, vector<16xf32>,
        %parallel_loop3A_439 = arith.addf %parallel_loop3A_186, %parallel_loop3A_438 : vector<16xf32>
        %parallel_loop3A_440 = arith.index_cast %parallel_loop3A_153 : i32 to index
        %parallel_loop3A_441 = arith.index_cast %parallel_loop3A_285 : i32 to index
        %parallel_loop3A_442 = arith.constant 160 : index
        %parallel_loop3A_443 = tpu.vector_load %arg7[%parallel_loop3A_440, %parallel_loop3A_441, %parallel_loop3A_442] {strides = array<i32>} : memref<8x16x256xf32, #tpu.memory_space<vmem>>, vector<16xf32>,
        tpu.vector_store %arg7[%parallel_loop3A_440, %parallel_loop3A_441, %parallel_loop3A_442], %parallel_loop3A_439 {strides = array<i32>} : memref<8x16x256xf32, #tpu.memory_space<vmem>>, vector<16xf32>,
        %parallel_loop3A_444 = arith.addf %parallel_loop3A_256, %parallel_loop3A_438 : vector<16xf32>
        %parallel_loop3A_445 = arith.constant 1 : i32
        %parallel_loop3A_446 = arith.addi %parallel_loop3A_153, %parallel_loop3A_445 : i32
        %parallel_loop3A_447 = arith.index_cast %parallel_loop3A_446 : i32 to index
        %parallel_loop3A_448 = arith.index_cast %parallel_loop3A_285 : i32 to index
        %parallel_loop3A_449 = arith.constant 160 : index
        %parallel_loop3A_450 = tpu.vector_load %arg7[%parallel_loop3A_447, %parallel_loop3A_448, %parallel_loop3A_449] {strides = array<i32>} : memref<8x16x256xf32, #tpu.memory_space<vmem>>, vector<16xf32>,
        tpu.vector_store %arg7[%parallel_loop3A_447, %parallel_loop3A_448, %parallel_loop3A_449], %parallel_loop3A_444 {strides = array<i32>} : memref<8x16x256xf32, #tpu.memory_space<vmem>>, vector<16xf32>,
        %parallel_loop3A_451 = arith.index_cast %parallel_loop3A_285 : i32 to index
        %parallel_loop3A_452 = arith.constant 176 : index
        %parallel_loop3A_453 = tpu.vector_load %arg6[%parallel_loop3A_451, %parallel_loop3A_452] {strides = array<i32>} : memref<16x256xf32, #tpu.memory_space<vmem>>, vector<16xf32>,
        %parallel_loop3A_454 = arith.addf %parallel_loop3A_189, %parallel_loop3A_453 : vector<16xf32>
        %parallel_loop3A_455 = arith.index_cast %parallel_loop3A_153 : i32 to index
        %parallel_loop3A_456 = arith.index_cast %parallel_loop3A_285 : i32 to index
        %parallel_loop3A_457 = arith.constant 176 : index
        %parallel_loop3A_458 = tpu.vector_load %arg7[%parallel_loop3A_455, %parallel_loop3A_456, %parallel_loop3A_457] {strides = array<i32>} : memref<8x16x256xf32, #tpu.memory_space<vmem>>, vector<16xf32>,
        tpu.vector_store %arg7[%parallel_loop3A_455, %parallel_loop3A_456, %parallel_loop3A_457], %parallel_loop3A_454 {strides = array<i32>} : memref<8x16x256xf32, #tpu.memory_space<vmem>>, vector<16xf32>,
        %parallel_loop3A_459 = arith.addf %parallel_loop3A_261, %parallel_loop3A_453 : vector<16xf32>
        %parallel_loop3A_460 = arith.constant 1 : i32
        %parallel_loop3A_461 = arith.addi %parallel_loop3A_153, %parallel_loop3A_460 : i32
        %parallel_loop3A_462 = arith.index_cast %parallel_loop3A_461 : i32 to index
        %parallel_loop3A_463 = arith.index_cast %parallel_loop3A_285 : i32 to index
        %parallel_loop3A_464 = arith.constant 176 : index
        %parallel_loop3A_465 = tpu.vector_load %arg7[%parallel_loop3A_462, %parallel_loop3A_463, %parallel_loop3A_464] {strides = array<i32>} : memref<8x16x256xf32, #tpu.memory_space<vmem>>, vector<16xf32>,
        tpu.vector_store %arg7[%parallel_loop3A_462, %parallel_loop3A_463, %parallel_loop3A_464], %parallel_loop3A_459 {strides = array<i32>} : memref<8x16x256xf32, #tpu.memory_space<vmem>>, vector<16xf32>,
        %parallel_loop3A_466 = arith.index_cast %parallel_loop3A_285 : i32 to index
        %parallel_loop3A_467 = arith.constant 192 : index
        %parallel_loop3A_468 = tpu.vector_load %arg6[%parallel_loop3A_466, %parallel_loop3A_467] {strides = array<i32>} : memref<16x256xf32, #tpu.memory_space<vmem>>, vector<16xf32>,
        %parallel_loop3A_469 = arith.addf %parallel_loop3A_192, %parallel_loop3A_468 : vector<16xf32>
        %parallel_loop3A_470 = arith.index_cast %parallel_loop3A_153 : i32 to index
        %parallel_loop3A_471 = arith.index_cast %parallel_loop3A_285 : i32 to index
        %parallel_loop3A_472 = arith.constant 192 : index
        %parallel_loop3A_473 = tpu.vector_load %arg7[%parallel_loop3A_470, %parallel_loop3A_471, %parallel_loop3A_472] {strides = array<i32>} : memref<8x16x256xf32, #tpu.memory_space<vmem>>, vector<16xf32>,
        tpu.vector_store %arg7[%parallel_loop3A_470, %parallel_loop3A_471, %parallel_loop3A_472], %parallel_loop3A_469 {strides = array<i32>} : memref<8x16x256xf32, #tpu.memory_space<vmem>>, vector<16xf32>,
        %parallel_loop3A_474 = arith.addf %parallel_loop3A_266, %parallel_loop3A_468 : vector<16xf32>
        %parallel_loop3A_475 = arith.constant 1 : i32
        %parallel_loop3A_476 = arith.addi %parallel_loop3A_153, %parallel_loop3A_475 : i32
        %parallel_loop3A_477 = arith.index_cast %parallel_loop3A_476 : i32 to index
        %parallel_loop3A_478 = arith.index_cast %parallel_loop3A_285 : i32 to index
        %parallel_loop3A_479 = arith.constant 192 : index
        %parallel_loop3A_480 = tpu.vector_load %arg7[%parallel_loop3A_477, %parallel_loop3A_478, %parallel_loop3A_479] {strides = array<i32>} : memref<8x16x256xf32, #tpu.memory_space<vmem>>, vector<16xf32>,
        tpu.vector_store %arg7[%parallel_loop3A_477, %parallel_loop3A_478, %parallel_loop3A_479], %parallel_loop3A_474 {strides = array<i32>} : memref<8x16x256xf32, #tpu.memory_space<vmem>>, vector<16xf32>,
        %parallel_loop3A_481 = arith.index_cast %parallel_loop3A_285 : i32 to index
        %parallel_loop3A_482 = arith.constant 208 : index
        %parallel_loop3A_483 = tpu.vector_load %arg6[%parallel_loop3A_481, %parallel_loop3A_482] {strides = array<i32>} : memref<16x256xf32, #tpu.memory_space<vmem>>, vector<16xf32>,
        %parallel_loop3A_484 = arith.addf %parallel_loop3A_195, %parallel_loop3A_483 : vector<16xf32>
        %parallel_loop3A_485 = arith.index_cast %parallel_loop3A_153 : i32 to index
        %parallel_loop3A_486 = arith.index_cast %parallel_loop3A_285 : i32 to index
        %parallel_loop3A_487 = arith.constant 208 : index
        %parallel_loop3A_488 = tpu.vector_load %arg7[%parallel_loop3A_485, %parallel_loop3A_486, %parallel_loop3A_487] {strides = array<i32>} : memref<8x16x256xf32, #tpu.memory_space<vmem>>, vector<16xf32>,
        tpu.vector_store %arg7[%parallel_loop3A_485, %parallel_loop3A_486, %parallel_loop3A_487], %parallel_loop3A_484 {strides = array<i32>} : memref<8x16x256xf32, #tpu.memory_space<vmem>>, vector<16xf32>,
        %parallel_loop3A_489 = arith.addf %parallel_loop3A_271, %parallel_loop3A_483 : vector<16xf32>
        %parallel_loop3A_490 = arith.constant 1 : i32
        %parallel_loop3A_491 = arith.addi %parallel_loop3A_153, %parallel_loop3A_490 : i32
        %parallel_loop3A_492 = arith.index_cast %parallel_loop3A_491 : i32 to index
        %parallel_loop3A_493 = arith.index_cast %parallel_loop3A_285 : i32 to index
        %parallel_loop3A_494 = arith.constant 208 : index
        %parallel_loop3A_495 = tpu.vector_load %arg7[%parallel_loop3A_492, %parallel_loop3A_493, %parallel_loop3A_494] {strides = array<i32>} : memref<8x16x256xf32, #tpu.memory_space<vmem>>, vector<16xf32>,
        tpu.vector_store %arg7[%parallel_loop3A_492, %parallel_loop3A_493, %parallel_loop3A_494], %parallel_loop3A_489 {strides = array<i32>} : memref<8x16x256xf32, #tpu.memory_space<vmem>>, vector<16xf32>,
        %parallel_loop3A_496 = arith.index_cast %parallel_loop3A_285 : i32 to index
        %parallel_loop3A_497 = arith.constant 224 : index
        %parallel_loop3A_498 = tpu.vector_load %arg6[%parallel_loop3A_496, %parallel_loop3A_497] {strides = array<i32>} : memref<16x256xf32, #tpu.memory_space<vmem>>, vector<16xf32>,
        %parallel_loop3A_499 = arith.addf %parallel_loop3A_198, %parallel_loop3A_498 : vector<16xf32>
        %parallel_loop3A_500 = arith.index_cast %parallel_loop3A_153 : i32 to index
        %parallel_loop3A_501 = arith.index_cast %parallel_loop3A_285 : i32 to index
        %parallel_loop3A_502 = arith.constant 224 : index
        %parallel_loop3A_503 = tpu.vector_load %arg7[%parallel_loop3A_500, %parallel_loop3A_501, %parallel_loop3A_502] {strides = array<i32>} : memref<8x16x256xf32, #tpu.memory_space<vmem>>, vector<16xf32>,
        tpu.vector_store %arg7[%parallel_loop3A_500, %parallel_loop3A_501, %parallel_loop3A_502], %parallel_loop3A_499 {strides = array<i32>} : memref<8x16x256xf32, #tpu.memory_space<vmem>>, vector<16xf32>,
        %parallel_loop3A_504 = arith.addf %parallel_loop3A_276, %parallel_loop3A_498 : vector<16xf32>
        %parallel_loop3A_505 = arith.constant 1 : i32
        %parallel_loop3A_506 = arith.addi %parallel_loop3A_153, %parallel_loop3A_505 : i32
        %parallel_loop3A_507 = arith.index_cast %parallel_loop3A_506 : i32 to index
        %parallel_loop3A_508 = arith.index_cast %parallel_loop3A_285 : i32 to index
        %parallel_loop3A_509 = arith.constant 224 : index
        %parallel_loop3A_510 = tpu.vector_load %arg7[%parallel_loop3A_507, %parallel_loop3A_508, %parallel_loop3A_509] {strides = array<i32>} : memref<8x16x256xf32, #tpu.memory_space<vmem>>, vector<16xf32>,
        tpu.vector_store %arg7[%parallel_loop3A_507, %parallel_loop3A_508, %parallel_loop3A_509], %parallel_loop3A_504 {strides = array<i32>} : memref<8x16x256xf32, #tpu.memory_space<vmem>>, vector<16xf32>,
        %parallel_loop3A_511 = arith.index_cast %parallel_loop3A_285 : i32 to index
        %parallel_loop3A_512 = arith.constant 240 : index
        %parallel_loop3A_513 = tpu.vector_load %arg6[%parallel_loop3A_511, %parallel_loop3A_512] {strides = array<i32>} : memref<16x256xf32, #tpu.memory_space<vmem>>, vector<16xf32>,
        %parallel_loop3A_514 = arith.addf %parallel_loop3A_201, %parallel_loop3A_513 : vector<16xf32>
        %parallel_loop3A_515 = arith.index_cast %parallel_loop3A_153 : i32 to index
        %parallel_loop3A_516 = arith.index_cast %parallel_loop3A_285 : i32 to index
        %parallel_loop3A_517 = arith.constant 240 : index
        %parallel_loop3A_518 = tpu.vector_load %arg7[%parallel_loop3A_515, %parallel_loop3A_516, %parallel_loop3A_517] {strides = array<i32>} : memref<8x16x256xf32, #tpu.memory_space<vmem>>, vector<16xf32>,
        tpu.vector_store %arg7[%parallel_loop3A_515, %parallel_loop3A_516, %parallel_loop3A_517], %parallel_loop3A_514 {strides = array<i32>} : memref<8x16x256xf32, #tpu.memory_space<vmem>>, vector<16xf32>,
        %parallel_loop3A_519 = arith.addf %parallel_loop3A_281, %parallel_loop3A_513 : vector<16xf32>
        %parallel_loop3A_520 = arith.constant 1 : i32
        %parallel_loop3A_521 = arith.addi %parallel_loop3A_153, %parallel_loop3A_520 : i32
        %parallel_loop3A_522 = arith.index_cast %parallel_loop3A_521 : i32 to index
        %parallel_loop3A_523 = arith.index_cast %parallel_loop3A_285 : i32 to index
        %parallel_loop3A_524 = arith.constant 240 : index
        %parallel_loop3A_525 = tpu.vector_load %arg7[%parallel_loop3A_522, %parallel_loop3A_523, %parallel_loop3A_524] {strides = array<i32>} : memref<8x16x256xf32, #tpu.memory_space<vmem>>, vector<16xf32>,
        tpu.vector_store %arg7[%parallel_loop3A_522, %parallel_loop3A_523, %parallel_loop3A_524], %parallel_loop3A_519 {strides = array<i32>} : memref<8x16x256xf32, #tpu.memory_space<vmem>>, vector<16xf32>,
      } {sc.loop_unroll_factor = 2 : i64, sc.parallel_access}
    } {sc.loop_unroll_factor = 1 : i64, sc.parallel_access}
    %add3A_91 = arith.constant 6 : i32
    %add3A_92 = arith.addi %mul3A_21, %add3A_91 : i32
    %dma_start3A_93 = arith.constant 6 : i32
    %dma_start3A_94 = arith.constant 0 : i32
    %dma_start3A_95 = arith.constant 0 : i32
    %dma_start3A_96 = tpu.memref_slice %arg7[%dma_start3A_93, %dma_start3A_94, %dma_start3A_95] : memref<8x16x256xf32, #tpu.memory_space<vmem>> -> memref<2x16x256xf32, #tpu.memory_space<vmem>>
    %dma_start3A_97 = arith.constant 0 : i32
    %dma_start3A_98 = tpu.memref_slice %arg4[%add3A_92, %mul3A_23, %dma_start3A_97] : memref<64x64x256xf32, #tpu.memory_space<hbm>> -> memref<2x16x256xf32, #tpu.memory_space<hbm>>
    %dma_start3A_99 = arith.constant 0 : i32
    %dma_start3A_100 = tpu.memref_slice %arg4[%add3A_92, %mul3A_23, %dma_start3A_99] : memref<64x64x256xf32, #tpu.memory_space<hbm>> -> memref<2x16x256xf32, #tpu.memory_space<hbm>>
    %dma_start3A_101 = arith.constant 6 : i32
    %dma_start3A_102 = arith.constant 0 : i32
    %dma_start3A_103 = arith.constant 0 : i32
    %dma_start3A_104 = tpu.memref_slice %arg7[%dma_start3A_101, %dma_start3A_102, %dma_start3A_103] : memref<8x16x256xf32, #tpu.memory_space<vmem>> -> memref<2x16x256xf32, #tpu.memory_space<vmem>>
    tpu.enqueue_dma source(%dma_start3A_104 : memref<2x16x256xf32, #tpu.memory_space<vmem>>) target(%dma_start3A_100 : memref<2x16x256xf32, #tpu.memory_space<hbm>>) target_semaphore(%arg9 : memref<!tpu.dma_semaphore, #tpu.memory_space<semaphore_mem>>)
    %dma_wait3A_105 = arith.constant 0 : i32
    %dma_wait3A_106 = arith.constant 0 : i32
    %dma_wait3A_107 = arith.constant 0 : i32
    %dma_wait3A_108 = tpu.memref_slice %arg7[%dma_wait3A_105, %dma_wait3A_106, %dma_wait3A_107] : memref<8x16x256xf32, #tpu.memory_space<vmem>> -> memref<2x16x256xf32, #tpu.memory_space<vmem>>
    %dma_wait3A_109 = arith.constant 0 : i32
    %dma_wait3A_110 = tpu.memref_slice %arg4[%add3A_41, %mul3A_23, %dma_wait3A_109] : memref<64x64x256xf32, #tpu.memory_space<hbm>> -> memref<2x16x256xf32, #tpu.memory_space<hbm>>
    %dma_wait3A_111 = arith.constant 0 : i32
    %dma_wait3A_112 = tpu.memref_slice %arg4[%add3A_41, %mul3A_23, %dma_wait3A_111] : memref<64x64x256xf32, #tpu.memory_space<hbm>> -> memref<2x16x256xf32, #tpu.memory_space<hbm>>
    %dma_wait3A_113 = arith.constant 0 : i32
    %dma_wait3A_114 = arith.constant 0 : i32
    %dma_wait3A_115 = arith.constant 0 : i32
    %dma_wait3A_116 = tpu.memref_slice %arg7[%dma_wait3A_113, %dma_wait3A_114, %dma_wait3A_115] : memref<8x16x256xf32, #tpu.memory_space<vmem>> -> memref<2x16x256xf32, #tpu.memory_space<vmem>>
    tpu.wait_dma2 semaphore(%arg9 : memref<!tpu.dma_semaphore, #tpu.memory_space<semaphore_mem>>) src(%dma_wait3A_116 : memref<2x16x256xf32, #tpu.memory_space<vmem>>) dst(%dma_wait3A_112 : memref<2x16x256xf32, #tpu.memory_space<hbm>>)
    %dma_wait3A_117 = arith.constant 2 : i32
    %dma_wait3A_118 = arith.constant 0 : i32
    %dma_wait3A_119 = arith.constant 0 : i32
    %dma_wait3A_120 = tpu.memref_slice %arg7[%dma_wait3A_117, %dma_wait3A_118, %dma_wait3A_119] : memref<8x16x256xf32, #tpu.memory_space<vmem>> -> memref<2x16x256xf32, #tpu.memory_space<vmem>>
    %dma_wait3A_121 = arith.constant 0 : i32
    %dma_wait3A_122 = tpu.memref_slice %arg4[%add3A_58, %mul3A_23, %dma_wait3A_121] : memref<64x64x256xf32, #tpu.memory_space<hbm>> -> memref<2x16x256xf32, #tpu.memory_space<hbm>>
    %dma_wait3A_123 = arith.constant 0 : i32
    %dma_wait3A_124 = tpu.memref_slice %arg4[%add3A_58, %mul3A_23, %dma_wait3A_123] : memref<64x64x256xf32, #tpu.memory_space<hbm>> -> memref<2x16x256xf32, #tpu.memory_space<hbm>>
    %dma_wait3A_125 = arith.constant 2 : i32
    %dma_wait3A_126 = arith.constant 0 : i32
    %dma_wait3A_127 = arith.constant 0 : i32
    %dma_wait3A_128 = tpu.memref_slice %arg7[%dma_wait3A_125, %dma_wait3A_126, %dma_wait3A_127] : memref<8x16x256xf32, #tpu.memory_space<vmem>> -> memref<2x16x256xf32, #tpu.memory_space<vmem>>
    tpu.wait_dma2 semaphore(%arg9 : memref<!tpu.dma_semaphore, #tpu.memory_space<semaphore_mem>>) src(%dma_wait3A_128 : memref<2x16x256xf32, #tpu.memory_space<vmem>>) dst(%dma_wait3A_124 : memref<2x16x256xf32, #tpu.memory_space<hbm>>)
    %dma_wait3A_129 = arith.constant 4 : i32
    %dma_wait3A_130 = arith.constant 0 : i32
    %dma_wait3A_131 = arith.constant 0 : i32
    %dma_wait3A_132 = tpu.memref_slice %arg7[%dma_wait3A_129, %dma_wait3A_130, %dma_wait3A_131] : memref<8x16x256xf32, #tpu.memory_space<vmem>> -> memref<2x16x256xf32, #tpu.memory_space<vmem>>
    %dma_wait3A_133 = arith.constant 0 : i32
    %dma_wait3A_134 = tpu.memref_slice %arg4[%add3A_75, %mul3A_23, %dma_wait3A_133] : memref<64x64x256xf32, #tpu.memory_space<hbm>> -> memref<2x16x256xf32, #tpu.memory_space<hbm>>
    %dma_wait3A_135 = arith.constant 0 : i32
    %dma_wait3A_136 = tpu.memref_slice %arg4[%add3A_75, %mul3A_23, %dma_wait3A_135] : memref<64x64x256xf32, #tpu.memory_space<hbm>> -> memref<2x16x256xf32, #tpu.memory_space<hbm>>
    %dma_wait3A_137 = arith.constant 4 : i32
    %dma_wait3A_138 = arith.constant 0 : i32
    %dma_wait3A_139 = arith.constant 0 : i32
    %dma_wait3A_140 = tpu.memref_slice %arg7[%dma_wait3A_137, %dma_wait3A_138, %dma_wait3A_139] : memref<8x16x256xf32, #tpu.memory_space<vmem>> -> memref<2x16x256xf32, #tpu.memory_space<vmem>>
    tpu.wait_dma2 semaphore(%arg9 : memref<!tpu.dma_semaphore, #tpu.memory_space<semaphore_mem>>) src(%dma_wait3A_140 : memref<2x16x256xf32, #tpu.memory_space<vmem>>) dst(%dma_wait3A_136 : memref<2x16x256xf32, #tpu.memory_space<hbm>>)
    %dma_wait3A_141 = arith.constant 6 : i32
    %dma_wait3A_142 = arith.constant 0 : i32
    %dma_wait3A_143 = arith.constant 0 : i32
    %dma_wait3A_144 = tpu.memref_slice %arg7[%dma_wait3A_141, %dma_wait3A_142, %dma_wait3A_143] : memref<8x16x256xf32, #tpu.memory_space<vmem>> -> memref<2x16x256xf32, #tpu.memory_space<vmem>>
    %dma_wait3A_145 = arith.constant 0 : i32
    %dma_wait3A_146 = tpu.memref_slice %arg4[%add3A_92, %mul3A_23, %dma_wait3A_145] : memref<64x64x256xf32, #tpu.memory_space<hbm>> -> memref<2x16x256xf32, #tpu.memory_space<hbm>>
    %dma_wait3A_147 = arith.constant 0 : i32
    %dma_wait3A_148 = tpu.memref_slice %arg4[%add3A_92, %mul3A_23, %dma_wait3A_147] : memref<64x64x256xf32, #tpu.memory_space<hbm>> -> memref<2x16x256xf32, #tpu.memory_space<hbm>>
    %dma_wait3A_149 = arith.constant 6 : i32
    %dma_wait3A_150 = arith.constant 0 : i32
    %dma_wait3A_151 = arith.constant 0 : i32
    %dma_wait3A_152 = tpu.memref_slice %arg7[%dma_wait3A_149, %dma_wait3A_150, %dma_wait3A_151] : memref<8x16x256xf32, #tpu.memory_space<vmem>> -> memref<2x16x256xf32, #tpu.memory_space<vmem>>
    tpu.wait_dma2 semaphore(%arg9 : memref<!tpu.dma_semaphore, #tpu.memory_space<semaphore_mem>>) src(%dma_wait3A_152 : memref<2x16x256xf32, #tpu.memory_space<vmem>>) dst(%dma_wait3A_148 : memref<2x16x256xf32, #tpu.memory_space<hbm>>)
    return
  }
}

</mosaic_0001>

<sc_bundles>
// kernel: _pos_embed_sc.3.cloned.1.call-start
scs
__scs_entry_jumppad:
0x0: {  	(pc) =	sbr.rel $0x88, $3  }
0x1: {  	(tag) =	ssettag $0x0;
	lr =	simm.s32 $0x1  }
0x2: {  	[smem:$0x3F9F] =	sst lr;
	_ =	strace $0xD0000000  }
0x3: {  	_ = 	snop  }
0x4: {  	_ = 	snop  }
0x5: {  	_ = 	snop  }
0x6: {  	_ = 	snop  }
0x7: {  	_ = 	snop  }
__scs_overlays_trampoline_lowered:
0x8: {  	[smem:$0x3FAE] =	sst s0  }
0x9: {  	[smem:$0x3FAF] =	sst s1  }
0xa: {  	[smem:$0x3FB0] =	sst s2  }
0xb: {  	[smem:$0x3FB1] =	sst s3  }
0xc: {  	[smem:$0x3FB2] =	sst s4  }
0xd: {  	[smem:$0x3FB3] =	sst s5  }
0xe: {  	[smem:$0x3FB4] =	sst s6  }
0xf: {  	[smem:$0x3FB5] =	sst s7  }
0x10: {  	[smem:$0x3FB6] =	sst s8  }
0x11: {  	[smem:$0x3FB7] =	sst s9;
	s0 =	simm.s32 @!p0 $0x0  }
0x12: {  	s1 =	sld [smem:$0x3F9D];
	s0 =	simm.s32 @p0 $0x1  }
0x13: {  	[smem:$0x3FB8] =	sst s0;
	s0 =	simm.s32 @!p1 $0x0  }
0x14: {  	s2 =	sld [smem:$0x3F9C];
	s0 =	simm.s32 @p1 $0x1  }
0x15: {  	[smem:$0x3FB9] =	sst s0;
	s0 =	simm.s32 @!p2 $0x0  }
0x16: {  	s3 =	sld [smem:$0x3FDB];
	s0 =	simm.s32 @p2 $0x1  }
0x17: {  	s4 =	simm.s32 $0x1BF5;
	[smem:$0x3FBB] =	sst s0  }
0x18: {  	s0 =	sld [smem:$0x3F9E];
	_ =	swait.ge [sflag:s4], $0x0  }
0x19: {  	s7 =	sld [smem:$0x3F9F]  }
0x1a: {  	s8 =	sadd.s32 $0xFFFFE003, lr  }
0x1b: {  	s9 =	sadd.s32 $0xFFFFFEF7, lr;
	s5 =	simm.s32 $0xFFFFFFFF;
	p2 =	slt.u32 s8, $0xFFFFF086  }
0x1c: {  	p1 =	slt.u32 s9, $0xF7A;
	s5 =	simm.s32 @!p2 $0x0  }
0x1d: {  	s5 =	simm.s32 @p1 $0x1;
	p0 =	seq.s32 s7, s2  }
0x1e: {  	s7 =	smul.u32 @!p0 $0xF7A, s2;
	p2 =	seq.s32 @!p0 s5, $0x0  }
0x1f: {  	s9 =	smul.u32 $0xF7A, s1;
	s8 =	simm.s32 @!p0 $0x1BF5;
	p2 =	por !p2, p0  }
0x20: {  	[sflag:s8] =	ssyncset.s32 @!p0 $0xFFFFF086;
	s6 =	sadd.s32 @!p0 s3, s7;
	s7 =	simm.s32 @!p0 $0x108  }
0x21: {  	s3 =	sadd.s32 s3, s9;
	s6 =	sadd.s32 @!p0 $0x88, s6;
	s7 =	simm.s32 @p2 $0x1082  }
0x22: {  	[simem:s7], [sflag:s8] =	dma.local @!p0 [hbm:s6], $0xF7A  }
0x23: {  	s9 =	sor.u32 $0xD0000000, s2;
	s6 =	simm.s32 $0x108;
	_ =	swait.ge @!p0 [sflag:s8], $0x0  }
0x24: {  	s3 =	sadd.s32 $0x88, s3;
	s6 =	simm.s32 @!p1 $0x1082;
	[sflag:s4] =	ssyncset.s32 $0xFFFFF086  }
0x25: {  	[simem:s6], [sflag:s4] =	dma.local [hbm:s3], $0xF7A  }
0x26: {  	[smem:$0x3F9F] =	sst s1;
	(tag) =	ssettag s2;
	_ =	strace s9  }
0x27: {  	s1 =	sld [smem:$0x3FAF]  }
0x28: {  	s2 =	sld [smem:$0x3FB0]  }
0x29: {  	s4 =	sld [smem:$0x3FB2]  }
0x2a: {  	p0 =	seq.s32 s5, $0x0;
	s5 =	sld [smem:$0x3FB3]  }
0x2b: {  	s6 =	sld [smem:$0x3FB4]  }
0x2c: {  	s7 =	sld [smem:$0x3FB5]  }
0x2d: {  	s3 =	simm.s32 $0x108;
	s8 =	sld [smem:$0x3FB6]  }
0x2e: {  	s3 =	simm.s32 @!p0 $0x1082;
	s9 =	sld [smem:$0x3FB7]  }
0x2f: {  	lr =	sadd.s32 s0, s3;
	s0 =	sld [smem:$0x3FAE]  }
0x30: {  	s3 =	sld [smem:$0x3FB1]  }
0x31: {  	[smem:$0x3FBA] =	sst s10  }
0x32: {  	s10 =	sld [smem:$0x3FB8];
	_ =	sdelay $0x3  }
0x33: {  	p0 =	seq.s32 s10, $0x1;
	s10 =	sld [smem:$0x3FBA];
	_ =	sdelay $0x3  }
0x34: {  	[smem:$0x3FBA] =	sst s10  }
0x35: {  	s10 =	sld [smem:$0x3FB9];
	_ =	sdelay $0x3  }
0x36: {  	p1 =	seq.s32 s10, $0x1;
	s10 =	sld [smem:$0x3FBA];
	_ =	sdelay $0x3  }
0x37: {  	[smem:$0x3FBA] =	sst s10  }
0x38: {  	s10 =	sld [smem:$0x3FBB]  }
0x39: {  	_ = 	snop;
	(pc) =	sbr.ind lr, $3  }
0x3a: {  	_ = 	snop  }
0x3b: {  	_ = 	snop  }
0x3c: {  	p2 =	seq.s32 s10, $0x1;
	s10 =	sld [smem:$0x3FBA]  }
0x3d: {  	_ =	shalt  }
0x3e: {  	_ =	shalt  }
0x3f: {  	_ =	shalt  }
0x40: {  	_ =	shalt  }
0x41: {  	_ =	shalt  }
0x42: {  	_ =	shalt  }
0x43: {  	_ =	shalt  }
0x44: {  	_ =	shalt  }
0x45: {  	_ =	shalt  }
0x46: {  	_ =	shalt  }
0x47: {  	_ =	shalt  }
0x48: {  	_ =	shalt  }
0x49: {  	_ =	shalt  }
0x4a: {  	_ =	shalt  }
0x4b: {  	_ =	shalt  }
0x4c: {  	_ =	shalt  }
0x4d: {  	_ =	shalt  }
0x4e: {  	_ =	shalt  }
0x4f: {  	_ =	shalt  }
0x50: {  	_ =	shalt  }
0x51: {  	_ =	shalt  }
0x52: {  	_ =	shalt  }
0x53: {  	_ =	shalt  }
0x54: {  	_ =	shalt  }
0x55: {  	_ =	shalt  }
0x56: {  	_ =	shalt  }
0x57: {  	_ =	shalt  }
0x58: {  	_ =	shalt  }
0x59: {  	_ =	shalt  }
0x5a: {  	_ =	shalt  }
0x5b: {  	_ =	shalt  }
0x5c: {  	_ =	shalt  }
0x5d: {  	_ =	shalt  }
0x5e: {  	_ =	shalt  }
0x5f: {  	_ =	shalt  }
0x60: {  	_ =	shalt  }
0x61: {  	_ =	shalt  }
0x62: {  	_ =	shalt  }
0x63: {  	_ =	shalt  }
0x64: {  	_ =	shalt  }
0x65: {  	_ =	shalt  }
0x66: {  	_ =	shalt  }
0x67: {  	_ =	shalt  }
0x68: {  	_ =	shalt  }
0x69: {  	_ =	shalt  }
0x6a: {  	_ =	shalt  }
0x6b: {  	_ =	shalt  }
0x6c: {  	_ =	shalt  }
0x6d: {  	_ =	shalt  }
0x6e: {  	_ =	shalt  }
0x6f: {  	_ =	shalt  }
0x70: {  	_ =	shalt  }
0x71: {  	_ =	shalt  }
0x72: {  	_ =	shalt  }
0x73: {  	_ =	shalt  }
0x74: {  	_ =	shalt  }
0x75: {  	_ =	shalt  }
0x76: {  	_ =	shalt  }
0x77: {  	_ =	shalt  }
0x78: {  	_ =	shalt  }
0x79: {  	_ =	shalt  }
0x7a: {  	_ =	shalt  }
0x7b: {  	_ =	shalt  }
0x7c: {  	_ =	shalt  }
0x7d: {  	_ =	shalt  }
0x7e: {  	_ =	shalt  }
0x7f: {  	_ =	shalt  }
0x80: {  	_ =	shalt  }
0x81: {  	_ =	shalt  }
0x82: {  	_ =	shalt  }
0x83: {  	_ =	shalt  }
0x84: {  	_ =	shalt  }
0x85: {  	_ =	shalt  }
0x86: {  	_ =	shalt  }
0x87: {  	_ =	shalt  }
.Lfunc_end0:
.L_simem_size_0:
called_computation_lowered:
.L_overlay_start_0:
0x88: {  	s2 =	sld [smem:$0x3FD9]  }
0x89: {  	s3 =	sld [smem:$0x3FFE];
	_ =	sdelay $0x1  }
0x8a: {  	s1 =	srdreg.scid  }
0x8b: {  	s0 =	sand.u32 $0x1, s1  }
0x8c: {  	s18 =	sshll.u32 s0, $0xA;
	s2 =	sadd.s32 s3, s2  }
0x8d: {  	s2 =	sadd.s32 s2, s18  }
0x8e: {  	[smem:$0x3FC6] =	sst s2  }
0x8f: {  	_ = 	snop  }
0x90: {  	s2 =	sld [smem:$0x3FC9]  }
0x91: {  	s19 =	sld [smem:$0x3FC8]  }
0x92: {  	s4 =	sld [smem:$0x3FD0];
	(tm) =	ssettm $0x1  }
0x93: {  	s5 =	sld [smem:$0x3FFB];
	_ =	sdelay $0x3  }
0x94: {  	_ =	strace s5  }
0x95: {  	s5 =	sld [smem:$0x3FFC];
	_ =	sdelay $0x3  }
0x96: {  	_ =	strace s5  }
0x97: {  	s5 =	sld [smem:$0x3FFD];
	_ =	sdelay $0x3  }
0x98: {  	_ =	strace s5  }
0x99: {  	_ =	strace $0x8FFFFFFF  }
0x9a: {  	s20 =	sld [smem:$0x3FDB];
	_ =	sdelay $0x1  }
0x9b: {  	s6 =	simm.s32 $_scs_section_size  }
0x9c: {  	s7 =	simm.s32 $_size__tile_overlayer_lowered;
	s8 =	simm.s32 $_tile_overlayer_lowered  }
0x9d: {  	s23 =	simm.s32 $0x1BFF;
	s22 =	sshll.u32 s8, $0x1;
	s5 =	sadd.s32 s6, s20  }
0x9e: {  	s9 =	simm.s32 $0x0;
	s21 =	sshll.u32 s7, $0x1;
	s7 =	sadd.s32 s22, s5  }
0x9f: {  	[timem:s9], [sflag:s23] =	dma.local [hbm:s7], s21  }
0xa0: {  	_ =	swait.ge [sflag:s23], s21  }
0xa1: {  	s6 =	ssub.s32 $0x0, s21;
	[sflag:s23] =	ssyncset.done $0x0  }
0xa2: {  	[sflag:s23] =	ssyncadd.s32 s6;
	_ =	sdelay $0x1  }
0xa3: {  	s24 =	simm.s32 $0x1B8B  }
0xa4: {  	_ =	swait.ge [sflag:s24], $0x1  }
0xa5: {  	[sflag:s24] =	ssyncset.done $0x0  }
0xa6: {  	s25 =	simm.s32 $0x1B8E;
	[sflag:s24] =	ssyncadd.s32 $0xFFFFFFFF  }
0xa7: {  	s26 =	simm.s32 $execute0_lowered;
	[smem:$0x3FD2] =	sst s25  }
0xa8: {  	s6 =	sshll.u32 s26, $0x1;
	_ =	strace $0x80000046;
	[dreg:$0x1] =	wrdreg $0xFFFFFFFF  }
0xa9: {  	s28 =	simm.s32 $_size_execute0_lowered;
	s5 =	sadd.s32 s5, s6;
	[dreg:$0x0] =	wrdreg $0x0  }
0xaa: {  	s6 =	sshll.u32 s28, $0x1;
	[dreg:$0x2] =	wrdreg s5  }
0xab: {  	[dreg:$0x3] =	wrdreg s6  }
0xac: {  	[dreg:$0x4] =	wrdreg $0xC0  }
0xad: {  	_ =	task [dreg:s9], $0x5FFFF  }
0xae: {  	[dreg:$0x1] =	wrdreg $0xFFFFFFFF  }
0xaf: {  	[dreg:$0x0] =	wrdreg $0x60  }
0xb0: {  	[dreg:$0x2] =	wrdreg s19  }
0xb1: {  	[dreg:$0x3] =	wrdreg s2  }
0xb2: {  	[dreg:$0x4] =	wrdreg s4  }
0xb3: {  	[dreg:$0x5] =	wrdreg $0x9  }
0xb4: {  	_ =	task.clear_ibuf [dreg:s9], $0x6FFFF;
	_ =	strace $0x90000046  }
0xb5: {  	s29 =	simm.s32 $0x9;
	_ =	strace $0x80000048  }
0xb6: {  	_ =	swait.ge [sflag:s29], $0x1  }
0xb7: {  	[sflag:s29] =	ssyncadd.s32 $0xFFFFFFFF  }
0xb8: {  	_ =	strace $0x90000048  }
0xb9: {  	_ =	sfence  }
0xba: {  	s30 =	sld [smem:$0x0];
	_ =	sdelay $0x2  }
0xbb: {  	s31 =	sshll.u32 s1, $0xD;
	s1 =	sshrl.u32 s1, $0x2  }
0xbc: {  	s3 =	sand.u32 $0x4000, s31;
	s1 =	sadd.s32 s1, s30  }
0xbd: {  	s0 =	sor.u32 s3, s0;
	s1 =	sshll.u32 s1, $0x11  }
0xbe: {  	s0 =	sor.u32 s1, s0  }
0xbf: {  	s0 =	sadd.s32 $0x8F2B, s0  }
0xc0: {  	[sflag:s0] =	ssyncadd.remote.s32 $0x1  }
0xc1: {  	_ =	sfence.sel $0xFFFF  }
0xc2: {  	[dreg:$0x0] =	wrdreg $0xFFFFFFFF;
	(pc) =	sbr.abs _section_cstart, $3  }
0xc3: {  	[dreg:$0x1] =	wrdreg $0xFFFFFFFF  }
0xc4: {  	_ =	task.clear_ibuf [dreg:s9], $0x2FFFF;
	_ =	strace $0x9FFFFFFF  }
0xc5: {  	(tm) =	ssettm $0x7FFFFFFF  }
tec
execute0_lowered:
.L_overlay_start_1:
0x0: {  	(tag) =	ssettag $0x1  }
0x1: {  	s3 =	rddreg [dreg:$0x0]  }
0x2: {  	s4 =	rddreg [dreg:$0x1]  }
0x3: {  	s8 =	rddreg [dreg:$0x2]  }
0x4: {  	s0 =	rddreg [dreg:$0x3];
	s1 =	simm.s32 $0x0  }
0x5: {  	s2 =	srdreg.scid;
	s12 =	simm.s32 $0x1000;
	s13 =	simm.s32 $0x4000  }
0x6: {  	s14 =	simm.s32 $0x1800;
	s15 =	simm.s32 $0x3800;
	s16 =	simm.s32 $0x5800  }
0x7: {  	s17 =	simm.s32 $0x7800;
	s18 =	simm.s32 $0x2;
	s19 =	simm.s32 $0x0  }
0x8: {  	[smem:$0x7FF] =	sst s1;
	s5 =	sand.u32 $0x1, s2;
	s2 =	stileid.u32  }
0x9: {  	_ =	strace $0x80000047;
	s6 =	ssub.s32 $0x2, s5;
	s7 =	sshrl.u32 s2, $0x1  }
0xa: {  	s9 =	sshll.u32 s2, $0xD;
	s5 =	sshll.u32 s5, $0xC;
	s10 =	sshrl.u32 s6, $0x1  }
0xb: {  	s5 =	sor.u32 s5, s9;
	s26 =	sshll.u32 s7, $0xE;
	s28 =	sshll.u32 s7, $0x11  }
0xc: {  	s7 =	sshll.u32 s7, $0x8;
	s10 =	ssub.s32 s6, s10;
	s5 =	ssub.s32 s5, s26  }
0xd: {  	s3 =	sadd.s32 s3, s7;
	s9 =	sshrl.u32 s5, $0x3;
	s6 =	sadd.s32 s28, s5  }
0xe: {  	s4 =	sadd.s32 s4, s9;
	s5 =	sshrl.u32 s6, $0x3;
	s29 =	sadd.s32 $0x8000, s6  }
0xf: {  	s30 =	sadd.s32 $0x10000, s6;
	s11 =	sadd.s32 $0x18000, s6;
	s5 =	sadd.s32 s8, s5  }
0x10: {  	s7 =	sshrl.u32 s29, $0x3;
	s9 =	sshrl.u32 s30, $0x3;
	s31 =	sshrl.u32 s11, $0x3  }
0x11: {  	s11 =	simm.s32 $0x1;
	s6 =	sadd.s32 s8, s7;
	s7 =	sadd.s32 s8, s9  }
0x12: {  	s8 =	sadd.s32 s8, s31;
	s9 =	smax.u32 s10, $0x1;
	s10 =	simm.s32 $0x800  }
.LBB2_1:
0x13: {  	[tilespmem:s1], [sflag:$0x1] =	stream.linear.gather [hbm4b:s3+s1], $0x800, $0x38;
	[tilespmem:$0x9800] =	vst v63  }
0x14: {  	_ = 	snop  }
0x15: {  	[tilespmem:s10], [sflag:$0x1] =	stream.linear.gather [hbm4b:s4+s1], $0x1000, $0x38;
	[tilespmem:$0x9800] =	vst v63  }
0x16: {  	_ =	swait.ge [sflag:s11], $0x800  }
0x17: {  	[sflag:s11] =	ssyncset.done $0x0  }
0x18: {  	[sflag:s11] =	ssyncadd.s32 $0xFFFFF800  }
0x19: {  	_ =	swait.ge [sflag:s11], $0x1000  }
0x1a: {  	[sflag:s11] =	ssyncset.done $0x0  }
0x1b: {  	[sflag:s11] =	ssyncadd.s32 $0xFFFFF000  }
0x1c: {  	v1 =	vld [tilespmem:$0x0]  }
0x1d: {  	v2 =	vld [tilespmem:$0x10]  }
0x1e: {  	v3 =	vld [tilespmem:$0x20]  }
0x1f: {  	v4 =	vld [tilespmem:$0x30]  }
0x20: {  	v5 =	vld [tilespmem:$0x40]  }
0x21: {  	v6 =	vld [tilespmem:$0x50]  }
0x22: {  	v7 =	vld [tilespmem:$0x60]  }
0x23: {  	v8 =	vld [tilespmem:$0x70]  }
0x24: {  	v10 =	vld [tilespmem:$0x400]  }
0x25: {  	v11 =	vld [tilespmem:$0x410]  }
0x26: {  	v12 =	vld [tilespmem:$0x420]  }
0x27: {  	v13 =	vld [tilespmem:$0x430]  }
0x28: {  	v15 =	vld [tilespmem:$0x440]  }
0x29: {  	v14 =	vld [tilespmem:$0x450]  }
0x2a: {  	v9 =	vld [tilespmem:$0x460]  }
0x2b: {  	v0 =	vld [tilespmem:$0x470]  }
0x2c: {  	v16 =	vld [tilespmem:$0x80]  }
0x2d: {  	v18 =	vld [tilespmem:$0x90]  }
0x2e: {  	v19 =	vld [tilespmem:$0xA0]  }
0x2f: {  	v20 =	vld [tilespmem:$0xB0]  }
0x30: {  	v21 =	vld [tilespmem:$0xC0]  }
0x31: {  	v22 =	vld [tilespmem:$0xD0]  }
0x32: {  	v23 =	vld [tilespmem:$0xE0]  }
0x33: {  	v24 =	vld [tilespmem:$0xF0]  }
0x34: {  	v25 =	vld [tilespmem:$0x480]  }
0x35: {  	v26 =	vld [tilespmem:$0x490]  }
0x36: {  	s21 =	sand.u32 $0x800, s1;
	s20 =	sand.u32 $0x300, s1;
	v27 =	vld [tilespmem:$0x4A0]  }
0x37: {  	s20 =	sor.u32 s20, s21;
	v29 =	vld [tilespmem:$0x4B0]  }
0x38: {  	v32 =	vld [tilespmem:s20+$0x800]  }
0x39: {  	v31 =	vld [tilespmem:$0x4C0]  }
0x3a: {  	v33 =	vld [tilespmem:s20+$0x810]  }
0x3b: {  	v30 =	vld [tilespmem:$0x4D0]  }
0x3c: {  	v28 =	vld [tilespmem:$0x4E0]  }
0x3d: {  	v17 =	vld [tilespmem:$0x4F0]  }
0x3e: {  	v35 =	vld [tilespmem:s20+$0x820]  }
0x3f: {  	v63 =	vld [tilespmem:s20+$0x830];
	v34 =	vadd.f32 v32, v1  }
0x40: {  	v48 =	vld [tilespmem:s20+$0x840];
	v36 =	vadd.f32 v33, v2  }
0x41: {  	v49 =	vld [tilespmem:s20+$0x850];
	v32 =	vadd.f32 v32, v16;
	[tilespmem:s20+$0x1800] =	vst v34  }
0x42: {  	v37 =	vld [tilespmem:s20+$0x860];
	v33 =	vadd.f32 v33, v18;
	[tilespmem:s20+$0x1810] =	vst v36  }
0x43: {  	v39 =	vld [tilespmem:s20+$0x870];
	v38 =	vadd.f32 v35, v19;
	[tilespmem:s20+$0x2800] =	vst v32  }
0x44: {  	v51 =	vld [tilespmem:s20+$0xC00];
	v50 =	vadd.f32 v63, v20;
	[tilespmem:s20+$0x2810] =	vst v33  }
0x45: {  	v52 =	vld [tilespmem:s20+$0x880];
	v40 =	vadd.f32 v48, v21;
	[tilespmem:s20+$0x2820] =	vst v38  }
0x46: {  	v41 =	vld [tilespmem:s20+$0x890];
	v42 =	vadd.f32 v49, v22;
	[tilespmem:s20+$0x2830] =	vst v50  }
0x47: {  	v43 =	vld [tilespmem:s20+$0x8A0];
	v53 =	vadd.f32 v37, v23;
	[tilespmem:s20+$0x2840] =	vst v40  }
0x48: {  	v44 =	vld [tilespmem:s20+$0x8B0];
	v54 =	vadd.f32 v39, v24;
	[tilespmem:s20+$0x2850] =	vst v42  }
0x49: {  	s21 =	sor.u32 s21, s1;
	v45 =	vld [tilespmem:s20+$0x8C0];
	v55 =	vadd.f32 v51, v25;
	[tilespmem:s20+$0x2860] =	vst v53  }
0x4a: {  	s21 =	sor.u32 $0x1400, s21;
	v46 =	vld [tilespmem:s20+$0x8D0];
	v35 =	vadd.f32 v35, v3;
	[tilespmem:s20+$0x2870] =	vst v54  }
0x4b: {  	v47 =	vld [tilespmem:s20+$0xC80];
	v34 =	vadd.f32 v63, v4;
	[tilespmem:s21+$0x1800] =	vst v55  }
0x4c: {  	v56 =	vadd.f32 v48, v5;
	v58 =	vadd.f32 v37, v7;
	v37 =	vld [tilespmem:s20+$0xCA0];
	[tilespmem:s20+$0x1820] =	vst v35  }
0x4d: {  	v32 =	vadd.f32 v49, v6;
	v57 =	vld [tilespmem:s20+$0xC10];
	[tilespmem:s20+$0x1830] =	vst v34  }
0x4e: {  	v59 =	vadd.f32 v39, v8;
	v39 =	vld [tilespmem:s20+$0xCB0];
	[tilespmem:s20+$0x1840] =	vst v56  }
0x4f: {  	v48 =	vld [tilespmem:s20+$0xCD0];
	[tilespmem:s20+$0x1850] =	vst v32  }
0x50: {  	v42 =	vld [tilespmem:s20+$0x8E0];
	v33 =	vadd.f32 v51, v10;
	[tilespmem:s20+$0x1860] =	vst v58  }
0x51: {  	v40 =	vld [tilespmem:s20+$0x8F0];
	[tilespmem:s20+$0x1870] =	vst v59  }
0x52: {  	v34 =	vld [tilespmem:s20+$0xC90];
	[tilespmem:s20+$0x1C00] =	vst v33;
	v60 =	vadd.f32 v57, v11  }
0x53: {  	v35 =	vld [tilespmem:s20+$0xCC0];
	[tilespmem:$0x1FFD0] =	vst v1;
	v61 =	vadd.f32 v57, v26  }
0x54: {  	[tilespmem:s20+$0x1C10] =	vst v60  }
0x55: {  	v62 =	vadd.f32 v52, v1;
	v49 =	vld [tilespmem:s20+$0xCE0];
	[tilespmem:s21+$0x1810] =	vst v61  }
0x56: {  	v63 =	vadd.f32 v52, v16;
	v50 =	vld [tilespmem:s20+$0xCF0];
	[tilespmem:$0x1FFE0] =	vst v2  }
0x57: {  	v51 =	vadd.f32 v41, v2;
	[tilespmem:s20+$0x1880] =	vst v62  }
0x58: {  	v53 =	vadd.f32 v41, v18;
	[tilespmem:s20+$0x2880] =	vst v63  }
0x59: {  	v54 =	vadd.f32 v43, v3;
	[tilespmem:s20+$0x1890] =	vst v51  }
0x5a: {  	v55 =	vadd.f32 v43, v19;
	v52 =	vld [tilespmem:s20+$0xC20];
	[tilespmem:s20+$0x2890] =	vst v53  }
0x5b: {  	v56 =	vadd.f32 v44, v4;
	[tilespmem:s20+$0x18A0] =	vst v54  }
0x5c: {  	v59 =	vadd.f32 v44, v20;
	[tilespmem:s20+$0x28A0] =	vst v55  }
0x5d: {  	v60 =	vadd.f32 v45, v5;
	[tilespmem:s20+$0x18B0] =	vst v56  }
0x5e: {  	v61 =	vadd.f32 v45, v21;
	[tilespmem:s20+$0x28B0] =	vst v59  }
0x5f: {  	[tilespmem:s20+$0x18C0] =	vst v60;
	v57 =	vadd.f32 v52, v12  }
0x60: {  	[tilespmem:s20+$0x28C0] =	vst v61;
	v58 =	vadd.f32 v52, v27  }
0x61: {  	v41 =	vadd.f32 v46, v22;
	[tilespmem:s20+$0x1C20] =	vst v57  }
0x62: {  	v43 =	vadd.f32 v42, v7;
	[tilespmem:s21+$0x1820] =	vst v58  }
0x63: {  	v44 =	vadd.f32 v42, v23;
	[tilespmem:s20+$0x28D0] =	vst v41;
	v62 =	vld [tilespmem:s20+$0xC30]  }
0x64: {  	v63 =	vadd.f32 v46, v6;
	[tilespmem:s20+$0x18E0] =	vst v43  }
0x65: {  	[tilespmem:s20+$0x28E0] =	vst v44;
	v51 =	vadd.f32 v40, v8  }
0x66: {  	v53 =	vadd.f32 v47, v10;
	[tilespmem:s20+$0x18D0] =	vst v63  }
0x67: {  	v55 =	vadd.f32 v47, v25;
	[tilespmem:s20+$0x18F0] =	vst v51  }
0x68: {  	[tilespmem:s20+$0x1C80] =	vst v53;
	v45 =	vadd.f32 v62, v13  }
0x69: {  	[tilespmem:s20+$0x2C80] =	vst v55;
	v46 =	vadd.f32 v62, v29  }
0x6a: {  	v56 =	vadd.f32 v34, v11;
	[tilespmem:s20+$0x1C30] =	vst v45  }
0x6b: {  	v61 =	vadd.f32 v37, v27;
	[tilespmem:s21+$0x1830] =	vst v46  }
0x6c: {  	[tilespmem:s20+$0x1C90] =	vst v56;
	v52 =	vadd.f32 v40, v24;
	v54 =	vld [tilespmem:s20+$0xC40]  }
0x6d: {  	[tilespmem:s20+$0x2CA0] =	vst v61;
	v57 =	vadd.f32 v34, v26  }
0x6e: {  	[tilespmem:s20+$0x28F0] =	vst v52;
	v58 =	vadd.f32 v37, v12  }
0x6f: {  	[tilespmem:s20+$0x2C90] =	vst v57;
	v62 =	vadd.f32 v39, v13  }
0x70: {  	[tilespmem:s20+$0x1CA0] =	vst v58;
	v39 =	vadd.f32 v39, v29  }
0x71: {  	[tilespmem:s20+$0x1CB0] =	vst v62;
	v59 =	vadd.f32 v54, v15  }
0x72: {  	[tilespmem:s20+$0x2CB0] =	vst v39;
	v60 =	vadd.f32 v54, v31  }
0x73: {  	v36 =	vadd.f32 v48, v30;
	v38 =	vadd.f32 v35, v31;
	[tilespmem:s20+$0x1C40] =	vst v59  }
0x74: {  	v33 =	vadd.f32 v50, v0;
	v63 =	vadd.f32 v35, v15;
	[tilespmem:s21+$0x1840] =	vst v60  }
0x75: {  	v32 =	vadd.f32 v50, v17;
	v35 =	vadd.f32 v49, v28;
	[tilespmem:$0x1FFF0] =	vst v0  }
0x76: {  	s22 =	simm.s32 $0x0;
	s23 =	simm.s32 $0x100;
	s24 =	simm.s32 $0x200;
	v34 =	vadd.f32 v49, v9;
	v37 =	vadd.f32 v48, v14;
	v39 =	vld [tilespmem:s20+$0xC50];
	[tilespmem:s20+$0x1CC0] =	vst v63  }
.LBB2_2:
0x77: {  	_ =	sdelay $0x2  }
0x78: {  	s26 =	sand.u32 $0x800, s24;
	s25 =	sand.u32 $0x300, s23;
	[tilespmem:s20+$0x2CC0] =	vst v38;
	v0 =	vld [tilespmem:$0x1FFD0]  }
0x79: {  	v1 =	vld [tilespmem:$0x1FFE0];
	s25 =	sor.u32 s25, s26;
	[tilespmem:s20+$0x1CD0] =	vst v37;
	v48 =	vadd.f32 v39, v14  }
0x7a: {  	[tilespmem:s20+$0x2CD0] =	vst v36;
	v49 =	vld [tilespmem:s25+$0x800];
	v50 =	vadd.f32 v39, v30  }
0x7b: {  	v51 =	vld [tilespmem:s25+$0x810];
	[tilespmem:s20+$0x1C50] =	vst v48  }
0x7c: {  	v52 =	vld [tilespmem:s25+$0x880];
	[tilespmem:s21+$0x1850] =	vst v50  }
0x7d: {  	[tilespmem:s20+$0x1CE0] =	vst v34;
	v39 =	vld [tilespmem:s20+$0xC60]  }
0x7e: {  	v34 =	vld [tilespmem:s25+$0x890];
	[tilespmem:s20+$0x2CE0] =	vst v35  }
0x7f: {  	v40 =	vld [tilespmem:s25+$0x8A0];
	[tilespmem:s20+$0x1CF0] =	vst v33;
	v53 =	vadd.f32 v49, v0  }
0x80: {  	[tilespmem:s20+$0x2CF0] =	vst v32;
	v54 =	vadd.f32 v51, v1;
	v41 =	vld [tilespmem:s25+$0x820]  }
0x81: {  	v55 =	vadd.f32 v49, v16;
	v35 =	vld [tilespmem:s25+$0x830];
	[tilespmem:s25+$0x1800] =	vst v53  }
0x82: {  	v33 =	vld [tilespmem:s25+$0x840];
	[tilespmem:s25+$0x1810] =	vst v54;
	v42 =	vadd.f32 v39, v9  }
0x83: {  	v32 =	vld [tilespmem:s25+$0x850];
	[tilespmem:s25+$0x2800] =	vst v55;
	v39 =	vadd.f32 v39, v28  }
0x84: {  	v36 =	vadd.f32 v51, v18;
	v44 =	vld [tilespmem:s25+$0x860];
	[tilespmem:s20+$0x1C60] =	vst v42  }
0x85: {  	v45 =	vld [tilespmem:s25+$0x870];
	[tilespmem:s21+$0x1860] =	vst v39  }
0x86: {  	v2 =	vld [tilespmem:$0x1FFF0];
	v56 =	vadd.f32 v41, v19;
	[tilespmem:s25+$0x2810] =	vst v36  }
0x87: {  	v57 =	vadd.f32 v35, v20;
	v58 =	vld [tilespmem:s20+$0xC70]  }
0x88: {  	v59 =	vadd.f32 v33, v21;
	[tilespmem:s25+$0x2820] =	vst v56  }
0x89: {  	v60 =	vadd.f32 v32, v22;
	[tilespmem:s25+$0x2830] =	vst v57  }
0x8a: {  	v47 =	vld [tilespmem:s25+$0x8B0];
	v61 =	vadd.f32 v44, v23;
	[tilespmem:s25+$0x2840] =	vst v59  }
0x8b: {  	v63 =	vld [tilespmem:s25+$0x8E0];
	[tilespmem:s25+$0x2850] =	vst v60;
	v62 =	vadd.f32 v45, v24  }
0x8c: {  	v46 =	vadd.f32 v40, v3;
	v48 =	vld [tilespmem:s25+$0xC00];
	[tilespmem:s25+$0x2860] =	vst v61;
	v51 =	vadd.f32 v58, v2  }
0x8d: {  	v49 =	vld [tilespmem:s25+$0x8C0];
	v39 =	vadd.f32 v40, v19;
	[tilespmem:s25+$0x2870] =	vst v62;
	v40 =	vadd.f32 v58, v17  }
0x8e: {  	v37 =	vadd.f32 v52, v0;
	v50 =	vld [tilespmem:s25+$0x8D0];
	[tilespmem:s20+$0x1C70] =	vst v51  }
0x8f: {  	v38 =	vadd.f32 v52, v16;
	v54 =	vld [tilespmem:s25+$0xC80];
	s20 =	smov.u32 s25;
	[tilespmem:s21+$0x1870] =	vst v40  }
0x90: {  	v43 =	vadd.f32 v34, v1;
	v36 =	vld [tilespmem:s25+$0x8F0];
	[tilespmem:s20+$0x1880] =	vst v37  }
0x91: {  	s26 =	sor.u32 s26, s23;
	v53 =	vadd.f32 v48, v25;
	[tilespmem:s20+$0x2880] =	vst v38  }
0x92: {  	v41 =	vadd.f32 v41, v3;
	s21 =	sor.u32 $0x1400, s26;
	[tilespmem:s20+$0x1890] =	vst v43  }
0x93: {  	v35 =	vadd.f32 v35, v4;
	[tilespmem:s21+$0x1800] =	vst v53  }
0x94: {  	v33 =	vadd.f32 v33, v5;
	[tilespmem:s20+$0x1820] =	vst v41;
	v41 =	vld [tilespmem:s20+$0xC10]  }
0x95: {  	v32 =	vadd.f32 v32, v6;
	[tilespmem:s20+$0x1830] =	vst v35  }
0x96: {  	v60 =	vadd.f32 v44, v7;
	[tilespmem:s20+$0x1840] =	vst v33  }
0x97: {  	v42 =	vadd.f32 v63, v23;
	v61 =	vadd.f32 v45, v8;
	[tilespmem:s20+$0x1850] =	vst v32  }
0x98: {  	v44 =	vadd.f32 v63, v7;
	v62 =	vadd.f32 v48, v10;
	[tilespmem:s20+$0x1860] =	vst v60  }
0x99: {  	v48 =	vadd.f32 v36, v8;
	[tilespmem:s20+$0x1870] =	vst v61;
	v63 =	vadd.f32 v41, v11  }
0x9a: {  	v58 =	vadd.f32 v36, v24;
	v56 =	vld [tilespmem:s20+$0xCC0];
	[tilespmem:s20+$0x1C00] =	vst v62;
	v36 =	vadd.f32 v41, v26  }
0x9b: {  	v34 =	vadd.f32 v34, v18;
	v57 =	vld [tilespmem:s20+$0xCE0];
	[tilespmem:s20+$0x1C10] =	vst v63  }
0x9c: {  	v35 =	vld [tilespmem:s20+$0xCB0];
	[tilespmem:s21+$0x1810] =	vst v36  }
0x9d: {  	[tilespmem:s20+$0x2890] =	vst v34;
	v62 =	vld [tilespmem:s20+$0xC20]  }
0x9e: {  	v52 =	vadd.f32 v47, v4;
	[tilespmem:s20+$0x18A0] =	vst v46  }
0x9f: {  	v47 =	vadd.f32 v47, v20;
	[tilespmem:s20+$0x28A0] =	vst v39  }
0xa0: {  	[tilespmem:s20+$0x18B0] =	vst v52;
	v1 =	vadd.f32 v56, v15;
	v38 =	vadd.f32 v56, v31  }
0xa1: {  	[tilespmem:s20+$0x28B0] =	vst v47;
	v34 =	vadd.f32 v57, v9;
	v0 =	vadd.f32 v35, v29  }
0xa2: {  	[tilespmem:s20+$0x18E0] =	vst v44;
	v63 =	vadd.f32 v35, v13;
	v56 =	vadd.f32 v62, v12  }
0xa3: {  	[tilespmem:s20+$0x28E0] =	vst v42;
	v35 =	vadd.f32 v57, v28;
	v57 =	vadd.f32 v62, v27  }
0xa4: {  	v55 =	vld [tilespmem:s20+$0xC90];
	[tilespmem:s20+$0x1C20] =	vst v56  }
0xa5: {  	v59 =	vld [tilespmem:s20+$0xCF0];
	[tilespmem:s21+$0x1820] =	vst v57  }
0xa6: {  	v51 =	vadd.f32 v49, v5;
	[tilespmem:s20+$0x18F0] =	vst v48;
	v39 =	vld [tilespmem:s20+$0xC30]  }
0xa7: {  	v40 =	vadd.f32 v49, v21;
	[tilespmem:s20+$0x28F0] =	vst v58  }
0xa8: {  	v53 =	vadd.f32 v50, v6;
	[tilespmem:s20+$0x18C0] =	vst v51  }
0xa9: {  	v49 =	vld [tilespmem:s20+$0xCA0];
	v50 =	vadd.f32 v50, v22;
	[tilespmem:s20+$0x28C0] =	vst v40  }
0xaa: {  	[tilespmem:s20+$0x18D0] =	vst v53;
	v60 =	vadd.f32 v55, v11;
	v33 =	vadd.f32 v59, v2  }
0xab: {  	[tilespmem:s20+$0x28D0] =	vst v50;
	v32 =	vadd.f32 v59, v17;
	v59 =	vadd.f32 v39, v13  }
0xac: {  	[tilespmem:s20+$0x1C90] =	vst v60;
	v39 =	vadd.f32 v39, v29  }
0xad: {  	v55 =	vadd.f32 v55, v26;
	[tilespmem:s20+$0x1C30] =	vst v59  }
0xae: {  	v61 =	vadd.f32 v49, v12;
	[tilespmem:s21+$0x1830] =	vst v39  }
0xaf: {  	v49 =	vadd.f32 v49, v27;
	[tilespmem:s20+$0x2C90] =	vst v55;
	v39 =	vld [tilespmem:s20+$0xC40]  }
0xb0: {  	[tilespmem:s20+$0x1CA0] =	vst v61  }
0xb1: {  	[tilespmem:s20+$0x2CA0] =	vst v49  }
0xb2: {  	s22 =	sadd.s32 $0x2, s22;
	v41 =	vadd.f32 v54, v10;
	[tilespmem:s20+$0x1CC0] =	vst v1  }
0xb3: {  	p0 =	slt.u32 s22, $0xE;
	v45 =	vld [tilespmem:s20+$0xCD0];
	v54 =	vadd.f32 v54, v25;
	[tilespmem:s20+$0x2CB0] =	vst v0  }
.Ltmp0:
0xb4: {  	[tilespmem:s20+$0x1C80] =	vst v41;
	v62 =	vadd.f32 v39, v15;
	(pc) =	sbr.rel @p0 .LBB2_2-.Ltmp0, $4  }
0xb5: {  	[tilespmem:s20+$0x2C80] =	vst v54;
	v39 =	vadd.f32 v39, v31  }
0xb6: {  	[tilespmem:s20+$0x1C40] =	vst v62  }
0xb7: {  	[tilespmem:s21+$0x1840] =	vst v39  }
0xb8: {  	s24 =	sadd.s32 $0x200, s24;
	s23 =	sadd.s32 $0x100, s23;
	v37 =	vadd.f32 v45, v14;
	v36 =	vadd.f32 v45, v30;
	[tilespmem:s20+$0x1CB0] =	vst v63;
	v39 =	vld [tilespmem:s20+$0xC50]  }
0xb9: {  	_ =	sdelay $0x3  }
0xba: {  	v0 =	vadd.f32 v39, v14  }
0xbb: {  	v1 =	vadd.f32 v39, v30  }
0xbc: {  	[tilespmem:s20+$0x1C50] =	vst v0  }
0xbd: {  	[tilespmem:s21+$0x1850] =	vst v1  }
0xbe: {  	v0 =	vld [tilespmem:s20+$0xC60];
	_ =	sdelay $0x1  }
0xbf: {  	[tilespmem:s20+$0x2CC0] =	vst v38  }
0xc0: {  	[tilespmem:s20+$0x1CE0] =	vst v34  }
0xc1: {  	[tilespmem:s20+$0x2CE0] =	vst v35  }
0xc2: {  	[tilespmem:s20+$0x1CF0] =	vst v33;
	v1 =	vadd.f32 v0, v9  }
0xc3: {  	[tilespmem:s20+$0x1CD0] =	vst v37;
	v0 =	vadd.f32 v0, v28  }
0xc4: {  	[tilespmem:s20+$0x1C60] =	vst v1  }
0xc5: {  	[tilespmem:s21+$0x1860] =	vst v0  }
0xc6: {  	[tilespmem:s20+$0x2CD0] =	vst v36;
	v0 =	vld [tilespmem:s20+$0xC70]  }
0xc7: {  	v1 =	vld [tilespmem:$0x1FFF0];
	_ =	sdelay $0x4  }
0xc8: {  	v1 =	vadd.f32 v0, v1  }
0xc9: {  	[tilespmem:s20+$0x2CF0] =	vst v32;
	v0 =	vadd.f32 v0, v17  }
0xca: {  	[tilespmem:s20+$0x1C70] =	vst v1  }
0xcb: {  	[tilespmem:s21+$0x1870] =	vst v0  }
0xcc: {  	[hbm4b:s5+s12] =	stream.strided.scatter [tilespmem:s14], [sflag:$0x2], $0x2000, s13, s12, $0x38;
	[tilespmem:$0x9800] =	vst v63  }
0xcd: {  	v1 =	vld [tilespmem:$0x100]  }
0xce: {  	v2 =	vld [tilespmem:$0x110]  }
0xcf: {  	v3 =	vld [tilespmem:$0x120]  }
0xd0: {  	v5 =	vld [tilespmem:$0x130]  }
0xd1: {  	v6 =	vld [tilespmem:$0x140]  }
0xd2: {  	v7 =	vld [tilespmem:$0x150]  }
0xd3: {  	v8 =	vld [tilespmem:$0x160]  }
0xd4: {  	v10 =	vld [tilespmem:$0x170]  }
0xd5: {  	v11 =	vld [tilespmem:$0x500]  }
0xd6: {  	v12 =	vld [tilespmem:$0x510]  }
0xd7: {  	v13 =	vld [tilespmem:$0x520]  }
0xd8: {  	v15 =	vld [tilespmem:$0x530]  }
0xd9: {  	v14 =	vld [tilespmem:$0x540]  }
0xda: {  	v9 =	vld [tilespmem:$0x550]  }
0xdb: {  	v4 =	vld [tilespmem:$0x560]  }
0xdc: {  	v0 =	vld [tilespmem:$0x570]  }
0xdd: {  	v17 =	vld [tilespmem:$0x180]  }
0xde: {  	v18 =	vld [tilespmem:$0x190]  }
0xdf: {  	v19 =	vld [tilespmem:$0x1A0]  }
0xe0: {  	v20 =	vld [tilespmem:$0x1B0]  }
0xe1: {  	v21 =	vld [tilespmem:$0x1C0]  }
0xe2: {  	v22 =	vld [tilespmem:$0x1D0]  }
0xe3: {  	v23 =	vld [tilespmem:$0x1E0]  }
0xe4: {  	v24 =	vld [tilespmem:$0x1F0]  }
0xe5: {  	v26 =	vld [tilespmem:$0x580]  }
0xe6: {  	s29 =	simm.s32 $0x0;
	v27 =	vld [tilespmem:$0x590]  }
0xe7: {  	s30 =	sand.u32 $0x800, s29;
	s22 =	sand.u32 $0x300, s29;
	v29 =	vld [tilespmem:$0x5A0]  }
0xe8: {  	s20 =	sor.u32 s22, s30;
	v30 =	vld [tilespmem:$0x5B0]  }
0xe9: {  	v32 =	vld [tilespmem:s20+$0x800]  }
0xea: {  	v31 =	vld [tilespmem:$0x5C0]  }
0xeb: {  	v28 =	vld [tilespmem:$0x5D0]  }
0xec: {  	v33 =	vld [tilespmem:s20+$0x810]  }
0xed: {  	v25 =	vld [tilespmem:$0x5E0]  }
0xee: {  	v16 =	vld [tilespmem:$0x5F0]  }
0xef: {  	v35 =	vld [tilespmem:s20+$0x820]  }
0xf0: {  	v48 =	vld [tilespmem:s20+$0x830]  }
0xf1: {  	v49 =	vld [tilespmem:s20+$0x840];
	v46 =	vadd.f32 v32, v1  }
0xf2: {  	v37 =	vld [tilespmem:s20+$0x880];
	v32 =	vadd.f32 v32, v17  }
0xf3: {  	v36 =	vld [tilespmem:s20+$0x8A0];
	v47 =	vadd.f32 v33, v2;
	[tilespmem:s20+$0x3800] =	vst v46  }
0xf4: {  	v53 =	vld [tilespmem:s20+$0x850];
	v33 =	vadd.f32 v33, v18;
	[tilespmem:s20+$0x4800] =	vst v32  }
0xf5: {  	v39 =	vld [tilespmem:s20+$0x8B0];
	v50 =	vadd.f32 v35, v3;
	[tilespmem:s20+$0x3810] =	vst v47  }
0xf6: {  	v55 =	vld [tilespmem:s20+$0x860];
	v51 =	vadd.f32 v35, v19;
	[tilespmem:s20+$0x4810] =	vst v33  }
0xf7: {  	v38 =	vld [tilespmem:s20+$0x8C0];
	v52 =	vadd.f32 v48, v5;
	[tilespmem:s20+$0x3820] =	vst v50  }
0xf8: {  	v56 =	vld [tilespmem:s20+$0x870];
	v40 =	vadd.f32 v49, v6;
	[tilespmem:s20+$0x4820] =	vst v51  }
0xf9: {  	v41 =	vld [tilespmem:s20+$0x8D0];
	v54 =	vadd.f32 v49, v21;
	[tilespmem:s20+$0x3830] =	vst v52  }
0xfa: {  	v42 =	vld [tilespmem:s20+$0x8F0];
	v43 =	vadd.f32 v53, v7;
	[tilespmem:s20+$0x3840] =	vst v40  }
0xfb: {  	v44 =	vld [tilespmem:s20+$0xC00];
	v57 =	vadd.f32 v55, v8;
	[tilespmem:s20+$0x4840] =	vst v54  }
0xfc: {  	v45 =	vld [tilespmem:s20+$0xC80];
	v58 =	vadd.f32 v55, v23;
	[tilespmem:s20+$0x3850] =	vst v43  }
0xfd: {  	v34 =	vld [tilespmem:s20+$0xCA0];
	v59 =	vadd.f32 v56, v10;
	[tilespmem:s20+$0x3860] =	vst v57  }
0xfe: {  	v35 =	vld [tilespmem:s20+$0x890];
	v32 =	vadd.f32 v48, v20;
	[tilespmem:s20+$0x4860] =	vst v58  }
0xff: {  	v40 =	vld [tilespmem:s20+$0x8E0];
	v33 =	vadd.f32 v53, v22;
	[tilespmem:s20+$0x3870] =	vst v59  }
0x100: {  	v46 =	vld [tilespmem:s20+$0xC90];
	[tilespmem:s20+$0x4830] =	vst v32;
	v32 =	vadd.f32 v56, v24  }
0x101: {  	s21 =	sand.u32 $0xFFFFF800, s29;
	v47 =	vld [tilespmem:s20+$0xCB0];
	[tilespmem:s20+$0x4850] =	vst v33  }
0x102: {  	s31 =	sadd.s32 $0x0, s21;
	v60 =	vadd.f32 v44, v11;
	v48 =	vld [tilespmem:s20+$0xCD0];
	[tilespmem:s20+$0x4870] =	vst v32  }
0x103: {  	s21 =	sor.u32 $0x2400, s31;
	v62 =	vadd.f32 v37, v1;
	v33 =	vld [tilespmem:s20+$0xCC0];
	[tilespmem:$0x1FFB0] =	vst v1  }
0x104: {  	v37 =	vadd.f32 v37, v17;
	[tilespmem:s21+$0x1800] =	vst v60  }
0x105: {  	v63 =	vadd.f32 v35, v2;
	[tilespmem:s20+$0x3880] =	vst v62  }
0x106: {  	v61 =	vadd.f32 v44, v26;
	[tilespmem:s20+$0x4880] =	vst v37  }
0x107: {  	s22 =	sor.u32 $0x3400, s31;
	v35 =	vadd.f32 v35, v18;
	[tilespmem:s20+$0x3890] =	vst v63  }
0x108: {  	v52 =	vadd.f32 v36, v3;
	[tilespmem:s22+$0x1800] =	vst v61  }
0x109: {  	v53 =	vadd.f32 v36, v19;
	[tilespmem:s20+$0x4890] =	vst v35;
	v50 =	vld [tilespmem:s20+$0xC10]  }
0x10a: {  	v54 =	vadd.f32 v39, v5;
	[tilespmem:s20+$0x38A0] =	vst v52  }
0x10b: {  	v57 =	vadd.f32 v39, v20;
	[tilespmem:s20+$0x48A0] =	vst v53  }
0x10c: {  	v58 =	vadd.f32 v38, v6;
	[tilespmem:s20+$0x38B0] =	vst v54  }
0x10d: {  	v59 =	vadd.f32 v38, v21;
	[tilespmem:s20+$0x48B0] =	vst v57  }
0x10e: {  	[tilespmem:s20+$0x38C0] =	vst v58;
	v55 =	vadd.f32 v50, v12  }
0x10f: {  	[tilespmem:s20+$0x48C0] =	vst v59;
	v56 =	vadd.f32 v50, v27  }
0x110: {  	v51 =	vadd.f32 v42, v10;
	[tilespmem:s21+$0x1810] =	vst v55  }
0x111: {  	v62 =	vadd.f32 v41, v22;
	[tilespmem:s22+$0x1810] =	vst v56  }
0x112: {  	v63 =	vadd.f32 v40, v8;
	[tilespmem:s20+$0x38F0] =	vst v51;
	v60 =	vld [tilespmem:s20+$0xC20]  }
0x113: {  	v52 =	vadd.f32 v42, v24;
	[tilespmem:s20+$0x48D0] =	vst v62  }
0x114: {  	v53 =	vadd.f32 v45, v11;
	[tilespmem:s20+$0x38E0] =	vst v63  }
0x115: {  	v57 =	vadd.f32 v46, v27;
	[tilespmem:s20+$0x48F0] =	vst v52  }
0x116: {  	v58 =	vadd.f32 v34, v13;
	[tilespmem:s20+$0x3C80] =	vst v53  }
0x117: {  	[tilespmem:s20+$0x4C90] =	vst v57;
	v44 =	vadd.f32 v60, v13  }
0x118: {  	[tilespmem:s20+$0x3CA0] =	vst v58;
	v50 =	vadd.f32 v60, v29  }
0x119: {  	v34 =	vadd.f32 v34, v29;
	[tilespmem:s21+$0x1820] =	vst v44  }
0x11a: {  	v61 =	vadd.f32 v41, v7;
	[tilespmem:s22+$0x1820] =	vst v50  }
0x11b: {  	v41 =	vadd.f32 v40, v23;
	[tilespmem:s20+$0x4CA0] =	vst v34;
	v54 =	vld [tilespmem:s20+$0xC30]  }
0x11c: {  	v62 =	vadd.f32 v47, v30;
	[tilespmem:s20+$0x38D0] =	vst v61  }
0x11d: {  	[tilespmem:s20+$0x48E0] =	vst v41;
	v61 =	vadd.f32 v47, v15  }
0x11e: {  	[tilespmem:s20+$0x4CB0] =	vst v62;
	v55 =	vadd.f32 v45, v26  }
0x11f: {  	v49 =	vld [tilespmem:s20+$0xCE0];
	[tilespmem:s20+$0x3CB0] =	vst v61;
	v56 =	vadd.f32 v46, v12  }
0x120: {  	v43 =	vld [tilespmem:s20+$0xCF0];
	[tilespmem:s20+$0x4C80] =	vst v55;
	v59 =	vadd.f32 v54, v15  }
0x121: {  	[tilespmem:s20+$0x3C90] =	vst v56;
	v60 =	vadd.f32 v54, v30  }
0x122: {  	v38 =	vadd.f32 v48, v9;
	v36 =	vadd.f32 v48, v28;
	[tilespmem:s21+$0x1830] =	vst v59  }
0x123: {  	v37 =	vadd.f32 v33, v31;
	v63 =	vadd.f32 v33, v14;
	[tilespmem:s22+$0x1830] =	vst v60  }
0x124: {  	v35 =	vadd.f32 v49, v4;
	v33 =	vadd.f32 v49, v25;
	[tilespmem:$0x1FFC0] =	vst v0  }
0x125: {  	s23 =	simm.s32 $0x0;
	s24 =	simm.s32 $0x100;
	s25 =	simm.s32 $0x200;
	v34 =	vadd.f32 v43, v0;
	v32 =	vadd.f32 v43, v16;
	v39 =	vld [tilespmem:s20+$0xC40];
	[tilespmem:s20+$0x3CC0] =	vst v63  }
.LBB2_4:
0x126: {  	_ =	sdelay $0x2  }
0x127: {  	s26 =	sand.u32 $0x800, s25;
	s28 =	sand.u32 $0x300, s24  }
0x128: {  	[tilespmem:s20+$0x4CC0] =	vst v37;
	v0 =	vld [tilespmem:$0x1FFB0];
	s26 =	sor.u32 s28, s26;
	v50 =	vadd.f32 v39, v14  }
0x129: {  	[tilespmem:s20+$0x3CD0] =	vst v38;
	v51 =	vld [tilespmem:s26+$0x800];
	v52 =	vadd.f32 v39, v31  }
0x12a: {  	[tilespmem:s21+$0x1840] =	vst v50  }
0x12b: {  	v37 =	vld [tilespmem:s26+$0x810];
	[tilespmem:s22+$0x1840] =	vst v52  }
0x12c: {  	[tilespmem:s20+$0x4CD0] =	vst v36;
	v39 =	vld [tilespmem:s20+$0xC50]  }
0x12d: {  	v36 =	vld [tilespmem:s26+$0x880];
	[tilespmem:s20+$0x3CE0] =	vst v35  }
0x12e: {  	v35 =	vld [tilespmem:s26+$0x890];
	[tilespmem:s20+$0x4CE0] =	vst v33;
	v53 =	vadd.f32 v51, v0  }
0x12f: {  	v40 =	vld [tilespmem:s26+$0x8A0];
	[tilespmem:s20+$0x3CF0] =	vst v34;
	v54 =	vadd.f32 v51, v17  }
0x130: {  	v55 =	vld [tilespmem:s26+$0x820];
	[tilespmem:s26+$0x3800] =	vst v53;
	v56 =	vadd.f32 v37, v2  }
0x131: {  	[tilespmem:s26+$0x4800] =	vst v54;
	v42 =	vadd.f32 v39, v9  }
0x132: {  	v58 =	vld [tilespmem:s26+$0x830];
	v39 =	vadd.f32 v39, v28;
	[tilespmem:s26+$0x3810] =	vst v56  }
0x133: {  	v44 =	vld [tilespmem:s26+$0x840];
	v37 =	vadd.f32 v37, v18;
	[tilespmem:s21+$0x1850] =	vst v42  }
0x134: {  	[tilespmem:s22+$0x1850] =	vst v39  }
0x135: {  	v59 =	vadd.f32 v55, v3;
	[tilespmem:s26+$0x4810] =	vst v37  }
0x136: {  	[tilespmem:s20+$0x4CF0] =	vst v32;
	v60 =	vadd.f32 v55, v19;
	v61 =	vld [tilespmem:s20+$0xC60]  }
0x137: {  	v62 =	vadd.f32 v58, v5;
	[tilespmem:s26+$0x3820] =	vst v59  }
0x138: {  	v34 =	vadd.f32 v58, v20;
	v63 =	vld [tilespmem:s26+$0x850];
	[tilespmem:s26+$0x4820] =	vst v60  }
0x139: {  	v56 =	vadd.f32 v44, v6;
	[tilespmem:s26+$0x3830] =	vst v62  }
0x13a: {  	v58 =	vadd.f32 v44, v21;
	[tilespmem:s26+$0x4830] =	vst v34  }
0x13b: {  	v59 =	vld [tilespmem:s26+$0x860];
	[tilespmem:s26+$0x3840] =	vst v56;
	v51 =	vadd.f32 v61, v4  }
0x13c: {  	v1 =	vld [tilespmem:$0x1FFC0];
	[tilespmem:s26+$0x4840] =	vst v58;
	v38 =	vadd.f32 v61, v25  }
0x13d: {  	v60 =	vld [tilespmem:s26+$0x870];
	v52 =	vadd.f32 v63, v7;
	[tilespmem:s21+$0x1860] =	vst v51  }
0x13e: {  	v51 =	vld [tilespmem:s26+$0xC00];
	[tilespmem:s22+$0x1860] =	vst v38  }
0x13f: {  	v57 =	vld [tilespmem:s26+$0x8B0];
	v37 =	vadd.f32 v63, v22;
	[tilespmem:s26+$0x3850] =	vst v52  }
0x140: {  	v61 =	vadd.f32 v59, v8;
	v55 =	vld [tilespmem:s20+$0xC70];
	s20 =	smov.u32 s26  }
0x141: {  	v43 =	vld [tilespmem:s26+$0x8C0];
	v62 =	vadd.f32 v59, v23;
	[tilespmem:s20+$0x4850] =	vst v37  }
0x142: {  	v46 =	vld [tilespmem:s26+$0x8D0];
	v41 =	vadd.f32 v36, v0;
	v63 =	vadd.f32 v60, v10;
	[tilespmem:s20+$0x3860] =	vst v61  }
0x143: {  	v47 =	vld [tilespmem:s26+$0x8E0];
	v33 =	vadd.f32 v36, v17;
	v34 =	vadd.f32 v60, v24;
	[tilespmem:s20+$0x4860] =	vst v62  }
0x144: {  	v32 =	vadd.f32 v35, v2;
	v45 =	vadd.f32 v35, v18;
	v35 =	vld [tilespmem:s26+$0xC80];
	[tilespmem:s20+$0x3870] =	vst v63  }
0x145: {  	v54 =	vld [tilespmem:s26+$0xC90];
	v48 =	vadd.f32 v57, v20;
	v42 =	vadd.f32 v40, v3;
	[tilespmem:s20+$0x4870] =	vst v34  }
0x146: {  	s30 =	sand.u32 $0xFFFFF800, s25;
	v39 =	vadd.f32 v40, v19;
	v40 =	vadd.f32 v57, v5;
	v57 =	vld [tilespmem:s26+$0x8F0];
	[tilespmem:s20+$0x3880] =	vst v41  }
0x147: {  	s26 =	sadd.s32 s30, s24;
	[tilespmem:s20+$0x4880] =	vst v33;
	v37 =	vadd.f32 v51, v11  }
0x148: {  	s31 =	sor.u32 $0x2400, s26;
	[tilespmem:s20+$0x3890] =	vst v32;
	v38 =	vadd.f32 v55, v1  }
0x149: {  	[tilespmem:s31+$0x1800] =	vst v37;
	v37 =	vadd.f32 v55, v16  }
0x14a: {  	v51 =	vadd.f32 v51, v26;
	[tilespmem:s21+$0x1870] =	vst v38  }
0x14b: {  	[tilespmem:s22+$0x1870] =	vst v37;
	s22 =	sor.u32 $0x3400, s26  }
0x14c: {  	[tilespmem:s22+$0x1800] =	vst v51  }
0x14d: {  	[tilespmem:s20+$0x4890] =	vst v45;
	v0 =	vld [tilespmem:s20+$0xC10]  }
0x14e: {  	[tilespmem:s20+$0x38A0] =	vst v42  }
0x14f: {  	[tilespmem:s20+$0x48A0] =	vst v39  }
0x150: {  	v49 =	vadd.f32 v43, v6;
	[tilespmem:s20+$0x38B0] =	vst v40  }
0x151: {  	v43 =	vadd.f32 v43, v21;
	[tilespmem:s20+$0x48B0] =	vst v48  }
0x152: {  	[tilespmem:s20+$0x38C0] =	vst v49;
	v45 =	vadd.f32 v0, v12  }
0x153: {  	[tilespmem:s20+$0x48C0] =	vst v43;
	s21 =	smov.u32 s31;
	v0 =	vadd.f32 v0, v27  }
0x154: {  	v50 =	vadd.f32 v46, v7;
	v36 =	vld [tilespmem:s20+$0xCA0];
	[tilespmem:s21+$0x1810] =	vst v45  }
0x155: {  	v46 =	vadd.f32 v46, v22;
	v60 =	vld [tilespmem:s20+$0xCD0];
	[tilespmem:s22+$0x1810] =	vst v0  }
0x156: {  	v53 =	vadd.f32 v47, v8;
	[tilespmem:s20+$0x38D0] =	vst v50;
	v0 =	vld [tilespmem:s20+$0xC20]  }
0x157: {  	v47 =	vadd.f32 v47, v23;
	v56 =	vadd.f32 v35, v11;
	[tilespmem:s20+$0x48D0] =	vst v46  }
0x158: {  	v58 =	vadd.f32 v35, v26;
	v52 =	vadd.f32 v57, v10;
	[tilespmem:s20+$0x38E0] =	vst v53  }
0x159: {  	v44 =	vadd.f32 v57, v24;
	[tilespmem:s20+$0x48E0] =	vst v47;
	v61 =	vadd.f32 v36, v13  }
0x15a: {  	v57 =	vld [tilespmem:s20+$0xCB0];
	[tilespmem:s20+$0x38F0] =	vst v52;
	v55 =	vadd.f32 v36, v29;
	v36 =	vadd.f32 v60, v28  }
0x15b: {  	v35 =	vld [tilespmem:s20+$0xCC0];
	[tilespmem:s20+$0x48F0] =	vst v44;
	v38 =	vadd.f32 v60, v9;
	v60 =	vadd.f32 v0, v13  }
0x15c: {  	v34 =	vld [tilespmem:s20+$0xCE0];
	[tilespmem:s20+$0x3C80] =	vst v56;
	v0 =	vadd.f32 v0, v29  }
0x15d: {  	v62 =	vld [tilespmem:s20+$0xCF0];
	[tilespmem:s21+$0x1820] =	vst v60  }
0x15e: {  	v59 =	vadd.f32 v54, v12;
	[tilespmem:s22+$0x1820] =	vst v0  }
0x15f: {  	v54 =	vadd.f32 v54, v27;
	[tilespmem:s20+$0x4C80] =	vst v58;
	v0 =	vld [tilespmem:s20+$0xC30]  }
0x160: {  	[tilespmem:s20+$0x3C90] =	vst v59;
	v63 =	vadd.f32 v57, v15  }
0x161: {  	[tilespmem:s20+$0x4C90] =	vst v54;
	v57 =	vadd.f32 v57, v30;
	v33 =	vadd.f32 v34, v25  }
0x162: {  	s23 =	sadd.s32 $0x2, s23;
	v32 =	vadd.f32 v62, v16;
	v37 =	vadd.f32 v35, v31;
	[tilespmem:s20+$0x3CA0] =	vst v61  }
0x163: {  	p0 =	slt.u32 s23, $0xE;
	[tilespmem:s20+$0x4CA0] =	vst v55;
	v51 =	vadd.f32 v35, v14;
	v35 =	vadd.f32 v34, v4  }
.Ltmp1:
0x164: {  	[tilespmem:s20+$0x3CB0] =	vst v63;
	v34 =	vadd.f32 v62, v1;
	v62 =	vadd.f32 v0, v15;
	(pc) =	sbr.rel @p0 .LBB2_4-.Ltmp1, $4  }
0x165: {  	[tilespmem:s20+$0x4CB0] =	vst v57;
	v0 =	vadd.f32 v0, v30  }
0x166: {  	[tilespmem:s21+$0x1830] =	vst v62  }
0x167: {  	[tilespmem:s22+$0x1830] =	vst v0  }
0x168: {  	s25 =	sadd.s32 $0x200, s25;
	s24 =	sadd.s32 $0x100, s24;
	[tilespmem:s20+$0x3CC0] =	vst v51;
	v39 =	vld [tilespmem:s20+$0xC40]  }
0x169: {  	_ =	sdelay $0x3  }
0x16a: {  	v0 =	vadd.f32 v39, v14  }
0x16b: {  	v1 =	vadd.f32 v39, v31  }
0x16c: {  	[tilespmem:s21+$0x1840] =	vst v0  }
0x16d: {  	[tilespmem:s22+$0x1840] =	vst v1  }
0x16e: {  	v0 =	vld [tilespmem:s20+$0xC50];
	_ =	sdelay $0x4  }
0x16f: {  	v1 =	vadd.f32 v0, v9  }
0x170: {  	v0 =	vadd.f32 v0, v28  }
0x171: {  	[tilespmem:s21+$0x1850] =	vst v1  }
0x172: {  	[tilespmem:s22+$0x1850] =	vst v0  }
0x173: {  	v0 =	vld [tilespmem:s20+$0xC60];
	_ =	sdelay $0x1  }
0x174: {  	[tilespmem:s20+$0x4CC0] =	vst v37  }
0x175: {  	[tilespmem:s20+$0x3CD0] =	vst v38  }
0x176: {  	[tilespmem:s20+$0x4CD0] =	vst v36  }
0x177: {  	[tilespmem:s20+$0x3CE0] =	vst v35;
	v1 =	vadd.f32 v0, v4  }
0x178: {  	[tilespmem:s20+$0x4CE0] =	vst v33;
	v0 =	vadd.f32 v0, v25  }
0x179: {  	[tilespmem:s21+$0x1860] =	vst v1  }
0x17a: {  	[tilespmem:s22+$0x1860] =	vst v0  }
0x17b: {  	[tilespmem:s20+$0x3CF0] =	vst v34;
	v0 =	vld [tilespmem:s20+$0xC70]  }
0x17c: {  	v1 =	vld [tilespmem:$0x1FFC0];
	_ =	sdelay $0x4  }
0x17d: {  	v1 =	vadd.f32 v0, v1  }
0x17e: {  	[tilespmem:s20+$0x4CF0] =	vst v32;
	v0 =	vadd.f32 v0, v16  }
0x17f: {  	[tilespmem:s21+$0x1870] =	vst v1  }
0x180: {  	[tilespmem:s22+$0x1870] =	vst v0  }
0x181: {  	[hbm4b:s6+s12] =	stream.strided.scatter [tilespmem:s15], [sflag:$0x2], $0x2000, s13, s12, $0x38;
	[tilespmem:$0x9800] =	vst v63  }
0x182: {  	v1 =	vld [tilespmem:$0x200]  }
0x183: {  	v2 =	vld [tilespmem:$0x210]  }
0x184: {  	v3 =	vld [tilespmem:$0x220]  }
0x185: {  	v5 =	vld [tilespmem:$0x230]  }
0x186: {  	v6 =	vld [tilespmem:$0x240]  }
0x187: {  	v7 =	vld [tilespmem:$0x250]  }
0x188: {  	v8 =	vld [tilespmem:$0x260]  }
0x189: {  	v10 =	vld [tilespmem:$0x270]  }
0x18a: {  	v11 =	vld [tilespmem:$0x600]  }
0x18b: {  	v12 =	vld [tilespmem:$0x610]  }
0x18c: {  	v13 =	vld [tilespmem:$0x620]  }
0x18d: {  	v15 =	vld [tilespmem:$0x630]  }
0x18e: {  	v14 =	vld [tilespmem:$0x640]  }
0x18f: {  	v9 =	vld [tilespmem:$0x650]  }
0x190: {  	v4 =	vld [tilespmem:$0x660]  }
0x191: {  	v0 =	vld [tilespmem:$0x670]  }
0x192: {  	v17 =	vld [tilespmem:$0x280]  }
0x193: {  	v18 =	vld [tilespmem:$0x290]  }
0x194: {  	v19 =	vld [tilespmem:$0x2A0]  }
0x195: {  	v20 =	vld [tilespmem:$0x2B0]  }
0x196: {  	v21 =	vld [tilespmem:$0x2C0]  }
0x197: {  	v22 =	vld [tilespmem:$0x2D0]  }
0x198: {  	v23 =	vld [tilespmem:$0x2E0]  }
0x199: {  	v24 =	vld [tilespmem:$0x2F0]  }
0x19a: {  	v26 =	vld [tilespmem:$0x680]  }
0x19b: {  	s28 =	simm.s32 $0x0;
	v27 =	vld [tilespmem:$0x690]  }
0x19c: {  	s29 =	sand.u32 $0x800, s28;
	s30 =	sand.u32 $0x300, s28;
	v29 =	vld [tilespmem:$0x6A0]  }
0x19d: {  	s20 =	sor.u32 s30, s29;
	v30 =	vld [tilespmem:$0x6B0]  }
0x19e: {  	v32 =	vld [tilespmem:s20+$0x800]  }
0x19f: {  	v31 =	vld [tilespmem:$0x6C0]  }
0x1a0: {  	v28 =	vld [tilespmem:$0x6D0]  }
0x1a1: {  	v33 =	vld [tilespmem:s20+$0x810]  }
0x1a2: {  	v25 =	vld [tilespmem:$0x6E0]  }
0x1a3: {  	v16 =	vld [tilespmem:$0x6F0]  }
0x1a4: {  	v35 =	vld [tilespmem:s20+$0x820]  }
0x1a5: {  	v48 =	vld [tilespmem:s20+$0x830]  }
0x1a6: {  	v49 =	vld [tilespmem:s20+$0x840];
	v46 =	vadd.f32 v32, v1  }
0x1a7: {  	v37 =	vld [tilespmem:s20+$0x880];
	v32 =	vadd.f32 v32, v17  }
0x1a8: {  	v36 =	vld [tilespmem:s20+$0x8A0];
	v47 =	vadd.f32 v33, v2;
	[tilespmem:s20+$0x5800] =	vst v46  }
0x1a9: {  	v53 =	vld [tilespmem:s20+$0x850];
	v33 =	vadd.f32 v33, v18;
	[tilespmem:s20+$0x6800] =	vst v32  }
0x1aa: {  	v39 =	vld [tilespmem:s20+$0x8B0];
	v50 =	vadd.f32 v35, v3;
	[tilespmem:s20+$0x5810] =	vst v47  }
0x1ab: {  	v55 =	vld [tilespmem:s20+$0x860];
	v51 =	vadd.f32 v35, v19;
	[tilespmem:s20+$0x6810] =	vst v33  }
0x1ac: {  	v38 =	vld [tilespmem:s20+$0x8C0];
	v52 =	vadd.f32 v48, v5;
	[tilespmem:s20+$0x5820] =	vst v50  }
0x1ad: {  	v56 =	vld [tilespmem:s20+$0x870];
	v40 =	vadd.f32 v49, v6;
	[tilespmem:s20+$0x6820] =	vst v51  }
0x1ae: {  	v41 =	vld [tilespmem:s20+$0x8D0];
	v54 =	vadd.f32 v49, v21;
	[tilespmem:s20+$0x5830] =	vst v52  }
0x1af: {  	v42 =	vld [tilespmem:s20+$0x8F0];
	v43 =	vadd.f32 v53, v7;
	[tilespmem:s20+$0x5840] =	vst v40  }
0x1b0: {  	v44 =	vld [tilespmem:s20+$0xC00];
	v57 =	vadd.f32 v55, v8;
	[tilespmem:s20+$0x6840] =	vst v54  }
0x1b1: {  	v45 =	vld [tilespmem:s20+$0xC80];
	v58 =	vadd.f32 v55, v23;
	[tilespmem:s20+$0x5850] =	vst v43  }
0x1b2: {  	v34 =	vld [tilespmem:s20+$0xCA0];
	v59 =	vadd.f32 v56, v10;
	[tilespmem:s20+$0x5860] =	vst v57  }
0x1b3: {  	v35 =	vld [tilespmem:s20+$0x890];
	v32 =	vadd.f32 v48, v20;
	[tilespmem:s20+$0x6860] =	vst v58  }
0x1b4: {  	v40 =	vld [tilespmem:s20+$0x8E0];
	v33 =	vadd.f32 v53, v22;
	[tilespmem:s20+$0x5870] =	vst v59  }
0x1b5: {  	v46 =	vld [tilespmem:s20+$0xC90];
	[tilespmem:s20+$0x6830] =	vst v32;
	v32 =	vadd.f32 v56, v24  }
0x1b6: {  	s21 =	sand.u32 $0xFFFFF800, s28;
	v47 =	vld [tilespmem:s20+$0xCB0];
	[tilespmem:s20+$0x6850] =	vst v33  }
0x1b7: {  	s31 =	sadd.s32 $0x0, s21;
	v60 =	vadd.f32 v44, v11;
	v48 =	vld [tilespmem:s20+$0xCD0];
	[tilespmem:s20+$0x6870] =	vst v32  }
0x1b8: {  	s21 =	sor.u32 $0x4400, s31;
	v62 =	vadd.f32 v37, v1;
	v33 =	vld [tilespmem:s20+$0xCC0];
	[tilespmem:$0x1FF90] =	vst v1  }
0x1b9: {  	v37 =	vadd.f32 v37, v17;
	[tilespmem:s21+$0x1800] =	vst v60  }
0x1ba: {  	v63 =	vadd.f32 v35, v2;
	[tilespmem:s20+$0x5880] =	vst v62  }
0x1bb: {  	v61 =	vadd.f32 v44, v26;
	[tilespmem:s20+$0x6880] =	vst v37  }
0x1bc: {  	s22 =	sor.u32 $0x5400, s31;
	v35 =	vadd.f32 v35, v18;
	[tilespmem:s20+$0x5890] =	vst v63  }
0x1bd: {  	v52 =	vadd.f32 v36, v3;
	[tilespmem:s22+$0x1800] =	vst v61  }
0x1be: {  	v53 =	vadd.f32 v36, v19;
	[tilespmem:s20+$0x6890] =	vst v35;
	v50 =	vld [tilespmem:s20+$0xC10]  }
0x1bf: {  	v54 =	vadd.f32 v39, v5;
	[tilespmem:s20+$0x58A0] =	vst v52  }
0x1c0: {  	v57 =	vadd.f32 v39, v20;
	[tilespmem:s20+$0x68A0] =	vst v53  }
0x1c1: {  	v58 =	vadd.f32 v38, v6;
	[tilespmem:s20+$0x58B0] =	vst v54  }
0x1c2: {  	v59 =	vadd.f32 v38, v21;
	[tilespmem:s20+$0x68B0] =	vst v57  }
0x1c3: {  	[tilespmem:s20+$0x58C0] =	vst v58;
	v55 =	vadd.f32 v50, v12  }
0x1c4: {  	[tilespmem:s20+$0x68C0] =	vst v59;
	v56 =	vadd.f32 v50, v27  }
0x1c5: {  	v51 =	vadd.f32 v42, v10;
	[tilespmem:s21+$0x1810] =	vst v55  }
0x1c6: {  	v62 =	vadd.f32 v41, v22;
	[tilespmem:s22+$0x1810] =	vst v56  }
0x1c7: {  	v63 =	vadd.f32 v40, v8;
	[tilespmem:s20+$0x58F0] =	vst v51;
	v60 =	vld [tilespmem:s20+$0xC20]  }
0x1c8: {  	v52 =	vadd.f32 v42, v24;
	[tilespmem:s20+$0x68D0] =	vst v62  }
0x1c9: {  	v53 =	vadd.f32 v45, v11;
	[tilespmem:s20+$0x58E0] =	vst v63  }
0x1ca: {  	v57 =	vadd.f32 v46, v27;
	[tilespmem:s20+$0x68F0] =	vst v52  }
0x1cb: {  	v58 =	vadd.f32 v34, v13;
	[tilespmem:s20+$0x5C80] =	vst v53  }
0x1cc: {  	[tilespmem:s20+$0x6C90] =	vst v57;
	v44 =	vadd.f32 v60, v13  }
0x1cd: {  	[tilespmem:s20+$0x5CA0] =	vst v58;
	v50 =	vadd.f32 v60, v29  }
0x1ce: {  	v34 =	vadd.f32 v34, v29;
	[tilespmem:s21+$0x1820] =	vst v44  }
0x1cf: {  	v61 =	vadd.f32 v41, v7;
	[tilespmem:s22+$0x1820] =	vst v50  }
0x1d0: {  	v41 =	vadd.f32 v40, v23;
	[tilespmem:s20+$0x6CA0] =	vst v34;
	v54 =	vld [tilespmem:s20+$0xC30]  }
0x1d1: {  	v62 =	vadd.f32 v47, v30;
	[tilespmem:s20+$0x58D0] =	vst v61  }
0x1d2: {  	[tilespmem:s20+$0x68E0] =	vst v41;
	v61 =	vadd.f32 v47, v15  }
0x1d3: {  	[tilespmem:s20+$0x6CB0] =	vst v62;
	v55 =	vadd.f32 v45, v26  }
0x1d4: {  	v49 =	vld [tilespmem:s20+$0xCE0];
	[tilespmem:s20+$0x5CB0] =	vst v61;
	v56 =	vadd.f32 v46, v12  }
0x1d5: {  	v43 =	vld [tilespmem:s20+$0xCF0];
	[tilespmem:s20+$0x6C80] =	vst v55;
	v59 =	vadd.f32 v54, v15  }
0x1d6: {  	[tilespmem:s20+$0x5C90] =	vst v56;
	v60 =	vadd.f32 v54, v30  }
0x1d7: {  	v38 =	vadd.f32 v48, v9;
	v36 =	vadd.f32 v48, v28;
	[tilespmem:s21+$0x1830] =	vst v59  }
0x1d8: {  	v37 =	vadd.f32 v33, v31;
	v63 =	vadd.f32 v33, v14;
	[tilespmem:s22+$0x1830] =	vst v60  }
0x1d9: {  	v35 =	vadd.f32 v49, v4;
	v33 =	vadd.f32 v49, v25;
	[tilespmem:$0x1FFA0] =	vst v0  }
0x1da: {  	s23 =	simm.s32 $0x0;
	s24 =	simm.s32 $0x100;
	s25 =	simm.s32 $0x200;
	v34 =	vadd.f32 v43, v0;
	v32 =	vadd.f32 v43, v16;
	v39 =	vld [tilespmem:s20+$0xC40];
	[tilespmem:s20+$0x5CC0] =	vst v63  }
.LBB2_6:
0x1db: {  	_ =	sdelay $0x2  }
0x1dc: {  	s26 =	sand.u32 $0x800, s25;
	s28 =	sand.u32 $0x300, s24  }
0x1dd: {  	[tilespmem:s20+$0x6CC0] =	vst v37;
	v0 =	vld [tilespmem:$0x1FF90];
	s26 =	sor.u32 s28, s26;
	v50 =	vadd.f32 v39, v14  }
0x1de: {  	[tilespmem:s20+$0x5CD0] =	vst v38;
	v51 =	vld [tilespmem:s26+$0x800];
	v52 =	vadd.f32 v39, v31  }
0x1df: {  	[tilespmem:s21+$0x1840] =	vst v50  }
0x1e0: {  	v37 =	vld [tilespmem:s26+$0x810];
	[tilespmem:s22+$0x1840] =	vst v52  }
0x1e1: {  	[tilespmem:s20+$0x6CD0] =	vst v36;
	v39 =	vld [tilespmem:s20+$0xC50]  }
0x1e2: {  	v36 =	vld [tilespmem:s26+$0x880];
	[tilespmem:s20+$0x5CE0] =	vst v35  }
0x1e3: {  	v35 =	vld [tilespmem:s26+$0x890];
	[tilespmem:s20+$0x6CE0] =	vst v33;
	v53 =	vadd.f32 v51, v0  }
0x1e4: {  	v40 =	vld [tilespmem:s26+$0x8A0];
	[tilespmem:s20+$0x5CF0] =	vst v34;
	v54 =	vadd.f32 v51, v17  }
0x1e5: {  	v55 =	vld [tilespmem:s26+$0x820];
	[tilespmem:s26+$0x5800] =	vst v53;
	v56 =	vadd.f32 v37, v2  }
0x1e6: {  	[tilespmem:s26+$0x6800] =	vst v54;
	v42 =	vadd.f32 v39, v9  }
0x1e7: {  	v58 =	vld [tilespmem:s26+$0x830];
	v39 =	vadd.f32 v39, v28;
	[tilespmem:s26+$0x5810] =	vst v56  }
0x1e8: {  	v44 =	vld [tilespmem:s26+$0x840];
	v37 =	vadd.f32 v37, v18;
	[tilespmem:s21+$0x1850] =	vst v42  }
0x1e9: {  	[tilespmem:s22+$0x1850] =	vst v39  }
0x1ea: {  	v59 =	vadd.f32 v55, v3;
	[tilespmem:s26+$0x6810] =	vst v37  }
0x1eb: {  	[tilespmem:s20+$0x6CF0] =	vst v32;
	v60 =	vadd.f32 v55, v19;
	v61 =	vld [tilespmem:s20+$0xC60]  }
0x1ec: {  	v62 =	vadd.f32 v58, v5;
	[tilespmem:s26+$0x5820] =	vst v59  }
0x1ed: {  	v34 =	vadd.f32 v58, v20;
	v63 =	vld [tilespmem:s26+$0x850];
	[tilespmem:s26+$0x6820] =	vst v60  }
0x1ee: {  	v56 =	vadd.f32 v44, v6;
	[tilespmem:s26+$0x5830] =	vst v62  }
0x1ef: {  	v58 =	vadd.f32 v44, v21;
	[tilespmem:s26+$0x6830] =	vst v34  }
0x1f0: {  	v59 =	vld [tilespmem:s26+$0x860];
	[tilespmem:s26+$0x5840] =	vst v56;
	v51 =	vadd.f32 v61, v4  }
0x1f1: {  	v1 =	vld [tilespmem:$0x1FFA0];
	[tilespmem:s26+$0x6840] =	vst v58;
	v38 =	vadd.f32 v61, v25  }
0x1f2: {  	v60 =	vld [tilespmem:s26+$0x870];
	v52 =	vadd.f32 v63, v7;
	[tilespmem:s21+$0x1860] =	vst v51  }
0x1f3: {  	v51 =	vld [tilespmem:s26+$0xC00];
	[tilespmem:s22+$0x1860] =	vst v38  }
0x1f4: {  	v57 =	vld [tilespmem:s26+$0x8B0];
	v37 =	vadd.f32 v63, v22;
	[tilespmem:s26+$0x5850] =	vst v52  }
0x1f5: {  	v61 =	vadd.f32 v59, v8;
	v55 =	vld [tilespmem:s20+$0xC70];
	s20 =	smov.u32 s26  }
0x1f6: {  	v43 =	vld [tilespmem:s26+$0x8C0];
	v62 =	vadd.f32 v59, v23;
	[tilespmem:s20+$0x6850] =	vst v37  }
0x1f7: {  	v46 =	vld [tilespmem:s26+$0x8D0];
	v41 =	vadd.f32 v36, v0;
	v63 =	vadd.f32 v60, v10;
	[tilespmem:s20+$0x5860] =	vst v61  }
0x1f8: {  	v47 =	vld [tilespmem:s26+$0x8E0];
	v33 =	vadd.f32 v36, v17;
	v34 =	vadd.f32 v60, v24;
	[tilespmem:s20+$0x6860] =	vst v62  }
0x1f9: {  	v32 =	vadd.f32 v35, v2;
	v45 =	vadd.f32 v35, v18;
	v35 =	vld [tilespmem:s26+$0xC80];
	[tilespmem:s20+$0x5870] =	vst v63  }
0x1fa: {  	v54 =	vld [tilespmem:s26+$0xC90];
	v48 =	vadd.f32 v57, v20;
	v42 =	vadd.f32 v40, v3;
	[tilespmem:s20+$0x6870] =	vst v34  }
0x1fb: {  	s30 =	sand.u32 $0xFFFFF800, s25;
	v39 =	vadd.f32 v40, v19;
	v40 =	vadd.f32 v57, v5;
	v57 =	vld [tilespmem:s26+$0x8F0];
	[tilespmem:s20+$0x5880] =	vst v41  }
0x1fc: {  	s26 =	sadd.s32 s30, s24;
	[tilespmem:s20+$0x6880] =	vst v33;
	v37 =	vadd.f32 v51, v11  }
0x1fd: {  	s31 =	sor.u32 $0x4400, s26;
	[tilespmem:s20+$0x5890] =	vst v32;
	v38 =	vadd.f32 v55, v1  }
0x1fe: {  	[tilespmem:s31+$0x1800] =	vst v37;
	v37 =	vadd.f32 v55, v16  }
0x1ff: {  	v51 =	vadd.f32 v51, v26;
	[tilespmem:s21+$0x1870] =	vst v38  }
0x200: {  	[tilespmem:s22+$0x1870] =	vst v37;
	s22 =	sor.u32 $0x5400, s26  }
0x201: {  	[tilespmem:s22+$0x1800] =	vst v51  }
0x202: {  	[tilespmem:s20+$0x6890] =	vst v45;
	v0 =	vld [tilespmem:s20+$0xC10]  }
0x203: {  	[tilespmem:s20+$0x58A0] =	vst v42  }
0x204: {  	[tilespmem:s20+$0x68A0] =	vst v39  }
0x205: {  	v49 =	vadd.f32 v43, v6;
	[tilespmem:s20+$0x58B0] =	vst v40  }
0x206: {  	v43 =	vadd.f32 v43, v21;
	[tilespmem:s20+$0x68B0] =	vst v48  }
0x207: {  	[tilespmem:s20+$0x58C0] =	vst v49;
	v45 =	vadd.f32 v0, v12  }
0x208: {  	[tilespmem:s20+$0x68C0] =	vst v43;
	s21 =	smov.u32 s31;
	v0 =	vadd.f32 v0, v27  }
0x209: {  	v50 =	vadd.f32 v46, v7;
	v36 =	vld [tilespmem:s20+$0xCA0];
	[tilespmem:s21+$0x1810] =	vst v45  }
0x20a: {  	v46 =	vadd.f32 v46, v22;
	v60 =	vld [tilespmem:s20+$0xCD0];
	[tilespmem:s22+$0x1810] =	vst v0  }
0x20b: {  	v53 =	vadd.f32 v47, v8;
	[tilespmem:s20+$0x58D0] =	vst v50;
	v0 =	vld [tilespmem:s20+$0xC20]  }
0x20c: {  	v47 =	vadd.f32 v47, v23;
	v56 =	vadd.f32 v35, v11;
	[tilespmem:s20+$0x68D0] =	vst v46  }
0x20d: {  	v58 =	vadd.f32 v35, v26;
	v52 =	vadd.f32 v57, v10;
	[tilespmem:s20+$0x58E0] =	vst v53  }
0x20e: {  	v44 =	vadd.f32 v57, v24;
	[tilespmem:s20+$0x68E0] =	vst v47;
	v61 =	vadd.f32 v36, v13  }
0x20f: {  	v57 =	vld [tilespmem:s20+$0xCB0];
	[tilespmem:s20+$0x58F0] =	vst v52;
	v55 =	vadd.f32 v36, v29;
	v36 =	vadd.f32 v60, v28  }
0x210: {  	v35 =	vld [tilespmem:s20+$0xCC0];
	[tilespmem:s20+$0x68F0] =	vst v44;
	v38 =	vadd.f32 v60, v9;
	v60 =	vadd.f32 v0, v13  }
0x211: {  	v34 =	vld [tilespmem:s20+$0xCE0];
	[tilespmem:s20+$0x5C80] =	vst v56;
	v0 =	vadd.f32 v0, v29  }
0x212: {  	v62 =	vld [tilespmem:s20+$0xCF0];
	[tilespmem:s21+$0x1820] =	vst v60  }
0x213: {  	v59 =	vadd.f32 v54, v12;
	[tilespmem:s22+$0x1820] =	vst v0  }
0x214: {  	v54 =	vadd.f32 v54, v27;
	[tilespmem:s20+$0x6C80] =	vst v58;
	v0 =	vld [tilespmem:s20+$0xC30]  }
0x215: {  	[tilespmem:s20+$0x5C90] =	vst v59;
	v63 =	vadd.f32 v57, v15  }
0x216: {  	[tilespmem:s20+$0x6C90] =	vst v54;
	v57 =	vadd.f32 v57, v30;
	v33 =	vadd.f32 v34, v25  }
0x217: {  	s23 =	sadd.s32 $0x2, s23;
	v32 =	vadd.f32 v62, v16;
	v37 =	vadd.f32 v35, v31;
	[tilespmem:s20+$0x5CA0] =	vst v61  }
0x218: {  	p0 =	slt.u32 s23, $0xE;
	[tilespmem:s20+$0x6CA0] =	vst v55;
	v51 =	vadd.f32 v35, v14;
	v35 =	vadd.f32 v34, v4  }
.Ltmp2:
0x219: {  	[tilespmem:s20+$0x5CB0] =	vst v63;
	v34 =	vadd.f32 v62, v1;
	v62 =	vadd.f32 v0, v15;
	(pc) =	sbr.rel @p0 .LBB2_6-.Ltmp2, $4  }
0x21a: {  	[tilespmem:s20+$0x6CB0] =	vst v57;
	v0 =	vadd.f32 v0, v30  }
0x21b: {  	[tilespmem:s21+$0x1830] =	vst v62  }
0x21c: {  	[tilespmem:s22+$0x1830] =	vst v0  }
0x21d: {  	s25 =	sadd.s32 $0x200, s25;
	s24 =	sadd.s32 $0x100, s24;
	[tilespmem:s20+$0x5CC0] =	vst v51;
	v39 =	vld [tilespmem:s20+$0xC40]  }
0x21e: {  	_ =	sdelay $0x3  }
0x21f: {  	v0 =	vadd.f32 v39, v14  }
0x220: {  	v1 =	vadd.f32 v39, v31  }
0x221: {  	[tilespmem:s21+$0x1840] =	vst v0  }
0x222: {  	[tilespmem:s22+$0x1840] =	vst v1  }
0x223: {  	v0 =	vld [tilespmem:s20+$0xC50];
	_ =	sdelay $0x4  }
0x224: {  	v1 =	vadd.f32 v0, v9  }
0x225: {  	v0 =	vadd.f32 v0, v28  }
0x226: {  	[tilespmem:s21+$0x1850] =	vst v1  }
0x227: {  	[tilespmem:s22+$0x1850] =	vst v0  }
0x228: {  	v0 =	vld [tilespmem:s20+$0xC60];
	_ =	sdelay $0x1  }
0x229: {  	[tilespmem:s20+$0x6CC0] =	vst v37  }
0x22a: {  	[tilespmem:s20+$0x5CD0] =	vst v38  }
0x22b: {  	[tilespmem:s20+$0x6CD0] =	vst v36  }
0x22c: {  	[tilespmem:s20+$0x5CE0] =	vst v35;
	v1 =	vadd.f32 v0, v4  }
0x22d: {  	[tilespmem:s20+$0x6CE0] =	vst v33;
	v0 =	vadd.f32 v0, v25  }
0x22e: {  	[tilespmem:s21+$0x1860] =	vst v1  }
0x22f: {  	[tilespmem:s22+$0x1860] =	vst v0  }
0x230: {  	[tilespmem:s20+$0x5CF0] =	vst v34;
	v0 =	vld [tilespmem:s20+$0xC70]  }
0x231: {  	v1 =	vld [tilespmem:$0x1FFA0];
	_ =	sdelay $0x4  }
0x232: {  	v1 =	vadd.f32 v0, v1  }
0x233: {  	[tilespmem:s20+$0x6CF0] =	vst v32;
	v0 =	vadd.f32 v0, v16  }
0x234: {  	[tilespmem:s21+$0x1870] =	vst v1  }
0x235: {  	[tilespmem:s22+$0x1870] =	vst v0  }
0x236: {  	[hbm4b:s7+s12] =	stream.strided.scatter [tilespmem:s16], [sflag:$0x2], $0x2000, s13, s12, $0x38;
	[tilespmem:$0x9800] =	vst v63  }
0x237: {  	v1 =	vld [tilespmem:$0x300]  }
0x238: {  	v2 =	vld [tilespmem:$0x310]  }
0x239: {  	v3 =	vld [tilespmem:$0x320]  }
0x23a: {  	v5 =	vld [tilespmem:$0x330]  }
0x23b: {  	v6 =	vld [tilespmem:$0x340]  }
0x23c: {  	v7 =	vld [tilespmem:$0x350]  }
0x23d: {  	v8 =	vld [tilespmem:$0x360]  }
0x23e: {  	v10 =	vld [tilespmem:$0x370]  }
0x23f: {  	v11 =	vld [tilespmem:$0x700]  }
0x240: {  	v12 =	vld [tilespmem:$0x710]  }
0x241: {  	v13 =	vld [tilespmem:$0x720]  }
0x242: {  	v15 =	vld [tilespmem:$0x730]  }
0x243: {  	v14 =	vld [tilespmem:$0x740]  }
0x244: {  	v9 =	vld [tilespmem:$0x750]  }
0x245: {  	v4 =	vld [tilespmem:$0x760]  }
0x246: {  	v0 =	vld [tilespmem:$0x770]  }
0x247: {  	v17 =	vld [tilespmem:$0x380]  }
0x248: {  	v18 =	vld [tilespmem:$0x390]  }
0x249: {  	v19 =	vld [tilespmem:$0x3A0]  }
0x24a: {  	v20 =	vld [tilespmem:$0x3B0]  }
0x24b: {  	v21 =	vld [tilespmem:$0x3C0]  }
0x24c: {  	v22 =	vld [tilespmem:$0x3D0]  }
0x24d: {  	v23 =	vld [tilespmem:$0x3E0]  }
0x24e: {  	v24 =	vld [tilespmem:$0x3F0]  }
0x24f: {  	v26 =	vld [tilespmem:$0x780]  }
0x250: {  	s28 =	simm.s32 $0x0;
	v27 =	vld [tilespmem:$0x790]  }
0x251: {  	s29 =	sand.u32 $0x800, s28;
	s30 =	sand.u32 $0x300, s28;
	v29 =	vld [tilespmem:$0x7A0]  }
0x252: {  	s20 =	sor.u32 s30, s29;
	v30 =	vld [tilespmem:$0x7B0]  }
0x253: {  	v32 =	vld [tilespmem:s20+$0x800]  }
0x254: {  	v31 =	vld [tilespmem:$0x7C0]  }
0x255: {  	v28 =	vld [tilespmem:$0x7D0]  }
0x256: {  	v33 =	vld [tilespmem:s20+$0x810]  }
0x257: {  	v25 =	vld [tilespmem:$0x7E0]  }
0x258: {  	v16 =	vld [tilespmem:$0x7F0]  }
0x259: {  	v35 =	vld [tilespmem:s20+$0x820]  }
0x25a: {  	v48 =	vld [tilespmem:s20+$0x830]  }
0x25b: {  	v49 =	vld [tilespmem:s20+$0x840];
	v46 =	vadd.f32 v32, v1  }
0x25c: {  	v37 =	vld [tilespmem:s20+$0x880];
	v32 =	vadd.f32 v32, v17  }
0x25d: {  	v36 =	vld [tilespmem:s20+$0x8A0];
	v47 =	vadd.f32 v33, v2;
	[tilespmem:s20+$0x7800] =	vst v46  }
0x25e: {  	v53 =	vld [tilespmem:s20+$0x850];
	v33 =	vadd.f32 v33, v18;
	[tilespmem:s20+$0x8800] =	vst v32  }
0x25f: {  	v39 =	vld [tilespmem:s20+$0x8B0];
	v50 =	vadd.f32 v35, v3;
	[tilespmem:s20+$0x7810] =	vst v47  }
0x260: {  	v55 =	vld [tilespmem:s20+$0x860];
	v51 =	vadd.f32 v35, v19;
	[tilespmem:s20+$0x8810] =	vst v33  }
0x261: {  	v38 =	vld [tilespmem:s20+$0x8C0];
	v52 =	vadd.f32 v48, v5;
	[tilespmem:s20+$0x7820] =	vst v50  }
0x262: {  	v56 =	vld [tilespmem:s20+$0x870];
	v40 =	vadd.f32 v49, v6;
	[tilespmem:s20+$0x8820] =	vst v51  }
0x263: {  	v41 =	vld [tilespmem:s20+$0x8D0];
	v54 =	vadd.f32 v49, v21;
	[tilespmem:s20+$0x7830] =	vst v52  }
0x264: {  	v42 =	vld [tilespmem:s20+$0x8F0];
	v43 =	vadd.f32 v53, v7;
	[tilespmem:s20+$0x7840] =	vst v40  }
0x265: {  	v44 =	vld [tilespmem:s20+$0xC00];
	v57 =	vadd.f32 v55, v8;
	[tilespmem:s20+$0x8840] =	vst v54  }
0x266: {  	v45 =	vld [tilespmem:s20+$0xC80];
	v58 =	vadd.f32 v55, v23;
	[tilespmem:s20+$0x7850] =	vst v43  }
0x267: {  	v34 =	vld [tilespmem:s20+$0xCA0];
	v59 =	vadd.f32 v56, v10;
	[tilespmem:s20+$0x7860] =	vst v57  }
0x268: {  	v35 =	vld [tilespmem:s20+$0x890];
	v32 =	vadd.f32 v48, v20;
	[tilespmem:s20+$0x8860] =	vst v58  }
0x269: {  	v40 =	vld [tilespmem:s20+$0x8E0];
	v33 =	vadd.f32 v53, v22;
	[tilespmem:s20+$0x7870] =	vst v59  }
0x26a: {  	v46 =	vld [tilespmem:s20+$0xC90];
	[tilespmem:s20+$0x8830] =	vst v32;
	v32 =	vadd.f32 v56, v24  }
0x26b: {  	s21 =	sand.u32 $0xFFFFF800, s28;
	v47 =	vld [tilespmem:s20+$0xCB0];
	[tilespmem:s20+$0x8850] =	vst v33  }
0x26c: {  	s31 =	sadd.s32 $0x0, s21;
	v60 =	vadd.f32 v44, v11;
	v48 =	vld [tilespmem:s20+$0xCD0];
	[tilespmem:s20+$0x8870] =	vst v32  }
0x26d: {  	s21 =	sor.u32 $0x6400, s31;
	v62 =	vadd.f32 v37, v1;
	v33 =	vld [tilespmem:s20+$0xCC0];
	[tilespmem:$0x1FF70] =	vst v1  }
0x26e: {  	v37 =	vadd.f32 v37, v17;
	[tilespmem:s21+$0x1800] =	vst v60  }
0x26f: {  	v63 =	vadd.f32 v35, v2;
	[tilespmem:s20+$0x7880] =	vst v62  }
0x270: {  	v61 =	vadd.f32 v44, v26;
	[tilespmem:s20+$0x8880] =	vst v37  }
0x271: {  	s22 =	sor.u32 $0x7400, s31;
	v35 =	vadd.f32 v35, v18;
	[tilespmem:s20+$0x7890] =	vst v63  }
0x272: {  	v52 =	vadd.f32 v36, v3;
	[tilespmem:s22+$0x1800] =	vst v61  }
0x273: {  	v53 =	vadd.f32 v36, v19;
	[tilespmem:s20+$0x8890] =	vst v35;
	v50 =	vld [tilespmem:s20+$0xC10]  }
0x274: {  	v54 =	vadd.f32 v39, v5;
	[tilespmem:s20+$0x78A0] =	vst v52  }
0x275: {  	v57 =	vadd.f32 v39, v20;
	[tilespmem:s20+$0x88A0] =	vst v53  }
0x276: {  	v58 =	vadd.f32 v38, v6;
	[tilespmem:s20+$0x78B0] =	vst v54  }
0x277: {  	v59 =	vadd.f32 v38, v21;
	[tilespmem:s20+$0x88B0] =	vst v57  }
0x278: {  	[tilespmem:s20+$0x78C0] =	vst v58;
	v55 =	vadd.f32 v50, v12  }
0x279: {  	[tilespmem:s20+$0x88C0] =	vst v59;
	v56 =	vadd.f32 v50, v27  }
0x27a: {  	v51 =	vadd.f32 v42, v10;
	[tilespmem:s21+$0x1810] =	vst v55  }
0x27b: {  	v62 =	vadd.f32 v41, v22;
	[tilespmem:s22+$0x1810] =	vst v56  }
0x27c: {  	v63 =	vadd.f32 v40, v8;
	[tilespmem:s20+$0x78F0] =	vst v51;
	v60 =	vld [tilespmem:s20+$0xC20]  }
0x27d: {  	v52 =	vadd.f32 v42, v24;
	[tilespmem:s20+$0x88D0] =	vst v62  }
0x27e: {  	v53 =	vadd.f32 v45, v11;
	[tilespmem:s20+$0x78E0] =	vst v63  }
0x27f: {  	v57 =	vadd.f32 v46, v27;
	[tilespmem:s20+$0x88F0] =	vst v52  }
0x280: {  	v58 =	vadd.f32 v34, v13;
	[tilespmem:s20+$0x7C80] =	vst v53  }
0x281: {  	[tilespmem:s20+$0x8C90] =	vst v57;
	v44 =	vadd.f32 v60, v13  }
0x282: {  	[tilespmem:s20+$0x7CA0] =	vst v58;
	v50 =	vadd.f32 v60, v29  }
0x283: {  	v34 =	vadd.f32 v34, v29;
	[tilespmem:s21+$0x1820] =	vst v44  }
0x284: {  	v61 =	vadd.f32 v41, v7;
	[tilespmem:s22+$0x1820] =	vst v50  }
0x285: {  	v41 =	vadd.f32 v40, v23;
	[tilespmem:s20+$0x8CA0] =	vst v34;
	v54 =	vld [tilespmem:s20+$0xC30]  }
0x286: {  	v62 =	vadd.f32 v47, v30;
	[tilespmem:s20+$0x78D0] =	vst v61  }
0x287: {  	[tilespmem:s20+$0x88E0] =	vst v41;
	v61 =	vadd.f32 v47, v15  }
0x288: {  	[tilespmem:s20+$0x8CB0] =	vst v62;
	v55 =	vadd.f32 v45, v26  }
0x289: {  	v49 =	vld [tilespmem:s20+$0xCE0];
	[tilespmem:s20+$0x7CB0] =	vst v61;
	v56 =	vadd.f32 v46, v12  }
0x28a: {  	v43 =	vld [tilespmem:s20+$0xCF0];
	[tilespmem:s20+$0x8C80] =	vst v55;
	v59 =	vadd.f32 v54, v15  }
0x28b: {  	[tilespmem:s20+$0x7C90] =	vst v56;
	v60 =	vadd.f32 v54, v30  }
0x28c: {  	v38 =	vadd.f32 v48, v9;
	v36 =	vadd.f32 v48, v28;
	[tilespmem:s21+$0x1830] =	vst v59  }
0x28d: {  	v37 =	vadd.f32 v33, v31;
	v63 =	vadd.f32 v33, v14;
	[tilespmem:s22+$0x1830] =	vst v60  }
0x28e: {  	v35 =	vadd.f32 v49, v4;
	v33 =	vadd.f32 v49, v25;
	[tilespmem:$0x1FF80] =	vst v0  }
0x28f: {  	s23 =	simm.s32 $0x0;
	s24 =	simm.s32 $0x100;
	s25 =	simm.s32 $0x200;
	v34 =	vadd.f32 v43, v0;
	v32 =	vadd.f32 v43, v16;
	v39 =	vld [tilespmem:s20+$0xC40];
	[tilespmem:s20+$0x7CC0] =	vst v63  }
.LBB2_8:
0x290: {  	_ =	sdelay $0x2  }
0x291: {  	s26 =	sand.u32 $0x800, s25;
	s28 =	sand.u32 $0x300, s24  }
0x292: {  	[tilespmem:s20+$0x8CC0] =	vst v37;
	v0 =	vld [tilespmem:$0x1FF70];
	s26 =	sor.u32 s28, s26;
	v50 =	vadd.f32 v39, v14  }
0x293: {  	[tilespmem:s20+$0x7CD0] =	vst v38;
	v51 =	vld [tilespmem:s26+$0x800];
	v52 =	vadd.f32 v39, v31  }
0x294: {  	[tilespmem:s21+$0x1840] =	vst v50  }
0x295: {  	v37 =	vld [tilespmem:s26+$0x810];
	[tilespmem:s22+$0x1840] =	vst v52  }
0x296: {  	[tilespmem:s20+$0x8CD0] =	vst v36;
	v39 =	vld [tilespmem:s20+$0xC50]  }
0x297: {  	v36 =	vld [tilespmem:s26+$0x880];
	[tilespmem:s20+$0x7CE0] =	vst v35  }
0x298: {  	v35 =	vld [tilespmem:s26+$0x890];
	[tilespmem:s20+$0x8CE0] =	vst v33;
	v53 =	vadd.f32 v51, v0  }
0x299: {  	v40 =	vld [tilespmem:s26+$0x8A0];
	[tilespmem:s20+$0x7CF0] =	vst v34;
	v54 =	vadd.f32 v51, v17  }
0x29a: {  	v55 =	vld [tilespmem:s26+$0x820];
	[tilespmem:s26+$0x7800] =	vst v53;
	v56 =	vadd.f32 v37, v2  }
0x29b: {  	[tilespmem:s26+$0x8800] =	vst v54;
	v42 =	vadd.f32 v39, v9  }
0x29c: {  	v58 =	vld [tilespmem:s26+$0x830];
	v39 =	vadd.f32 v39, v28;
	[tilespmem:s26+$0x7810] =	vst v56  }
0x29d: {  	v44 =	vld [tilespmem:s26+$0x840];
	v37 =	vadd.f32 v37, v18;
	[tilespmem:s21+$0x1850] =	vst v42  }
0x29e: {  	[tilespmem:s22+$0x1850] =	vst v39  }
0x29f: {  	v59 =	vadd.f32 v55, v3;
	[tilespmem:s26+$0x8810] =	vst v37  }
0x2a0: {  	[tilespmem:s20+$0x8CF0] =	vst v32;
	v60 =	vadd.f32 v55, v19;
	v61 =	vld [tilespmem:s20+$0xC60]  }
0x2a1: {  	v62 =	vadd.f32 v58, v5;
	[tilespmem:s26+$0x7820] =	vst v59  }
0x2a2: {  	v34 =	vadd.f32 v58, v20;
	v63 =	vld [tilespmem:s26+$0x850];
	[tilespmem:s26+$0x8820] =	vst v60  }
0x2a3: {  	v56 =	vadd.f32 v44, v6;
	[tilespmem:s26+$0x7830] =	vst v62  }
0x2a4: {  	v58 =	vadd.f32 v44, v21;
	[tilespmem:s26+$0x8830] =	vst v34  }
0x2a5: {  	v59 =	vld [tilespmem:s26+$0x860];
	[tilespmem:s26+$0x7840] =	vst v56;
	v51 =	vadd.f32 v61, v4  }
0x2a6: {  	v1 =	vld [tilespmem:$0x1FF80];
	[tilespmem:s26+$0x8840] =	vst v58;
	v38 =	vadd.f32 v61, v25  }
0x2a7: {  	v60 =	vld [tilespmem:s26+$0x870];
	v52 =	vadd.f32 v63, v7;
	[tilespmem:s21+$0x1860] =	vst v51  }
0x2a8: {  	v51 =	vld [tilespmem:s26+$0xC00];
	[tilespmem:s22+$0x1860] =	vst v38  }
0x2a9: {  	v57 =	vld [tilespmem:s26+$0x8B0];
	v37 =	vadd.f32 v63, v22;
	[tilespmem:s26+$0x7850] =	vst v52  }
0x2aa: {  	v61 =	vadd.f32 v59, v8;
	v55 =	vld [tilespmem:s20+$0xC70];
	s20 =	smov.u32 s26  }
0x2ab: {  	v43 =	vld [tilespmem:s26+$0x8C0];
	v62 =	vadd.f32 v59, v23;
	[tilespmem:s20+$0x8850] =	vst v37  }
0x2ac: {  	v46 =	vld [tilespmem:s26+$0x8D0];
	v41 =	vadd.f32 v36, v0;
	v63 =	vadd.f32 v60, v10;
	[tilespmem:s20+$0x7860] =	vst v61  }
0x2ad: {  	v47 =	vld [tilespmem:s26+$0x8E0];
	v33 =	vadd.f32 v36, v17;
	v34 =	vadd.f32 v60, v24;
	[tilespmem:s20+$0x8860] =	vst v62  }
0x2ae: {  	v32 =	vadd.f32 v35, v2;
	v45 =	vadd.f32 v35, v18;
	v35 =	vld [tilespmem:s26+$0xC80];
	[tilespmem:s20+$0x7870] =	vst v63  }
0x2af: {  	v54 =	vld [tilespmem:s26+$0xC90];
	v48 =	vadd.f32 v57, v20;
	v42 =	vadd.f32 v40, v3;
	[tilespmem:s20+$0x8870] =	vst v34  }
0x2b0: {  	s30 =	sand.u32 $0xFFFFF800, s25;
	v39 =	vadd.f32 v40, v19;
	v40 =	vadd.f32 v57, v5;
	v57 =	vld [tilespmem:s26+$0x8F0];
	[tilespmem:s20+$0x7880] =	vst v41  }
0x2b1: {  	s26 =	sadd.s32 s30, s24;
	[tilespmem:s20+$0x8880] =	vst v33;
	v37 =	vadd.f32 v51, v11  }
0x2b2: {  	s31 =	sor.u32 $0x6400, s26;
	[tilespmem:s20+$0x7890] =	vst v32;
	v38 =	vadd.f32 v55, v1  }
0x2b3: {  	[tilespmem:s31+$0x1800] =	vst v37;
	v37 =	vadd.f32 v55, v16  }
0x2b4: {  	v51 =	vadd.f32 v51, v26;
	[tilespmem:s21+$0x1870] =	vst v38  }
0x2b5: {  	[tilespmem:s22+$0x1870] =	vst v37;
	s22 =	sor.u32 $0x7400, s26  }
0x2b6: {  	[tilespmem:s22+$0x1800] =	vst v51  }
0x2b7: {  	[tilespmem:s20+$0x8890] =	vst v45;
	v0 =	vld [tilespmem:s20+$0xC10]  }
0x2b8: {  	[tilespmem:s20+$0x78A0] =	vst v42  }
0x2b9: {  	[tilespmem:s20+$0x88A0] =	vst v39  }
0x2ba: {  	v49 =	vadd.f32 v43, v6;
	[tilespmem:s20+$0x78B0] =	vst v40  }
0x2bb: {  	v43 =	vadd.f32 v43, v21;
	[tilespmem:s20+$0x88B0] =	vst v48  }
0x2bc: {  	[tilespmem:s20+$0x78C0] =	vst v49;
	v45 =	vadd.f32 v0, v12  }
0x2bd: {  	[tilespmem:s20+$0x88C0] =	vst v43;
	s21 =	smov.u32 s31;
	v0 =	vadd.f32 v0, v27  }
0x2be: {  	v50 =	vadd.f32 v46, v7;
	v36 =	vld [tilespmem:s20+$0xCA0];
	[tilespmem:s21+$0x1810] =	vst v45  }
0x2bf: {  	v46 =	vadd.f32 v46, v22;
	v60 =	vld [tilespmem:s20+$0xCD0];
	[tilespmem:s22+$0x1810] =	vst v0  }
0x2c0: {  	v53 =	vadd.f32 v47, v8;
	[tilespmem:s20+$0x78D0] =	vst v50;
	v0 =	vld [tilespmem:s20+$0xC20]  }
0x2c1: {  	v47 =	vadd.f32 v47, v23;
	v56 =	vadd.f32 v35, v11;
	[tilespmem:s20+$0x88D0] =	vst v46  }
0x2c2: {  	v58 =	vadd.f32 v35, v26;
	v52 =	vadd.f32 v57, v10;
	[tilespmem:s20+$0x78E0] =	vst v53  }
0x2c3: {  	v44 =	vadd.f32 v57, v24;
	[tilespmem:s20+$0x88E0] =	vst v47;
	v61 =	vadd.f32 v36, v13  }
0x2c4: {  	v57 =	vld [tilespmem:s20+$0xCB0];
	[tilespmem:s20+$0x78F0] =	vst v52;
	v55 =	vadd.f32 v36, v29;
	v36 =	vadd.f32 v60, v28  }
0x2c5: {  	v35 =	vld [tilespmem:s20+$0xCC0];
	[tilespmem:s20+$0x88F0] =	vst v44;
	v38 =	vadd.f32 v60, v9;
	v60 =	vadd.f32 v0, v13  }
0x2c6: {  	v34 =	vld [tilespmem:s20+$0xCE0];
	[tilespmem:s20+$0x7C80] =	vst v56;
	v0 =	vadd.f32 v0, v29  }
0x2c7: {  	v62 =	vld [tilespmem:s20+$0xCF0];
	[tilespmem:s21+$0x1820] =	vst v60  }
0x2c8: {  	v59 =	vadd.f32 v54, v12;
	[tilespmem:s22+$0x1820] =	vst v0  }
0x2c9: {  	v54 =	vadd.f32 v54, v27;
	[tilespmem:s20+$0x8C80] =	vst v58;
	v0 =	vld [tilespmem:s20+$0xC30]  }
0x2ca: {  	[tilespmem:s20+$0x7C90] =	vst v59;
	v63 =	vadd.f32 v57, v15  }
0x2cb: {  	[tilespmem:s20+$0x8C90] =	vst v54;
	v57 =	vadd.f32 v57, v30;
	v33 =	vadd.f32 v34, v25  }
0x2cc: {  	s23 =	sadd.s32 $0x2, s23;
	v32 =	vadd.f32 v62, v16;
	v37 =	vadd.f32 v35, v31;
	[tilespmem:s20+$0x7CA0] =	vst v61  }
0x2cd: {  	p0 =	slt.u32 s23, $0xE;
	[tilespmem:s20+$0x8CA0] =	vst v55;
	v51 =	vadd.f32 v35, v14;
	v35 =	vadd.f32 v34, v4  }
.Ltmp3:
0x2ce: {  	[tilespmem:s20+$0x7CB0] =	vst v63;
	v34 =	vadd.f32 v62, v1;
	v62 =	vadd.f32 v0, v15;
	(pc) =	sbr.rel @p0 .LBB2_8-.Ltmp3, $4  }
0x2cf: {  	[tilespmem:s20+$0x8CB0] =	vst v57;
	v0 =	vadd.f32 v0, v30  }
0x2d0: {  	[tilespmem:s21+$0x1830] =	vst v62  }
0x2d1: {  	[tilespmem:s22+$0x1830] =	vst v0  }
0x2d2: {  	s25 =	sadd.s32 $0x200, s25;
	s24 =	sadd.s32 $0x100, s24;
	[tilespmem:s20+$0x7CC0] =	vst v51;
	v39 =	vld [tilespmem:s20+$0xC40]  }
0x2d3: {  	_ =	sdelay $0x3  }
0x2d4: {  	v0 =	vadd.f32 v39, v14  }
0x2d5: {  	v1 =	vadd.f32 v39, v31  }
0x2d6: {  	[tilespmem:s21+$0x1840] =	vst v0  }
0x2d7: {  	[tilespmem:s22+$0x1840] =	vst v1  }
0x2d8: {  	v0 =	vld [tilespmem:s20+$0xC50];
	_ =	sdelay $0x4  }
0x2d9: {  	v62 =	vadd.f32 v0, v9  }
0x2da: {  	v0 =	vadd.f32 v0, v28  }
0x2db: {  	[tilespmem:s21+$0x1850] =	vst v62  }
0x2dc: {  	[tilespmem:s22+$0x1850] =	vst v0  }
0x2dd: {  	v0 =	vld [tilespmem:s20+$0xC60];
	_ =	sdelay $0x1  }
0x2de: {  	[tilespmem:s20+$0x8CC0] =	vst v37  }
0x2df: {  	[tilespmem:s20+$0x7CD0] =	vst v38  }
0x2e0: {  	[tilespmem:s20+$0x8CD0] =	vst v36  }
0x2e1: {  	[tilespmem:s20+$0x7CE0] =	vst v35;
	v63 =	vadd.f32 v0, v4  }
0x2e2: {  	[tilespmem:s20+$0x8CE0] =	vst v33;
	v0 =	vadd.f32 v0, v25  }
0x2e3: {  	[tilespmem:s21+$0x1860] =	vst v63  }
0x2e4: {  	[tilespmem:s22+$0x1860] =	vst v0  }
0x2e5: {  	[tilespmem:s20+$0x7CF0] =	vst v34;
	v0 =	vld [tilespmem:s20+$0xC70]  }
0x2e6: {  	v1 =	vld [tilespmem:$0x1FF80];
	_ =	sdelay $0x4  }
0x2e7: {  	v1 =	vadd.f32 v0, v1  }
0x2e8: {  	[tilespmem:s20+$0x8CF0] =	vst v32;
	v0 =	vadd.f32 v0, v16  }
0x2e9: {  	[tilespmem:s21+$0x1870] =	vst v1  }
0x2ea: {  	[tilespmem:s22+$0x1870] =	vst v0  }
0x2eb: {  	[hbm4b:s8+s12] =	stream.strided.scatter [tilespmem:s17], [sflag:$0x2], $0x2000, s13, s12, $0x38;
	[tilespmem:$0x9800] =	vst v63  }
0x2ec: {  	_ =	swait.ge [sflag:s18], $0x2000  }
0x2ed: {  	[sflag:s18] =	ssyncset.done $0x0  }
0x2ee: {  	[sflag:s18] =	ssyncadd.s32 $0xFFFFE000  }
0x2ef: {  	_ =	swait.ge [sflag:s18], $0x2000  }
0x2f0: {  	[sflag:s18] =	ssyncset.done $0x0  }
0x2f1: {  	s19 =	sadd.s32 $0x1, s19;
	[sflag:s18] =	ssyncadd.s32 $0xFFFFE000  }
0x2f2: {  	p0 =	sne.s32 s19, s9;
	_ =	swait.ge [sflag:s18], $0x2000  }
.Ltmp4:
0x2f3: {  	[sflag:s18] =	ssyncset.done $0x0;
	(pc) =	sbr.rel @p0 .LBB2_1-.Ltmp4, $4  }
0x2f4: {  	[sflag:s18] =	ssyncadd.s32 $0xFFFFE000  }
0x2f5: {  	_ =	swait.ge [sflag:s18], $0x2000  }
0x2f6: {  	[sflag:s18] =	ssyncset.done $0x0  }
0x2f7: {  	[sflag:s18] =	ssyncadd.s32 $0xFFFFE000  }
0x2f8: {  	_ =	sfence.sel $0x180000  }
0x2f9: {  	[bflag:$0x0] =	sbarrier.arrive $0xFFFF  }
0x2fa: {  	p0 =	sne.s32 s2, $0x0;
	_ =	strace $0x90000047  }
0x2fb: {  	s0 =	sadd.s32 @!p0 $0x100000, s0;
	[bflag:$0x2] =	sbarrier.arrive $0xFFFF  }
0x2fc: {  	[sflag:s0] =	ssyncadd.tile.s32 @!p0 $0x1;
	_ =	shalt  }
.Lfunc_end2:
_tile_overlayer_lowered:
.L_overlay_start_2:
0x2fd: {  	(tag) =	ssettag $0x2  }
0x2fe: {  	s0 =	rddreg [dreg:$0x0];
	s2 =	stileid.u32  }
0x2ff: {  	s1 =	rddreg [dreg:$0x1];
	p0 =	sne.s32 s2, $0x0  }
0x300: {  	s3 =	rddreg [dreg:$0x2];
	[bflag:$0x3] =	sbarrier.arrive $0xFFFF;
	s2 =	simm.s32 @!p0 $0x1C03  }
0x301: {  	[timem:s3], [sflag:s2] =	dma.local @!p0 [hbm:s0], s1  }
0x302: {  	s0 =	simm.s32 @!p0 $0x3  }
0x303: {  	_ =	swait.ge @!p0 [sflag:s0], s1  }
0x304: {  	s1 =	ssub.s32 @!p0 $0x0, s1;
	[sflag:s0] =	ssyncset.done @!p0 $0x0  }
0x305: {  	[sflag:s0] =	ssyncadd.s32 @!p0 s1  }
0x306: {  	[bflag:$0x3] =	sbarrier.arrive $0xFFFF  }
0x307: {  	_ =	shalt  }

</sc_bundles>
